<compile_context>
chip_gen: v7x
topology: tpu7x:2x2x1
jax: 0.10.2.dev20260603
libtpu: 0.0.44.dev20260713+nightly
codegen_flags: <defaults>
</compile_context>

<pallas_src>
import functools

import jax
import jax.numpy as jnp
from jax import lax
from jax.experimental import pallas as pl
from jax.experimental.pallas import tpu as pltpu
from jax.experimental.pallas import tpu_sc as plsc

B = 16384
D = 64
NC = 2
NS = 16
NW = NC * NS
BPW = B // NW
CH = 128
L = 16
NBUF = 7
BLK = 512


def _pass_body(sids, perm, deep_t, wide_t, row_out,
               sid_vm, perm_vm, blk_s, sid_s, slot, wslot, row_v,
               sem_arr, base):
    pltpu.sync_copy(sids.at[pl.ds(base, BPW)], sid_vm)
    for j in range(BPW // CH):
        pltpu.sync_copy(perm.at[pl.ds(base + j * CH, CH)], perm_vm.at[j])

    def fill(k, carry):
        v16 = sid_vm[pl.ds(k * L, L)]
        for l in range(L):
            sid_s[k * L + l] = v16[l]
        return carry

    lax.fori_loop(0, BPW // L, fill, 0)

    def scan(b, carry):
        prev, nu = carry
        blk = lax.shift_right_logical(sid_s[b], 7)
        is_new = jnp.logical_or(b == 0, blk != prev)
        nu_new = jnp.where(is_new, nu + 1, nu)

        @pl.when(is_new)
        def _record():
            blk_s[nu] = blk

        return blk, nu_new

    _, nu = lax.fori_loop(0, BPW, scan, (jnp.int32(-1), jnp.int32(0)))

    def fire(k):
        off = pl.multiple_of(blk_s[k] * CH, CH)
        s = jnp.remainder(k, NBUF)
        pltpu.async_copy(deep_t.at[:, pl.ds(off, CH)], slot.at[s], sem_arr.at[s])
        pltpu.async_copy(wide_t.at[:, pl.ds(off, CH)], wslot.at[s], sem_arr.at[s])

    for j in range(NBUF):
        @pl.when(j < nu)
        def _prime():
            fire(jnp.int32(j))

    def body(b, carry):
        k, prev = carry
        blk = lax.shift_right_logical(sid_s[b], 7)
        is_new = jnp.logical_or(b == 0, blk != prev)
        k = jnp.where(is_new, k + 1, k)
        s = jnp.remainder(k, NBUF)

        @pl.when(is_new)
        def _advance():
            @pl.when(jnp.logical_and(k > 0, k + NBUF - 1 < nu))
            def _refill():
                fire(k + NBUF - 1)

            pltpu.make_async_copy(deep_t.at[:, pl.ds(0, CH)], slot.at[s], sem_arr.at[s]).wait()
            pltpu.make_async_copy(wide_t.at[:, pl.ds(0, CH)], wslot.at[s], sem_arr.at[s]).wait()

        c = jnp.bitwise_and(sid_s[b], CH - 1)
        cols = jnp.full((L,), c, jnp.int32)
        for kk in range(D // L):
            rows = lax.iota(jnp.int32, L) + (kk * L)
            row_v[b, pl.ds(kk * L, L)] = plsc.load_gather(slot.at[s], [rows, cols])
        wv = plsc.load_gather(wslot.at[s], [jnp.zeros((L,), jnp.int32), cols])
        row_v[b, pl.ds(D, L)] = wv
        return k, blk

    lax.fori_loop(0, BPW, body, (jnp.int32(-1), jnp.int32(-1)))

    copies = []
    for j in range(BPW // CH):
        copies.append(pltpu.async_copy(
            row_v.at[pl.ds(j * CH, CH)], row_out.at[perm_vm.at[j]], sem_arr.at[j]))
    for c in copies:
        c.wait()


def _sc_deep_body(su, pu, si, pi, deep_u, deep_i, wide_u, wide_i,
                  du_out, di_out,
                  sid_vm, perm_vm, blk_s, sid_s, slot, wslot, row_v, sem_arr):
    wid = lax.axis_index("s") * NC + lax.axis_index("c")
    base = wid * BPW
    _pass_body(su, pu, deep_u, wide_u, du_out,
               sid_vm, perm_vm, blk_s, sid_s, slot, wslot, row_v, sem_arr, base)
    _pass_body(si, pi, deep_i, wide_i, di_out,
               sid_vm, perm_vm, blk_s, sid_s, slot, wslot, row_v, sem_arr, base)


@functools.lru_cache(maxsize=1)
def _build_sc_deep():
    return functools.partial(
        pl.kernel,
        out_type=(
            jax.ShapeDtypeStruct((B, 2 * D), jnp.float32),
            jax.ShapeDtypeStruct((B, 2 * D), jnp.float32),
        ),
        mesh=plsc.VectorSubcoreMesh(
            core_axis_name="c", subcore_axis_name="s", num_cores=NC, num_subcores=NS
        ),
        scratch_types=(
            pltpu.VMEM((BPW,), jnp.int32),
            pltpu.VMEM((BPW // CH, CH), jnp.int32),
            pltpu.SMEM((BPW,), jnp.int32),
            pltpu.SMEM((BPW,), jnp.int32),
            pltpu.VMEM((NBUF, D, CH), jnp.float32),
            pltpu.VMEM((NBUF, 1, CH), jnp.float32),
            pltpu.VMEM((BPW, 2 * D), jnp.float32),
            pltpu.SemaphoreType.DMA((NBUF,)),
        ),
        compiler_params=pltpu.CompilerParams(
            use_tc_tiling_on_sc=True, needs_layout_passes=False),
    )(_sc_deep_body)


def _mlp_body(du_ref, di_ref, w0_ref, b0_ref, w1_ref, b1_ref,
              w2_ref, b2_ref, w3_ref, b3_ref, out_ref):
    du = du_ref[...]
    di = di_ref[...]
    x = jax.nn.relu(jnp.dot(du[:, :D], w0_ref[:D], preferred_element_type=jnp.float32)
                    + jnp.dot(di[:, :D], w0_ref[D:], preferred_element_type=jnp.float32)
                    + b0_ref[...])
    x = jax.nn.relu(jnp.dot(x, w1_ref[...], preferred_element_type=jnp.float32)
                    + b1_ref[...])
    x = jax.nn.relu(jnp.dot(x, w2_ref[...], preferred_element_type=jnp.float32)
                    + b2_ref[...])
    deep = jnp.dot(x, w3_ref[...], preferred_element_type=jnp.float32)
    out_ref[...] = deep[:, 0] + b3_ref[0, 0] + du[:, D] + di[:, D]


def _mlp_call(du, di, w0t, b0, w1, b1, w2, b2, w3, b3):
    full = lambda shape: pl.BlockSpec(shape, lambda i: (0,) * len(shape))
    return pl.pallas_call(
        _mlp_body,
        grid=(B // BLK,),
        in_specs=[
            pl.BlockSpec((BLK, 2 * D), lambda i: (i, 0)),
            pl.BlockSpec((BLK, 2 * D), lambda i: (i, 0)),
            full((128, 128)),
            full((1, 128)),
            full((128, 64)),
            full((1, 64)),
            full((64, 32)),
            full((1, 32)),
            full((32, 1)),
            full((1, 1)),
        ],
        out_specs=pl.BlockSpec((BLK,), lambda i: (i,)),
        out_shape=jax.ShapeDtypeStruct((B,), jnp.float32),
    )(du, di, w0t, b0, w1, b1, w2, b2, w3, b3)


def kernel(user_ids, item_ids, wide_user, wide_item, deep_user, deep_item,
           W0, b0, W1, b1, W2, b2, W3, b3):
    uids = user_ids.astype(jnp.int32)
    iids = item_ids.astype(jnp.int32)
    pos = lax.iota(jnp.int32, B)
    su, pu = lax.sort_key_val(uids, pos)
    si, pi = lax.sort_key_val(iids, pos)
    du, di = _build_sc_deep()(su, pu, si, pi,
                              deep_user.T, deep_item.T,
                              wide_user.T, wide_item.T)
    return _mlp_call(
        du, di,
        W0.T, b0.reshape(1, -1),
        W1.T, b1.reshape(1, -1),
        W2.T, b2.reshape(1, -1),
        W3.T, b3.reshape(1, 1),
    )

# --- scband reference (transcript-rebuilt; emitter-appended) ---
"""Pipeline reference for scband-wide-and-deep-model-72773925863816 (READ-ONLY COPY).

The authoritative reference and input builder live on the scoring server;
editing this copy changes nothing except your own understanding.
"""

import jax, jax.numpy as jnp
import numpy as np

N_USERS = 1000000
N_ITEMS = 1000000
D = 64
B = 16384
HIDDEN = [128, 64, 32]


def setup_inputs(seed: int = 0) -> dict:
    key = jax.random.key(seed)
    ks = jax.random.split(key, 16)
    inp = {}
    inp["user_ids"] = jax.random.randint(ks[0], (B,), 0, N_USERS, dtype=jnp.int32).astype(jnp.int64) if False else jax.random.randint(ks[0], (B,), 0, N_USERS)
    inp["item_ids"] = jax.random.randint(ks[1], (B,), 0, N_ITEMS)
    inp["wide_user"] = jax.random.normal(ks[2], (N_USERS, 1), dtype=jnp.float32) * 0.01
    inp["wide_item"] = jax.random.normal(ks[3], (N_ITEMS, 1), dtype=jnp.float32) * 0.01
    inp["deep_user"] = jax.random.normal(ks[4], (N_USERS, D), dtype=jnp.float32) * 0.01
    inp["deep_item"] = jax.random.normal(ks[5], (N_ITEMS, D), dtype=jnp.float32) * 0.01
    # MLP: (2D -> 128 -> 64 -> 32 -> 1), torch Linear convention W[out,in]
    layer_dims = []
    in_dim = 2 * D
    for h in HIDDEN:
        layer_dims.append((h, in_dim))
        in_dim = h
    layer_dims.append((1, in_dim))
    for i, (o, ii) in enumerate(layer_dims):
        scale = float(np.sqrt(6.0 / (o + ii)))
        inp[f"W{i}"] = jax.random.uniform(ks[6 + i], (o, ii), dtype=jnp.float32, minval=-scale, maxval=scale)
        inp[f"b{i}"] = jnp.zeros((o,), dtype=jnp.float32)
    return inp


def reference(user_ids, item_ids, wide_user, wide_item, deep_user, deep_item,
              W0, b0, W1, b1, W2, b2, W3, b3):
    # wide part
    wu = jnp.take(wide_user, user_ids, axis=0)
    wi = jnp.take(wide_item, item_ids, axis=0)
    wide_output = wu + wi  # [B, 1]
    # deep part
    du = jnp.take(deep_user, user_ids, axis=0)
    di = jnp.take(deep_item, item_ids, axis=0)
    x = jnp.concatenate([du, di], axis=-1)
    for (W, b) in [(W0, b0), (W1, b1), (W2, b2)]:
        x = jnp.dot(x, W.T) + b
        x = jax.nn.relu(x)
        # dropout is identity in eval mode
    deep_output = jnp.dot(x, W3.T) + b3  # [B, 1]
    output = wide_output + deep_output
    return jnp.squeeze(output, axis=-1)

if __name__ == "__main__":
    import jax
    _d = setup_inputs()
    print(jax.jit(kernel)(*tuple(_d.values())))

</pallas_src>

<mosaic_0001>
#map = affine_map<(d0, d1) -> (0)>
#map1 = affine_map<(d0, d1) -> (0, 0)>
module attributes {stable_mosaic.version = 14 : i64} {
  func.func @_sc_deep_body(%arg0: i32, %arg1: i32, %arg2: memref<16384xi32, #tpu.memory_space<hbm>>, %arg3: memref<16384xi32, #tpu.memory_space<hbm>>, %arg4: memref<16384xi32, #tpu.memory_space<hbm>>, %arg5: memref<16384xi32, #tpu.memory_space<hbm>>, %arg6: memref<64x1000000xf32, #tpu.memory_space<hbm>>, %arg7: memref<64x1000000xf32, #tpu.memory_space<hbm>>, %arg8: memref<1x1000000xf32, #tpu.memory_space<hbm>>, %arg9: memref<1x1000000xf32, #tpu.memory_space<hbm>>, %arg10: memref<16384x128xf32, #tpu.memory_space<hbm>>, %arg11: memref<16384x128xf32, #tpu.memory_space<hbm>>, %arg12: memref<512xi32, #tpu.memory_space<vmem>>, %arg13: memref<4x128xi32, #tpu.memory_space<vmem>>, %arg14: memref<512xi32, #tpu.memory_space<smem>>, %arg15: memref<512xi32, #tpu.memory_space<smem>>, %arg16: memref<7x64x128xf32, #tpu.memory_space<vmem>>, %arg17: memref<7x1x128xf32, #tpu.memory_space<vmem>>, %arg18: memref<512x128xf32, #tpu.memory_space<vmem>>, %arg19: memref<7x!tpu.dma_semaphore, #tpu.memory_space<semaphore_mem>>) attributes {dimension_semantics = [#tpu.dimension_semantics<core_parallel>, #tpu.dimension_semantics<subcore_parallel>], iteration_bounds = array<i64: 2, 16>, scalar_prefetch = 0 : i64, scratch_operands = 8 : i64, tpu.core_type = #tpu.core_type<sc_vector_subcore>, window_params = [{transform_indices = #map}, {transform_indices = #map}, {transform_indices = #map}, {transform_indices = #map}, {transform_indices = #map1}, {transform_indices = #map1}, {transform_indices = #map1}, {transform_indices = #map1}, {transform_indices = #map1}, {transform_indices = #map1}]} {
    %mul3A = arith.constant 2 : i32
    %mul3A_0 = arith.muli %arg1, %mul3A : i32
    %add3A = arith.addi %mul3A_0, %arg0 : i32
    %mul3A_1 = arith.constant 512 : i32
    %mul3A_2 = arith.muli %add3A, %mul3A_1 : i32
    "tpu.region"() ({
      %run_scoped3A_342 = tpu.sem_alloc : memref<!tpu.dma_semaphore, #tpu.memory_space<semaphore_mem>>
      %dma_start3A_343 = tpu.memref_slice %arg2[%mul3A_2] : memref<16384xi32, #tpu.memory_space<hbm>> -> memref<512xi32, #tpu.memory_space<hbm>>
      %dma_start3A_344 = tpu.memref_slice %arg2[%mul3A_2] : memref<16384xi32, #tpu.memory_space<hbm>> -> memref<512xi32, #tpu.memory_space<hbm>>
      tpu.enqueue_dma source(%dma_start3A_344 : memref<512xi32, #tpu.memory_space<hbm>>) target(%arg12 : memref<512xi32, #tpu.memory_space<vmem>>) target_semaphore(%run_scoped3A_342 : memref<!tpu.dma_semaphore, #tpu.memory_space<semaphore_mem>>)
      %dma_wait3A_345 = tpu.memref_slice %arg2[%mul3A_2] : memref<16384xi32, #tpu.memory_space<hbm>> -> memref<512xi32, #tpu.memory_space<hbm>>
      %dma_wait3A_346 = tpu.memref_slice %arg2[%mul3A_2] : memref<16384xi32, #tpu.memory_space<hbm>> -> memref<512xi32, #tpu.memory_space<hbm>>
      tpu.wait_dma2 semaphore(%run_scoped3A_342 : memref<!tpu.dma_semaphore, #tpu.memory_space<semaphore_mem>>) src(%dma_wait3A_346 : memref<512xi32, #tpu.memory_space<hbm>>) dst(%arg12 : memref<512xi32, #tpu.memory_space<vmem>>)
      tpu.yield
    }) : () -> ()
    %add3A_3 = arith.constant 0 : i32
    %add3A_4 = arith.addi %mul3A_2, %add3A_3 : i32
    %run_scoped3A = arith.constant 0 : i32
    "tpu.region"() ({
      %run_scoped3A_342 = tpu.sem_alloc : memref<!tpu.dma_semaphore, #tpu.memory_space<semaphore_mem>>
      %dma_start3A_343 = arith.constant 0 : i32
      %dma_start3A_344 = tpu.memref_slice %arg13[%run_scoped3A, %dma_start3A_343] : memref<4x128xi32, #tpu.memory_space<vmem>> -> memref<1x128xi32, #tpu.memory_space<vmem>>
      %dma_start3A_345 = tpu.memref_squeeze %dma_start3A_344 : memref<1x128xi32, #tpu.memory_space<vmem>> -> memref<128xi32, #tpu.memory_space<vmem>>
      %dma_start3A_346 = tpu.memref_slice %arg3[%add3A_4] : memref<16384xi32, #tpu.memory_space<hbm>> -> memref<128xi32, #tpu.memory_space<hbm>>
      %dma_start3A_347 = arith.constant 0 : i32
      %dma_start3A_348 = tpu.memref_slice %arg13[%run_scoped3A, %dma_start3A_347] : memref<4x128xi32, #tpu.memory_space<vmem>> -> memref<1x128xi32, #tpu.memory_space<vmem>>
      %dma_start3A_349 = tpu.memref_squeeze %dma_start3A_348 : memref<1x128xi32, #tpu.memory_space<vmem>> -> memref<128xi32, #tpu.memory_space<vmem>>
      %dma_start3A_350 = tpu.memref_slice %arg3[%add3A_4] : memref<16384xi32, #tpu.memory_space<hbm>> -> memref<128xi32, #tpu.memory_space<hbm>>
      tpu.enqueue_dma source(%dma_start3A_350 : memref<128xi32, #tpu.memory_space<hbm>>) target(%dma_start3A_349 : memref<128xi32, #tpu.memory_space<vmem>>) target_semaphore(%run_scoped3A_342 : memref<!tpu.dma_semaphore, #tpu.memory_space<semaphore_mem>>)
      %dma_wait3A_351 = arith.constant 0 : i32
      %dma_wait3A_352 = tpu.memref_slice %arg13[%run_scoped3A, %dma_wait3A_351] : memref<4x128xi32, #tpu.memory_space<vmem>> -> memref<1x128xi32, #tpu.memory_space<vmem>>
      %dma_wait3A_353 = tpu.memref_squeeze %dma_wait3A_352 : memref<1x128xi32, #tpu.memory_space<vmem>> -> memref<128xi32, #tpu.memory_space<vmem>>
      %dma_wait3A_354 = tpu.memref_slice %arg3[%add3A_4] : memref<16384xi32, #tpu.memory_space<hbm>> -> memref<128xi32, #tpu.memory_space<hbm>>
      %dma_wait3A_355 = arith.constant 0 : i32
      %dma_wait3A_356 = tpu.memref_slice %arg13[%run_scoped3A, %dma_wait3A_355] : memref<4x128xi32, #tpu.memory_space<vmem>> -> memref<1x128xi32, #tpu.memory_space<vmem>>
      %dma_wait3A_357 = tpu.memref_squeeze %dma_wait3A_356 : memref<1x128xi32, #tpu.memory_space<vmem>> -> memref<128xi32, #tpu.memory_space<vmem>>
      %dma_wait3A_358 = tpu.memref_slice %arg3[%add3A_4] : memref<16384xi32, #tpu.memory_space<hbm>> -> memref<128xi32, #tpu.memory_space<hbm>>
      tpu.wait_dma2 semaphore(%run_scoped3A_342 : memref<!tpu.dma_semaphore, #tpu.memory_space<semaphore_mem>>) src(%dma_wait3A_358 : memref<128xi32, #tpu.memory_space<hbm>>) dst(%dma_wait3A_357 : memref<128xi32, #tpu.memory_space<vmem>>)
      tpu.yield
    }) : () -> ()
    %add3A_5 = arith.constant 128 : i32
    %add3A_6 = arith.addi %mul3A_2, %add3A_5 : i32
    %run_scoped3A_7 = arith.constant 1 : i32
    "tpu.region"() ({
      %run_scoped3A_342 = tpu.sem_alloc : memref<!tpu.dma_semaphore, #tpu.memory_space<semaphore_mem>>
      %dma_start3A_343 = arith.constant 0 : i32
      %dma_start3A_344 = tpu.memref_slice %arg13[%run_scoped3A_7, %dma_start3A_343] : memref<4x128xi32, #tpu.memory_space<vmem>> -> memref<1x128xi32, #tpu.memory_space<vmem>>
      %dma_start3A_345 = tpu.memref_squeeze %dma_start3A_344 : memref<1x128xi32, #tpu.memory_space<vmem>> -> memref<128xi32, #tpu.memory_space<vmem>>
      %dma_start3A_346 = tpu.memref_slice %arg3[%add3A_6] : memref<16384xi32, #tpu.memory_space<hbm>> -> memref<128xi32, #tpu.memory_space<hbm>>
      %dma_start3A_347 = arith.constant 0 : i32
      %dma_start3A_348 = tpu.memref_slice %arg13[%run_scoped3A_7, %dma_start3A_347] : memref<4x128xi32, #tpu.memory_space<vmem>> -> memref<1x128xi32, #tpu.memory_space<vmem>>
      %dma_start3A_349 = tpu.memref_squeeze %dma_start3A_348 : memref<1x128xi32, #tpu.memory_space<vmem>> -> memref<128xi32, #tpu.memory_space<vmem>>
      %dma_start3A_350 = tpu.memref_slice %arg3[%add3A_6] : memref<16384xi32, #tpu.memory_space<hbm>> -> memref<128xi32, #tpu.memory_space<hbm>>
      tpu.enqueue_dma source(%dma_start3A_350 : memref<128xi32, #tpu.memory_space<hbm>>) target(%dma_start3A_349 : memref<128xi32, #tpu.memory_space<vmem>>) target_semaphore(%run_scoped3A_342 : memref<!tpu.dma_semaphore, #tpu.memory_space<semaphore_mem>>)
      %dma_wait3A_351 = arith.constant 0 : i32
      %dma_wait3A_352 = tpu.memref_slice %arg13[%run_scoped3A_7, %dma_wait3A_351] : memref<4x128xi32, #tpu.memory_space<vmem>> -> memref<1x128xi32, #tpu.memory_space<vmem>>
      %dma_wait3A_353 = tpu.memref_squeeze %dma_wait3A_352 : memref<1x128xi32, #tpu.memory_space<vmem>> -> memref<128xi32, #tpu.memory_space<vmem>>
      %dma_wait3A_354 = tpu.memref_slice %arg3[%add3A_6] : memref<16384xi32, #tpu.memory_space<hbm>> -> memref<128xi32, #tpu.memory_space<hbm>>
      %dma_wait3A_355 = arith.constant 0 : i32
      %dma_wait3A_356 = tpu.memref_slice %arg13[%run_scoped3A_7, %dma_wait3A_355] : memref<4x128xi32, #tpu.memory_space<vmem>> -> memref<1x128xi32, #tpu.memory_space<vmem>>
      %dma_wait3A_357 = tpu.memref_squeeze %dma_wait3A_356 : memref<1x128xi32, #tpu.memory_space<vmem>> -> memref<128xi32, #tpu.memory_space<vmem>>
      %dma_wait3A_358 = tpu.memref_slice %arg3[%add3A_6] : memref<16384xi32, #tpu.memory_space<hbm>> -> memref<128xi32, #tpu.memory_space<hbm>>
      tpu.wait_dma2 semaphore(%run_scoped3A_342 : memref<!tpu.dma_semaphore, #tpu.memory_space<semaphore_mem>>) src(%dma_wait3A_358 : memref<128xi32, #tpu.memory_space<hbm>>) dst(%dma_wait3A_357 : memref<128xi32, #tpu.memory_space<vmem>>)
      tpu.yield
    }) : () -> ()
    %add3A_8 = arith.constant 256 : i32
    %add3A_9 = arith.addi %mul3A_2, %add3A_8 : i32
    %run_scoped3A_10 = arith.constant 2 : i32
    "tpu.region"() ({
      %run_scoped3A_342 = tpu.sem_alloc : memref<!tpu.dma_semaphore, #tpu.memory_space<semaphore_mem>>
      %dma_start3A_343 = arith.constant 0 : i32
      %dma_start3A_344 = tpu.memref_slice %arg13[%run_scoped3A_10, %dma_start3A_343] : memref<4x128xi32, #tpu.memory_space<vmem>> -> memref<1x128xi32, #tpu.memory_space<vmem>>
      %dma_start3A_345 = tpu.memref_squeeze %dma_start3A_344 : memref<1x128xi32, #tpu.memory_space<vmem>> -> memref<128xi32, #tpu.memory_space<vmem>>
      %dma_start3A_346 = tpu.memref_slice %arg3[%add3A_9] : memref<16384xi32, #tpu.memory_space<hbm>> -> memref<128xi32, #tpu.memory_space<hbm>>
      %dma_start3A_347 = arith.constant 0 : i32
      %dma_start3A_348 = tpu.memref_slice %arg13[%run_scoped3A_10, %dma_start3A_347] : memref<4x128xi32, #tpu.memory_space<vmem>> -> memref<1x128xi32, #tpu.memory_space<vmem>>
      %dma_start3A_349 = tpu.memref_squeeze %dma_start3A_348 : memref<1x128xi32, #tpu.memory_space<vmem>> -> memref<128xi32, #tpu.memory_space<vmem>>
      %dma_start3A_350 = tpu.memref_slice %arg3[%add3A_9] : memref<16384xi32, #tpu.memory_space<hbm>> -> memref<128xi32, #tpu.memory_space<hbm>>
      tpu.enqueue_dma source(%dma_start3A_350 : memref<128xi32, #tpu.memory_space<hbm>>) target(%dma_start3A_349 : memref<128xi32, #tpu.memory_space<vmem>>) target_semaphore(%run_scoped3A_342 : memref<!tpu.dma_semaphore, #tpu.memory_space<semaphore_mem>>)
      %dma_wait3A_351 = arith.constant 0 : i32
      %dma_wait3A_352 = tpu.memref_slice %arg13[%run_scoped3A_10, %dma_wait3A_351] : memref<4x128xi32, #tpu.memory_space<vmem>> -> memref<1x128xi32, #tpu.memory_space<vmem>>
      %dma_wait3A_353 = tpu.memref_squeeze %dma_wait3A_352 : memref<1x128xi32, #tpu.memory_space<vmem>> -> memref<128xi32, #tpu.memory_space<vmem>>
      %dma_wait3A_354 = tpu.memref_slice %arg3[%add3A_9] : memref<16384xi32, #tpu.memory_space<hbm>> -> memref<128xi32, #tpu.memory_space<hbm>>
      %dma_wait3A_355 = arith.constant 0 : i32
      %dma_wait3A_356 = tpu.memref_slice %arg13[%run_scoped3A_10, %dma_wait3A_355] : memref<4x128xi32, #tpu.memory_space<vmem>> -> memref<1x128xi32, #tpu.memory_space<vmem>>
      %dma_wait3A_357 = tpu.memref_squeeze %dma_wait3A_356 : memref<1x128xi32, #tpu.memory_space<vmem>> -> memref<128xi32, #tpu.memory_space<vmem>>
      %dma_wait3A_358 = tpu.memref_slice %arg3[%add3A_9] : memref<16384xi32, #tpu.memory_space<hbm>> -> memref<128xi32, #tpu.memory_space<hbm>>
      tpu.wait_dma2 semaphore(%run_scoped3A_342 : memref<!tpu.dma_semaphore, #tpu.memory_space<semaphore_mem>>) src(%dma_wait3A_358 : memref<128xi32, #tpu.memory_space<hbm>>) dst(%dma_wait3A_357 : memref<128xi32, #tpu.memory_space<vmem>>)
      tpu.yield
    }) : () -> ()
    %add3A_11 = arith.constant 384 : i32
    %add3A_12 = arith.addi %mul3A_2, %add3A_11 : i32
    %run_scoped3A_13 = arith.constant 3 : i32
    "tpu.region"() ({
      %run_scoped3A_342 = tpu.sem_alloc : memref<!tpu.dma_semaphore, #tpu.memory_space<semaphore_mem>>
      %dma_start3A_343 = arith.constant 0 : i32
      %dma_start3A_344 = tpu.memref_slice %arg13[%run_scoped3A_13, %dma_start3A_343] : memref<4x128xi32, #tpu.memory_space<vmem>> -> memref<1x128xi32, #tpu.memory_space<vmem>>
      %dma_start3A_345 = tpu.memref_squeeze %dma_start3A_344 : memref<1x128xi32, #tpu.memory_space<vmem>> -> memref<128xi32, #tpu.memory_space<vmem>>
      %dma_start3A_346 = tpu.memref_slice %arg3[%add3A_12] : memref<16384xi32, #tpu.memory_space<hbm>> -> memref<128xi32, #tpu.memory_space<hbm>>
      %dma_start3A_347 = arith.constant 0 : i32
      %dma_start3A_348 = tpu.memref_slice %arg13[%run_scoped3A_13, %dma_start3A_347] : memref<4x128xi32, #tpu.memory_space<vmem>> -> memref<1x128xi32, #tpu.memory_space<vmem>>
      %dma_start3A_349 = tpu.memref_squeeze %dma_start3A_348 : memref<1x128xi32, #tpu.memory_space<vmem>> -> memref<128xi32, #tpu.memory_space<vmem>>
      %dma_start3A_350 = tpu.memref_slice %arg3[%add3A_12] : memref<16384xi32, #tpu.memory_space<hbm>> -> memref<128xi32, #tpu.memory_space<hbm>>
      tpu.enqueue_dma source(%dma_start3A_350 : memref<128xi32, #tpu.memory_space<hbm>>) target(%dma_start3A_349 : memref<128xi32, #tpu.memory_space<vmem>>) target_semaphore(%run_scoped3A_342 : memref<!tpu.dma_semaphore, #tpu.memory_space<semaphore_mem>>)
      %dma_wait3A_351 = arith.constant 0 : i32
      %dma_wait3A_352 = tpu.memref_slice %arg13[%run_scoped3A_13, %dma_wait3A_351] : memref<4x128xi32, #tpu.memory_space<vmem>> -> memref<1x128xi32, #tpu.memory_space<vmem>>
      %dma_wait3A_353 = tpu.memref_squeeze %dma_wait3A_352 : memref<1x128xi32, #tpu.memory_space<vmem>> -> memref<128xi32, #tpu.memory_space<vmem>>
      %dma_wait3A_354 = tpu.memref_slice %arg3[%add3A_12] : memref<16384xi32, #tpu.memory_space<hbm>> -> memref<128xi32, #tpu.memory_space<hbm>>
      %dma_wait3A_355 = arith.constant 0 : i32
      %dma_wait3A_356 = tpu.memref_slice %arg13[%run_scoped3A_13, %dma_wait3A_355] : memref<4x128xi32, #tpu.memory_space<vmem>> -> memref<1x128xi32, #tpu.memory_space<vmem>>
      %dma_wait3A_357 = tpu.memref_squeeze %dma_wait3A_356 : memref<1x128xi32, #tpu.memory_space<vmem>> -> memref<128xi32, #tpu.memory_space<vmem>>
      %dma_wait3A_358 = tpu.memref_slice %arg3[%add3A_12] : memref<16384xi32, #tpu.memory_space<hbm>> -> memref<128xi32, #tpu.memory_space<hbm>>
      tpu.wait_dma2 semaphore(%run_scoped3A_342 : memref<!tpu.dma_semaphore, #tpu.memory_space<semaphore_mem>>) src(%dma_wait3A_358 : memref<128xi32, #tpu.memory_space<hbm>>) dst(%dma_wait3A_357 : memref<128xi32, #tpu.memory_space<vmem>>)
      tpu.yield
    }) : () -> ()
    %scan3A = arith.constant 0 : i32
    %scan3A_14 = arith.constant 0 : i32
    %scan3A_15 = arith.constant 32 : i32
    %scan3A_16 = arith.addi %scan3A_14, %scan3A_15 : i32
    %scan3A_17 = arith.constant 1 : i32
    scf.for %scan3A_342 = %scan3A_14 to %scan3A_16 step %scan3A_17  : i32 {
      %mul3A_343 = arith.constant 16 : i32
      %mul3A_344 = arith.muli %scan3A_342, %mul3A_343 : i32
      %get3A = arith.index_cast %mul3A_344 : i32 to index
      %get3A_345 = tpu.vector_load %arg12[%get3A] {strides = array<i32>} : memref<512xi32, #tpu.memory_space<vmem>>, vector<16xi32>,
      %slice3A = vector.extract_strided_slice %get3A_345 {offsets = [0], sizes = [1], strides = [1]} : vector<16xi32> to vector<1xi32>
      %squeeze3A = vector.extract %slice3A[0] : i32 from vector<1xi32>
      %mul3A_346 = arith.constant 16 : i32
      %mul3A_347 = arith.muli %scan3A_342, %mul3A_346 : i32
      %add3A_348 = arith.constant 0 : i32
      %add3A_349 = arith.addi %mul3A_347, %add3A_348 : i32
      %swap3A = arith.index_cast %add3A_349 : i32 to index
      %swap3A_350 = memref.load %arg15[%swap3A] : memref<512xi32, #tpu.memory_space<smem>>
      memref.store %squeeze3A, %arg15[%swap3A] : memref<512xi32, #tpu.memory_space<smem>>
      %slice3A_351 = vector.extract_strided_slice %get3A_345 {offsets = [1], sizes = [1], strides = [1]} : vector<16xi32> to vector<1xi32>
      %squeeze3A_352 = vector.extract %slice3A_351[0] : i32 from vector<1xi32>
      %mul3A_353 = arith.constant 16 : i32
      %mul3A_354 = arith.muli %scan3A_342, %mul3A_353 : i32
      %add3A_355 = arith.constant 1 : i32
      %add3A_356 = arith.addi %mul3A_354, %add3A_355 : i32
      %swap3A_357 = arith.index_cast %add3A_356 : i32 to index
      %swap3A_358 = memref.load %arg15[%swap3A_357] : memref<512xi32, #tpu.memory_space<smem>>
      memref.store %squeeze3A_352, %arg15[%swap3A_357] : memref<512xi32, #tpu.memory_space<smem>>
      %slice3A_359 = vector.extract_strided_slice %get3A_345 {offsets = [2], sizes = [1], strides = [1]} : vector<16xi32> to vector<1xi32>
      %squeeze3A_360 = vector.extract %slice3A_359[0] : i32 from vector<1xi32>
      %mul3A_361 = arith.constant 16 : i32
      %mul3A_362 = arith.muli %scan3A_342, %mul3A_361 : i32
      %add3A_363 = arith.constant 2 : i32
      %add3A_364 = arith.addi %mul3A_362, %add3A_363 : i32
      %swap3A_365 = arith.index_cast %add3A_364 : i32 to index
      %swap3A_366 = memref.load %arg15[%swap3A_365] : memref<512xi32, #tpu.memory_space<smem>>
      memref.store %squeeze3A_360, %arg15[%swap3A_365] : memref<512xi32, #tpu.memory_space<smem>>
      %slice3A_367 = vector.extract_strided_slice %get3A_345 {offsets = [3], sizes = [1], strides = [1]} : vector<16xi32> to vector<1xi32>
      %squeeze3A_368 = vector.extract %slice3A_367[0] : i32 from vector<1xi32>
      %mul3A_369 = arith.constant 16 : i32
      %mul3A_370 = arith.muli %scan3A_342, %mul3A_369 : i32
      %add3A_371 = arith.constant 3 : i32
      %add3A_372 = arith.addi %mul3A_370, %add3A_371 : i32
      %swap3A_373 = arith.index_cast %add3A_372 : i32 to index
      %swap3A_374 = memref.load %arg15[%swap3A_373] : memref<512xi32, #tpu.memory_space<smem>>
      memref.store %squeeze3A_368, %arg15[%swap3A_373] : memref<512xi32, #tpu.memory_space<smem>>
      %slice3A_375 = vector.extract_strided_slice %get3A_345 {offsets = [4], sizes = [1], strides = [1]} : vector<16xi32> to vector<1xi32>
      %squeeze3A_376 = vector.extract %slice3A_375[0] : i32 from vector<1xi32>
      %mul3A_377 = arith.constant 16 : i32
      %mul3A_378 = arith.muli %scan3A_342, %mul3A_377 : i32
      %add3A_379 = arith.constant 4 : i32
      %add3A_380 = arith.addi %mul3A_378, %add3A_379 : i32
      %swap3A_381 = arith.index_cast %add3A_380 : i32 to index
      %swap3A_382 = memref.load %arg15[%swap3A_381] : memref<512xi32, #tpu.memory_space<smem>>
      memref.store %squeeze3A_376, %arg15[%swap3A_381] : memref<512xi32, #tpu.memory_space<smem>>
      %slice3A_383 = vector.extract_strided_slice %get3A_345 {offsets = [5], sizes = [1], strides = [1]} : vector<16xi32> to vector<1xi32>
      %squeeze3A_384 = vector.extract %slice3A_383[0] : i32 from vector<1xi32>
      %mul3A_385 = arith.constant 16 : i32
      %mul3A_386 = arith.muli %scan3A_342, %mul3A_385 : i32
      %add3A_387 = arith.constant 5 : i32
      %add3A_388 = arith.addi %mul3A_386, %add3A_387 : i32
      %swap3A_389 = arith.index_cast %add3A_388 : i32 to index
      %swap3A_390 = memref.load %arg15[%swap3A_389] : memref<512xi32, #tpu.memory_space<smem>>
      memref.store %squeeze3A_384, %arg15[%swap3A_389] : memref<512xi32, #tpu.memory_space<smem>>
      %slice3A_391 = vector.extract_strided_slice %get3A_345 {offsets = [6], sizes = [1], strides = [1]} : vector<16xi32> to vector<1xi32>
      %squeeze3A_392 = vector.extract %slice3A_391[0] : i32 from vector<1xi32>
      %mul3A_393 = arith.constant 16 : i32
      %mul3A_394 = arith.muli %scan3A_342, %mul3A_393 : i32
      %add3A_395 = arith.constant 6 : i32
      %add3A_396 = arith.addi %mul3A_394, %add3A_395 : i32
      %swap3A_397 = arith.index_cast %add3A_396 : i32 to index
      %swap3A_398 = memref.load %arg15[%swap3A_397] : memref<512xi32, #tpu.memory_space<smem>>
      memref.store %squeeze3A_392, %arg15[%swap3A_397] : memref<512xi32, #tpu.memory_space<smem>>
      %slice3A_399 = vector.extract_strided_slice %get3A_345 {offsets = [7], sizes = [1], strides = [1]} : vector<16xi32> to vector<1xi32>
      %squeeze3A_400 = vector.extract %slice3A_399[0] : i32 from vector<1xi32>
      %mul3A_401 = arith.constant 16 : i32
      %mul3A_402 = arith.muli %scan3A_342, %mul3A_401 : i32
      %add3A_403 = arith.constant 7 : i32
      %add3A_404 = arith.addi %mul3A_402, %add3A_403 : i32
      %swap3A_405 = arith.index_cast %add3A_404 : i32 to index
      %swap3A_406 = memref.load %arg15[%swap3A_405] : memref<512xi32, #tpu.memory_space<smem>>
      memref.store %squeeze3A_400, %arg15[%swap3A_405] : memref<512xi32, #tpu.memory_space<smem>>
      %slice3A_407 = vector.extract_strided_slice %get3A_345 {offsets = [8], sizes = [1], strides = [1]} : vector<16xi32> to vector<1xi32>
      %squeeze3A_408 = vector.extract %slice3A_407[0] : i32 from vector<1xi32>
      %mul3A_409 = arith.constant 16 : i32
      %mul3A_410 = arith.muli %scan3A_342, %mul3A_409 : i32
      %add3A_411 = arith.constant 8 : i32
      %add3A_412 = arith.addi %mul3A_410, %add3A_411 : i32
      %swap3A_413 = arith.index_cast %add3A_412 : i32 to index
      %swap3A_414 = memref.load %arg15[%swap3A_413] : memref<512xi32, #tpu.memory_space<smem>>
      memref.store %squeeze3A_408, %arg15[%swap3A_413] : memref<512xi32, #tpu.memory_space<smem>>
      %slice3A_415 = vector.extract_strided_slice %get3A_345 {offsets = [9], sizes = [1], strides = [1]} : vector<16xi32> to vector<1xi32>
      %squeeze3A_416 = vector.extract %slice3A_415[0] : i32 from vector<1xi32>
      %mul3A_417 = arith.constant 16 : i32
      %mul3A_418 = arith.muli %scan3A_342, %mul3A_417 : i32
      %add3A_419 = arith.constant 9 : i32
      %add3A_420 = arith.addi %mul3A_418, %add3A_419 : i32
      %swap3A_421 = arith.index_cast %add3A_420 : i32 to index
      %swap3A_422 = memref.load %arg15[%swap3A_421] : memref<512xi32, #tpu.memory_space<smem>>
      memref.store %squeeze3A_416, %arg15[%swap3A_421] : memref<512xi32, #tpu.memory_space<smem>>
      %slice3A_423 = vector.extract_strided_slice %get3A_345 {offsets = [10], sizes = [1], strides = [1]} : vector<16xi32> to vector<1xi32>
      %squeeze3A_424 = vector.extract %slice3A_423[0] : i32 from vector<1xi32>
      %mul3A_425 = arith.constant 16 : i32
      %mul3A_426 = arith.muli %scan3A_342, %mul3A_425 : i32
      %add3A_427 = arith.constant 10 : i32
      %add3A_428 = arith.addi %mul3A_426, %add3A_427 : i32
      %swap3A_429 = arith.index_cast %add3A_428 : i32 to index
      %swap3A_430 = memref.load %arg15[%swap3A_429] : memref<512xi32, #tpu.memory_space<smem>>
      memref.store %squeeze3A_424, %arg15[%swap3A_429] : memref<512xi32, #tpu.memory_space<smem>>
      %slice3A_431 = vector.extract_strided_slice %get3A_345 {offsets = [11], sizes = [1], strides = [1]} : vector<16xi32> to vector<1xi32>
      %squeeze3A_432 = vector.extract %slice3A_431[0] : i32 from vector<1xi32>
      %mul3A_433 = arith.constant 16 : i32
      %mul3A_434 = arith.muli %scan3A_342, %mul3A_433 : i32
      %add3A_435 = arith.constant 11 : i32
      %add3A_436 = arith.addi %mul3A_434, %add3A_435 : i32
      %swap3A_437 = arith.index_cast %add3A_436 : i32 to index
      %swap3A_438 = memref.load %arg15[%swap3A_437] : memref<512xi32, #tpu.memory_space<smem>>
      memref.store %squeeze3A_432, %arg15[%swap3A_437] : memref<512xi32, #tpu.memory_space<smem>>
      %slice3A_439 = vector.extract_strided_slice %get3A_345 {offsets = [12], sizes = [1], strides = [1]} : vector<16xi32> to vector<1xi32>
      %squeeze3A_440 = vector.extract %slice3A_439[0] : i32 from vector<1xi32>
      %mul3A_441 = arith.constant 16 : i32
      %mul3A_442 = arith.muli %scan3A_342, %mul3A_441 : i32
      %add3A_443 = arith.constant 12 : i32
      %add3A_444 = arith.addi %mul3A_442, %add3A_443 : i32
      %swap3A_445 = arith.index_cast %add3A_444 : i32 to index
      %swap3A_446 = memref.load %arg15[%swap3A_445] : memref<512xi32, #tpu.memory_space<smem>>
      memref.store %squeeze3A_440, %arg15[%swap3A_445] : memref<512xi32, #tpu.memory_space<smem>>
      %slice3A_447 = vector.extract_strided_slice %get3A_345 {offsets = [13], sizes = [1], strides = [1]} : vector<16xi32> to vector<1xi32>
      %squeeze3A_448 = vector.extract %slice3A_447[0] : i32 from vector<1xi32>
      %mul3A_449 = arith.constant 16 : i32
      %mul3A_450 = arith.muli %scan3A_342, %mul3A_449 : i32
      %add3A_451 = arith.constant 13 : i32
      %add3A_452 = arith.addi %mul3A_450, %add3A_451 : i32
      %swap3A_453 = arith.index_cast %add3A_452 : i32 to index
      %swap3A_454 = memref.load %arg15[%swap3A_453] : memref<512xi32, #tpu.memory_space<smem>>
      memref.store %squeeze3A_448, %arg15[%swap3A_453] : memref<512xi32, #tpu.memory_space<smem>>
      %slice3A_455 = vector.extract_strided_slice %get3A_345 {offsets = [14], sizes = [1], strides = [1]} : vector<16xi32> to vector<1xi32>
      %squeeze3A_456 = vector.extract %slice3A_455[0] : i32 from vector<1xi32>
      %mul3A_457 = arith.constant 16 : i32
      %mul3A_458 = arith.muli %scan3A_342, %mul3A_457 : i32
      %add3A_459 = arith.constant 14 : i32
      %add3A_460 = arith.addi %mul3A_458, %add3A_459 : i32
      %swap3A_461 = arith.index_cast %add3A_460 : i32 to index
      %swap3A_462 = memref.load %arg15[%swap3A_461] : memref<512xi32, #tpu.memory_space<smem>>
      memref.store %squeeze3A_456, %arg15[%swap3A_461] : memref<512xi32, #tpu.memory_space<smem>>
      %slice3A_463 = vector.extract_strided_slice %get3A_345 {offsets = [15], sizes = [1], strides = [1]} : vector<16xi32> to vector<1xi32>
      %squeeze3A_464 = vector.extract %slice3A_463[0] : i32 from vector<1xi32>
      %mul3A_465 = arith.constant 16 : i32
      %mul3A_466 = arith.muli %scan3A_342, %mul3A_465 : i32
      %add3A_467 = arith.constant 15 : i32
      %add3A_468 = arith.addi %mul3A_466, %add3A_467 : i32
      %swap3A_469 = arith.index_cast %add3A_468 : i32 to index
      %swap3A_470 = memref.load %arg15[%swap3A_469] : memref<512xi32, #tpu.memory_space<smem>>
      memref.store %squeeze3A_464, %arg15[%swap3A_469] : memref<512xi32, #tpu.memory_space<smem>>
    }
    %scan3A_18 = arith.constant 32 : i32
    %scan3A_19 = arith.constant -1 : i32
    %scan3A_20 = arith.constant 0 : i32
    %scan3A_21 = arith.constant 0 : i32
    %scan3A_22 = arith.constant 512 : i32
    %scan3A_23 = arith.addi %scan3A_21, %scan3A_22 : i32
    %scan3A_24 = arith.constant 1 : i32
    %scan3A_25:2 = scf.for %scan3A_342 = %scan3A_21 to %scan3A_23 step %scan3A_24 iter_args(%scan3A_343 = %scan3A_19, %scan3A_344 = %scan3A_20) -> (i32, i32)  : i32 {
      %get3A = arith.index_cast %scan3A_342 : i32 to index
      %get3A_345 = memref.load %arg15[%get3A] : memref<512xi32, #tpu.memory_space<smem>>
      %shift_right_logical3A = arith.constant 7 : i32
      %shift_right_logical3A_346 = arith.shrui %get3A_345, %shift_right_logical3A : i32
      %eq3A = arith.constant 0 : i32
      %eq3A_347 = arith.cmpi eq, %scan3A_342, %eq3A : i32
      %ne3A = arith.cmpi ne, %shift_right_logical3A_346, %scan3A_343 : i32
      %or3A = arith.ori %eq3A_347, %ne3A : i1
      %add3A_348 = arith.constant 1 : i32
      %add3A_349 = arith.addi %scan3A_344, %add3A_348 : i32
      %select_n3A = arith.select %or3A, %add3A_349, %scan3A_344 : i32
      %convert_element_type3A_350 = arith.extui %or3A : i1 to i32
      %cond3A_351 = arith.constant 0 : i32
      %cond3A_352 = arith.cmpi ne, %convert_element_type3A_350, %cond3A_351 : i32
      scf.if %cond3A_352 {
        %swap3A = arith.index_cast %scan3A_344 : i32 to index
        %swap3A_353 = memref.load %arg14[%swap3A] : memref<512xi32, #tpu.memory_space<smem>>
        memref.store %shift_right_logical3A_346, %arg14[%swap3A] : memref<512xi32, #tpu.memory_space<smem>>
      } else {
      }
      scf.yield %shift_right_logical3A_346, %select_n3A : i32, i32
    }
    %scan3A_26 = arith.constant 512 : i32
    %gt3A = arith.constant 0 : i32
    %gt3A_27 = arith.cmpi sgt, %scan3A_25#1, %gt3A : i32
    %convert_element_type3A = arith.extui %gt3A_27 : i1 to i32
    %cond3A = arith.constant 0 : i32
    %cond3A_28 = arith.cmpi ne, %convert_element_type3A, %cond3A : i32
    scf.if %cond3A_28 {
      %get3A = arith.constant 0 : i32
      %get3A_342 = arith.index_cast %get3A : i32 to index
      %get3A_343 = memref.load %arg14[%get3A_342] : memref<512xi32, #tpu.memory_space<smem>>
      %mul3A_344 = arith.constant 128 : i32
      %mul3A_345 = arith.muli %get3A_343, %mul3A_344 : i32
      %multiple_of3A = tpu.assume_multiple %mul3A_345, 128 : i32
      %jit3A = arith.constant 0 : i32
      %jit3A_346 = arith.constant 7 : i32
      %eq3A = arith.constant 0 : i32
      %eq3A_347 = arith.cmpi eq, %jit3A_346, %eq3A : i32
      %jit3A_348 = arith.constant 1 : i32
      %select_n3A = arith.select %eq3A_347, %jit3A_348, %jit3A_346 : i32
      %rem3A = arith.remsi %jit3A, %select_n3A : i32
      %ne3A = arith.constant 0 : i32
      %ne3A_349 = arith.cmpi ne, %rem3A, %ne3A : i32
      %lt3A = arith.constant 0 : i32
      %lt3A_350 = arith.cmpi slt, %rem3A, %lt3A : i32
      %lt3A_351 = arith.constant 0 : i32
      %lt3A_352 = arith.cmpi slt, %select_n3A, %lt3A_351 : i32
      %ne3A_353 = arith.xori %lt3A_350, %lt3A_352 : i1
      %and3A = arith.andi %ne3A_353, %ne3A_349 : i1
      %add3A_354 = arith.addi %rem3A, %select_n3A : i32
      %select_n3A_355 = arith.select %and3A, %add3A_354, %rem3A : i32
      %dma_start3A_356 = arith.constant 0 : i32
      %dma_start3A_357 = arith.constant 0 : i32
      %dma_start3A_358 = tpu.memref_slice %arg16[%select_n3A_355, %dma_start3A_356, %dma_start3A_357] : memref<7x64x128xf32, #tpu.memory_space<vmem>> -> memref<1x64x128xf32, #tpu.memory_space<vmem>>
      %dma_start3A_359 = tpu.memref_squeeze %dma_start3A_358 : memref<1x64x128xf32, #tpu.memory_space<vmem>> -> memref<64x128xf32, #tpu.memory_space<vmem>>
      %dma_start3A_360 = arith.constant 0 : i32
      %dma_start3A_361 = tpu.memref_slice %arg6[%dma_start3A_360, %multiple_of3A] : memref<64x1000000xf32, #tpu.memory_space<hbm>> -> memref<64x128xf32, #tpu.memory_space<hbm>>
      %dma_start3A_362 = tpu.memref_slice %arg19[%select_n3A_355] : memref<7x!tpu.dma_semaphore, #tpu.memory_space<semaphore_mem>> -> memref<1x!tpu.dma_semaphore, #tpu.memory_space<semaphore_mem>>
      %dma_start3A_363 = tpu.memref_squeeze %dma_start3A_362 : memref<1x!tpu.dma_semaphore, #tpu.memory_space<semaphore_mem>> -> memref<!tpu.dma_semaphore, #tpu.memory_space<semaphore_mem>>
      %dma_start3A_364 = arith.constant 0 : i32
      %dma_start3A_365 = arith.constant 0 : i32
      %dma_start3A_366 = tpu.memref_slice %arg16[%select_n3A_355, %dma_start3A_364, %dma_start3A_365] : memref<7x64x128xf32, #tpu.memory_space<vmem>> -> memref<1x64x128xf32, #tpu.memory_space<vmem>>
      %dma_start3A_367 = tpu.memref_squeeze %dma_start3A_366 : memref<1x64x128xf32, #tpu.memory_space<vmem>> -> memref<64x128xf32, #tpu.memory_space<vmem>>
      %dma_start3A_368 = arith.constant 0 : i32
      %dma_start3A_369 = tpu.memref_slice %arg6[%dma_start3A_368, %multiple_of3A] : memref<64x1000000xf32, #tpu.memory_space<hbm>> -> memref<64x128xf32, #tpu.memory_space<hbm>>
      tpu.enqueue_dma source(%dma_start3A_369 : memref<64x128xf32, #tpu.memory_space<hbm>>) target(%dma_start3A_367 : memref<64x128xf32, #tpu.memory_space<vmem>>) target_semaphore(%dma_start3A_363 : memref<!tpu.dma_semaphore, #tpu.memory_space<semaphore_mem>>)
      %dma_start3A_370 = arith.constant 0 : i32
      %dma_start3A_371 = arith.constant 0 : i32
      %dma_start3A_372 = tpu.memref_slice %arg17[%select_n3A_355, %dma_start3A_370, %dma_start3A_371] : memref<7x1x128xf32, #tpu.memory_space<vmem>> -> memref<1x1x128xf32, #tpu.memory_space<vmem>>
      %dma_start3A_373 = tpu.memref_squeeze %dma_start3A_372 : memref<1x1x128xf32, #tpu.memory_space<vmem>> -> memref<1x128xf32, #tpu.memory_space<vmem>>
      %dma_start3A_374 = arith.constant 0 : i32
      %dma_start3A_375 = tpu.memref_slice %arg8[%dma_start3A_374, %multiple_of3A] : memref<1x1000000xf32, #tpu.memory_space<hbm>> -> memref<1x128xf32, #tpu.memory_space<hbm>>
      %dma_start3A_376 = tpu.memref_slice %arg19[%select_n3A_355] : memref<7x!tpu.dma_semaphore, #tpu.memory_space<semaphore_mem>> -> memref<1x!tpu.dma_semaphore, #tpu.memory_space<semaphore_mem>>
      %dma_start3A_377 = tpu.memref_squeeze %dma_start3A_376 : memref<1x!tpu.dma_semaphore, #tpu.memory_space<semaphore_mem>> -> memref<!tpu.dma_semaphore, #tpu.memory_space<semaphore_mem>>
      %dma_start3A_378 = arith.constant 0 : i32
      %dma_start3A_379 = arith.constant 0 : i32
      %dma_start3A_380 = tpu.memref_slice %arg17[%select_n3A_355, %dma_start3A_378, %dma_start3A_379] : memref<7x1x128xf32, #tpu.memory_space<vmem>> -> memref<1x1x128xf32, #tpu.memory_space<vmem>>
      %dma_start3A_381 = tpu.memref_squeeze %dma_start3A_380 : memref<1x1x128xf32, #tpu.memory_space<vmem>> -> memref<1x128xf32, #tpu.memory_space<vmem>>
      %dma_start3A_382 = arith.constant 0 : i32
      %dma_start3A_383 = tpu.memref_slice %arg8[%dma_start3A_382, %multiple_of3A] : memref<1x1000000xf32, #tpu.memory_space<hbm>> -> memref<1x128xf32, #tpu.memory_space<hbm>>
      tpu.enqueue_dma source(%dma_start3A_383 : memref<1x128xf32, #tpu.memory_space<hbm>>) target(%dma_start3A_381 : memref<1x128xf32, #tpu.memory_space<vmem>>) target_semaphore(%dma_start3A_377 : memref<!tpu.dma_semaphore, #tpu.memory_space<semaphore_mem>>)
    } else {
    }
    %gt3A_29 = arith.constant 1 : i32
    %gt3A_30 = arith.cmpi sgt, %scan3A_25#1, %gt3A_29 : i32
    %convert_element_type3A_31 = arith.extui %gt3A_30 : i1 to i32
    %cond3A_32 = arith.constant 0 : i32
    %cond3A_33 = arith.cmpi ne, %convert_element_type3A_31, %cond3A_32 : i32
    scf.if %cond3A_33 {
      %get3A = arith.constant 1 : i32
      %get3A_342 = arith.index_cast %get3A : i32 to index
      %get3A_343 = memref.load %arg14[%get3A_342] : memref<512xi32, #tpu.memory_space<smem>>
      %mul3A_344 = arith.constant 128 : i32
      %mul3A_345 = arith.muli %get3A_343, %mul3A_344 : i32
      %multiple_of3A = tpu.assume_multiple %mul3A_345, 128 : i32
      %jit3A = arith.constant 1 : i32
      %jit3A_346 = arith.constant 7 : i32
      %eq3A = arith.constant 0 : i32
      %eq3A_347 = arith.cmpi eq, %jit3A_346, %eq3A : i32
      %jit3A_348 = arith.constant 1 : i32
      %select_n3A = arith.select %eq3A_347, %jit3A_348, %jit3A_346 : i32
      %rem3A = arith.remsi %jit3A, %select_n3A : i32
      %ne3A = arith.constant 0 : i32
      %ne3A_349 = arith.cmpi ne, %rem3A, %ne3A : i32
      %lt3A = arith.constant 0 : i32
      %lt3A_350 = arith.cmpi slt, %rem3A, %lt3A : i32
      %lt3A_351 = arith.constant 0 : i32
      %lt3A_352 = arith.cmpi slt, %select_n3A, %lt3A_351 : i32
      %ne3A_353 = arith.xori %lt3A_350, %lt3A_352 : i1
      %and3A = arith.andi %ne3A_353, %ne3A_349 : i1
      %add3A_354 = arith.addi %rem3A, %select_n3A : i32
      %select_n3A_355 = arith.select %and3A, %add3A_354, %rem3A : i32
      %dma_start3A_356 = arith.constant 0 : i32
      %dma_start3A_357 = arith.constant 0 : i32
      %dma_start3A_358 = tpu.memref_slice %arg16[%select_n3A_355, %dma_start3A_356, %dma_start3A_357] : memref<7x64x128xf32, #tpu.memory_space<vmem>> -> memref<1x64x128xf32, #tpu.memory_space<vmem>>
      %dma_start3A_359 = tpu.memref_squeeze %dma_start3A_358 : memref<1x64x128xf32, #tpu.memory_space<vmem>> -> memref<64x128xf32, #tpu.memory_space<vmem>>
      %dma_start3A_360 = arith.constant 0 : i32
      %dma_start3A_361 = tpu.memref_slice %arg6[%dma_start3A_360, %multiple_of3A] : memref<64x1000000xf32, #tpu.memory_space<hbm>> -> memref<64x128xf32, #tpu.memory_space<hbm>>
      %dma_start3A_362 = tpu.memref_slice %arg19[%select_n3A_355] : memref<7x!tpu.dma_semaphore, #tpu.memory_space<semaphore_mem>> -> memref<1x!tpu.dma_semaphore, #tpu.memory_space<semaphore_mem>>
      %dma_start3A_363 = tpu.memref_squeeze %dma_start3A_362 : memref<1x!tpu.dma_semaphore, #tpu.memory_space<semaphore_mem>> -> memref<!tpu.dma_semaphore, #tpu.memory_space<semaphore_mem>>
      %dma_start3A_364 = arith.constant 0 : i32
      %dma_start3A_365 = arith.constant 0 : i32
      %dma_start3A_366 = tpu.memref_slice %arg16[%select_n3A_355, %dma_start3A_364, %dma_start3A_365] : memref<7x64x128xf32, #tpu.memory_space<vmem>> -> memref<1x64x128xf32, #tpu.memory_space<vmem>>
      %dma_start3A_367 = tpu.memref_squeeze %dma_start3A_366 : memref<1x64x128xf32, #tpu.memory_space<vmem>> -> memref<64x128xf32, #tpu.memory_space<vmem>>
      %dma_start3A_368 = arith.constant 0 : i32
      %dma_start3A_369 = tpu.memref_slice %arg6[%dma_start3A_368, %multiple_of3A] : memref<64x1000000xf32, #tpu.memory_space<hbm>> -> memref<64x128xf32, #tpu.memory_space<hbm>>
      tpu.enqueue_dma source(%dma_start3A_369 : memref<64x128xf32, #tpu.memory_space<hbm>>) target(%dma_start3A_367 : memref<64x128xf32, #tpu.memory_space<vmem>>) target_semaphore(%dma_start3A_363 : memref<!tpu.dma_semaphore, #tpu.memory_space<semaphore_mem>>)
      %dma_start3A_370 = arith.constant 0 : i32
      %dma_start3A_371 = arith.constant 0 : i32
      %dma_start3A_372 = tpu.memref_slice %arg17[%select_n3A_355, %dma_start3A_370, %dma_start3A_371] : memref<7x1x128xf32, #tpu.memory_space<vmem>> -> memref<1x1x128xf32, #tpu.memory_space<vmem>>
      %dma_start3A_373 = tpu.memref_squeeze %dma_start3A_372 : memref<1x1x128xf32, #tpu.memory_space<vmem>> -> memref<1x128xf32, #tpu.memory_space<vmem>>
      %dma_start3A_374 = arith.constant 0 : i32
      %dma_start3A_375 = tpu.memref_slice %arg8[%dma_start3A_374, %multiple_of3A] : memref<1x1000000xf32, #tpu.memory_space<hbm>> -> memref<1x128xf32, #tpu.memory_space<hbm>>
      %dma_start3A_376 = tpu.memref_slice %arg19[%select_n3A_355] : memref<7x!tpu.dma_semaphore, #tpu.memory_space<semaphore_mem>> -> memref<1x!tpu.dma_semaphore, #tpu.memory_space<semaphore_mem>>
      %dma_start3A_377 = tpu.memref_squeeze %dma_start3A_376 : memref<1x!tpu.dma_semaphore, #tpu.memory_space<semaphore_mem>> -> memref<!tpu.dma_semaphore, #tpu.memory_space<semaphore_mem>>
      %dma_start3A_378 = arith.constant 0 : i32
      %dma_start3A_379 = arith.constant 0 : i32
      %dma_start3A_380 = tpu.memref_slice %arg17[%select_n3A_355, %dma_start3A_378, %dma_start3A_379] : memref<7x1x128xf32, #tpu.memory_space<vmem>> -> memref<1x1x128xf32, #tpu.memory_space<vmem>>
      %dma_start3A_381 = tpu.memref_squeeze %dma_start3A_380 : memref<1x1x128xf32, #tpu.memory_space<vmem>> -> memref<1x128xf32, #tpu.memory_space<vmem>>
      %dma_start3A_382 = arith.constant 0 : i32
      %dma_start3A_383 = tpu.memref_slice %arg8[%dma_start3A_382, %multiple_of3A] : memref<1x1000000xf32, #tpu.memory_space<hbm>> -> memref<1x128xf32, #tpu.memory_space<hbm>>
      tpu.enqueue_dma source(%dma_start3A_383 : memref<1x128xf32, #tpu.memory_space<hbm>>) target(%dma_start3A_381 : memref<1x128xf32, #tpu.memory_space<vmem>>) target_semaphore(%dma_start3A_377 : memref<!tpu.dma_semaphore, #tpu.memory_space<semaphore_mem>>)
    } else {
    }
    %gt3A_34 = arith.constant 2 : i32
    %gt3A_35 = arith.cmpi sgt, %scan3A_25#1, %gt3A_34 : i32
    %convert_element_type3A_36 = arith.extui %gt3A_35 : i1 to i32
    %cond3A_37 = arith.constant 0 : i32
    %cond3A_38 = arith.cmpi ne, %convert_element_type3A_36, %cond3A_37 : i32
    scf.if %cond3A_38 {
      %get3A = arith.constant 2 : i32
      %get3A_342 = arith.index_cast %get3A : i32 to index
      %get3A_343 = memref.load %arg14[%get3A_342] : memref<512xi32, #tpu.memory_space<smem>>
      %mul3A_344 = arith.constant 128 : i32
      %mul3A_345 = arith.muli %get3A_343, %mul3A_344 : i32
      %multiple_of3A = tpu.assume_multiple %mul3A_345, 128 : i32
      %jit3A = arith.constant 2 : i32
      %jit3A_346 = arith.constant 7 : i32
      %eq3A = arith.constant 0 : i32
      %eq3A_347 = arith.cmpi eq, %jit3A_346, %eq3A : i32
      %jit3A_348 = arith.constant 1 : i32
      %select_n3A = arith.select %eq3A_347, %jit3A_348, %jit3A_346 : i32
      %rem3A = arith.remsi %jit3A, %select_n3A : i32
      %ne3A = arith.constant 0 : i32
      %ne3A_349 = arith.cmpi ne, %rem3A, %ne3A : i32
      %lt3A = arith.constant 0 : i32
      %lt3A_350 = arith.cmpi slt, %rem3A, %lt3A : i32
      %lt3A_351 = arith.constant 0 : i32
      %lt3A_352 = arith.cmpi slt, %select_n3A, %lt3A_351 : i32
      %ne3A_353 = arith.xori %lt3A_350, %lt3A_352 : i1
      %and3A = arith.andi %ne3A_353, %ne3A_349 : i1
      %add3A_354 = arith.addi %rem3A, %select_n3A : i32
      %select_n3A_355 = arith.select %and3A, %add3A_354, %rem3A : i32
      %dma_start3A_356 = arith.constant 0 : i32
      %dma_start3A_357 = arith.constant 0 : i32
      %dma_start3A_358 = tpu.memref_slice %arg16[%select_n3A_355, %dma_start3A_356, %dma_start3A_357] : memref<7x64x128xf32, #tpu.memory_space<vmem>> -> memref<1x64x128xf32, #tpu.memory_space<vmem>>
      %dma_start3A_359 = tpu.memref_squeeze %dma_start3A_358 : memref<1x64x128xf32, #tpu.memory_space<vmem>> -> memref<64x128xf32, #tpu.memory_space<vmem>>
      %dma_start3A_360 = arith.constant 0 : i32
      %dma_start3A_361 = tpu.memref_slice %arg6[%dma_start3A_360, %multiple_of3A] : memref<64x1000000xf32, #tpu.memory_space<hbm>> -> memref<64x128xf32, #tpu.memory_space<hbm>>
      %dma_start3A_362 = tpu.memref_slice %arg19[%select_n3A_355] : memref<7x!tpu.dma_semaphore, #tpu.memory_space<semaphore_mem>> -> memref<1x!tpu.dma_semaphore, #tpu.memory_space<semaphore_mem>>
      %dma_start3A_363 = tpu.memref_squeeze %dma_start3A_362 : memref<1x!tpu.dma_semaphore, #tpu.memory_space<semaphore_mem>> -> memref<!tpu.dma_semaphore, #tpu.memory_space<semaphore_mem>>
      %dma_start3A_364 = arith.constant 0 : i32
      %dma_start3A_365 = arith.constant 0 : i32
      %dma_start3A_366 = tpu.memref_slice %arg16[%select_n3A_355, %dma_start3A_364, %dma_start3A_365] : memref<7x64x128xf32, #tpu.memory_space<vmem>> -> memref<1x64x128xf32, #tpu.memory_space<vmem>>
      %dma_start3A_367 = tpu.memref_squeeze %dma_start3A_366 : memref<1x64x128xf32, #tpu.memory_space<vmem>> -> memref<64x128xf32, #tpu.memory_space<vmem>>
      %dma_start3A_368 = arith.constant 0 : i32
      %dma_start3A_369 = tpu.memref_slice %arg6[%dma_start3A_368, %multiple_of3A] : memref<64x1000000xf32, #tpu.memory_space<hbm>> -> memref<64x128xf32, #tpu.memory_space<hbm>>
      tpu.enqueue_dma source(%dma_start3A_369 : memref<64x128xf32, #tpu.memory_space<hbm>>) target(%dma_start3A_367 : memref<64x128xf32, #tpu.memory_space<vmem>>) target_semaphore(%dma_start3A_363 : memref<!tpu.dma_semaphore, #tpu.memory_space<semaphore_mem>>)
      %dma_start3A_370 = arith.constant 0 : i32
      %dma_start3A_371 = arith.constant 0 : i32
      %dma_start3A_372 = tpu.memref_slice %arg17[%select_n3A_355, %dma_start3A_370, %dma_start3A_371] : memref<7x1x128xf32, #tpu.memory_space<vmem>> -> memref<1x1x128xf32, #tpu.memory_space<vmem>>
      %dma_start3A_373 = tpu.memref_squeeze %dma_start3A_372 : memref<1x1x128xf32, #tpu.memory_space<vmem>> -> memref<1x128xf32, #tpu.memory_space<vmem>>
      %dma_start3A_374 = arith.constant 0 : i32
      %dma_start3A_375 = tpu.memref_slice %arg8[%dma_start3A_374, %multiple_of3A] : memref<1x1000000xf32, #tpu.memory_space<hbm>> -> memref<1x128xf32, #tpu.memory_space<hbm>>
      %dma_start3A_376 = tpu.memref_slice %arg19[%select_n3A_355] : memref<7x!tpu.dma_semaphore, #tpu.memory_space<semaphore_mem>> -> memref<1x!tpu.dma_semaphore, #tpu.memory_space<semaphore_mem>>
      %dma_start3A_377 = tpu.memref_squeeze %dma_start3A_376 : memref<1x!tpu.dma_semaphore, #tpu.memory_space<semaphore_mem>> -> memref<!tpu.dma_semaphore, #tpu.memory_space<semaphore_mem>>
      %dma_start3A_378 = arith.constant 0 : i32
      %dma_start3A_379 = arith.constant 0 : i32
      %dma_start3A_380 = tpu.memref_slice %arg17[%select_n3A_355, %dma_start3A_378, %dma_start3A_379] : memref<7x1x128xf32, #tpu.memory_space<vmem>> -> memref<1x1x128xf32, #tpu.memory_space<vmem>>
      %dma_start3A_381 = tpu.memref_squeeze %dma_start3A_380 : memref<1x1x128xf32, #tpu.memory_space<vmem>> -> memref<1x128xf32, #tpu.memory_space<vmem>>
      %dma_start3A_382 = arith.constant 0 : i32
      %dma_start3A_383 = tpu.memref_slice %arg8[%dma_start3A_382, %multiple_of3A] : memref<1x1000000xf32, #tpu.memory_space<hbm>> -> memref<1x128xf32, #tpu.memory_space<hbm>>
      tpu.enqueue_dma source(%dma_start3A_383 : memref<1x128xf32, #tpu.memory_space<hbm>>) target(%dma_start3A_381 : memref<1x128xf32, #tpu.memory_space<vmem>>) target_semaphore(%dma_start3A_377 : memref<!tpu.dma_semaphore, #tpu.memory_space<semaphore_mem>>)
    } else {
    }
    %gt3A_39 = arith.constant 3 : i32
    %gt3A_40 = arith.cmpi sgt, %scan3A_25#1, %gt3A_39 : i32
    %convert_element_type3A_41 = arith.extui %gt3A_40 : i1 to i32
    %cond3A_42 = arith.constant 0 : i32
    %cond3A_43 = arith.cmpi ne, %convert_element_type3A_41, %cond3A_42 : i32
    scf.if %cond3A_43 {
      %get3A = arith.constant 3 : i32
      %get3A_342 = arith.index_cast %get3A : i32 to index
      %get3A_343 = memref.load %arg14[%get3A_342] : memref<512xi32, #tpu.memory_space<smem>>
      %mul3A_344 = arith.constant 128 : i32
      %mul3A_345 = arith.muli %get3A_343, %mul3A_344 : i32
      %multiple_of3A = tpu.assume_multiple %mul3A_345, 128 : i32
      %jit3A = arith.constant 3 : i32
      %jit3A_346 = arith.constant 7 : i32
      %eq3A = arith.constant 0 : i32
      %eq3A_347 = arith.cmpi eq, %jit3A_346, %eq3A : i32
      %jit3A_348 = arith.constant 1 : i32
      %select_n3A = arith.select %eq3A_347, %jit3A_348, %jit3A_346 : i32
      %rem3A = arith.remsi %jit3A, %select_n3A : i32
      %ne3A = arith.constant 0 : i32
      %ne3A_349 = arith.cmpi ne, %rem3A, %ne3A : i32
      %lt3A = arith.constant 0 : i32
      %lt3A_350 = arith.cmpi slt, %rem3A, %lt3A : i32
      %lt3A_351 = arith.constant 0 : i32
      %lt3A_352 = arith.cmpi slt, %select_n3A, %lt3A_351 : i32
      %ne3A_353 = arith.xori %lt3A_350, %lt3A_352 : i1
      %and3A = arith.andi %ne3A_353, %ne3A_349 : i1
      %add3A_354 = arith.addi %rem3A, %select_n3A : i32
      %select_n3A_355 = arith.select %and3A, %add3A_354, %rem3A : i32
      %dma_start3A_356 = arith.constant 0 : i32
      %dma_start3A_357 = arith.constant 0 : i32
      %dma_start3A_358 = tpu.memref_slice %arg16[%select_n3A_355, %dma_start3A_356, %dma_start3A_357] : memref<7x64x128xf32, #tpu.memory_space<vmem>> -> memref<1x64x128xf32, #tpu.memory_space<vmem>>
      %dma_start3A_359 = tpu.memref_squeeze %dma_start3A_358 : memref<1x64x128xf32, #tpu.memory_space<vmem>> -> memref<64x128xf32, #tpu.memory_space<vmem>>
      %dma_start3A_360 = arith.constant 0 : i32
      %dma_start3A_361 = tpu.memref_slice %arg6[%dma_start3A_360, %multiple_of3A] : memref<64x1000000xf32, #tpu.memory_space<hbm>> -> memref<64x128xf32, #tpu.memory_space<hbm>>
      %dma_start3A_362 = tpu.memref_slice %arg19[%select_n3A_355] : memref<7x!tpu.dma_semaphore, #tpu.memory_space<semaphore_mem>> -> memref<1x!tpu.dma_semaphore, #tpu.memory_space<semaphore_mem>>
      %dma_start3A_363 = tpu.memref_squeeze %dma_start3A_362 : memref<1x!tpu.dma_semaphore, #tpu.memory_space<semaphore_mem>> -> memref<!tpu.dma_semaphore, #tpu.memory_space<semaphore_mem>>
      %dma_start3A_364 = arith.constant 0 : i32
      %dma_start3A_365 = arith.constant 0 : i32
      %dma_start3A_366 = tpu.memref_slice %arg16[%select_n3A_355, %dma_start3A_364, %dma_start3A_365] : memref<7x64x128xf32, #tpu.memory_space<vmem>> -> memref<1x64x128xf32, #tpu.memory_space<vmem>>
      %dma_start3A_367 = tpu.memref_squeeze %dma_start3A_366 : memref<1x64x128xf32, #tpu.memory_space<vmem>> -> memref<64x128xf32, #tpu.memory_space<vmem>>
      %dma_start3A_368 = arith.constant 0 : i32
      %dma_start3A_369 = tpu.memref_slice %arg6[%dma_start3A_368, %multiple_of3A] : memref<64x1000000xf32, #tpu.memory_space<hbm>> -> memref<64x128xf32, #tpu.memory_space<hbm>>
      tpu.enqueue_dma source(%dma_start3A_369 : memref<64x128xf32, #tpu.memory_space<hbm>>) target(%dma_start3A_367 : memref<64x128xf32, #tpu.memory_space<vmem>>) target_semaphore(%dma_start3A_363 : memref<!tpu.dma_semaphore, #tpu.memory_space<semaphore_mem>>)
      %dma_start3A_370 = arith.constant 0 : i32
      %dma_start3A_371 = arith.constant 0 : i32
      %dma_start3A_372 = tpu.memref_slice %arg17[%select_n3A_355, %dma_start3A_370, %dma_start3A_371] : memref<7x1x128xf32, #tpu.memory_space<vmem>> -> memref<1x1x128xf32, #tpu.memory_space<vmem>>
      %dma_start3A_373 = tpu.memref_squeeze %dma_start3A_372 : memref<1x1x128xf32, #tpu.memory_space<vmem>> -> memref<1x128xf32, #tpu.memory_space<vmem>>
      %dma_start3A_374 = arith.constant 0 : i32
      %dma_start3A_375 = tpu.memref_slice %arg8[%dma_start3A_374, %multiple_of3A] : memref<1x1000000xf32, #tpu.memory_space<hbm>> -> memref<1x128xf32, #tpu.memory_space<hbm>>
      %dma_start3A_376 = tpu.memref_slice %arg19[%select_n3A_355] : memref<7x!tpu.dma_semaphore, #tpu.memory_space<semaphore_mem>> -> memref<1x!tpu.dma_semaphore, #tpu.memory_space<semaphore_mem>>
      %dma_start3A_377 = tpu.memref_squeeze %dma_start3A_376 : memref<1x!tpu.dma_semaphore, #tpu.memory_space<semaphore_mem>> -> memref<!tpu.dma_semaphore, #tpu.memory_space<semaphore_mem>>
      %dma_start3A_378 = arith.constant 0 : i32
      %dma_start3A_379 = arith.constant 0 : i32
      %dma_start3A_380 = tpu.memref_slice %arg17[%select_n3A_355, %dma_start3A_378, %dma_start3A_379] : memref<7x1x128xf32, #tpu.memory_space<vmem>> -> memref<1x1x128xf32, #tpu.memory_space<vmem>>
      %dma_start3A_381 = tpu.memref_squeeze %dma_start3A_380 : memref<1x1x128xf32, #tpu.memory_space<vmem>> -> memref<1x128xf32, #tpu.memory_space<vmem>>
      %dma_start3A_382 = arith.constant 0 : i32
      %dma_start3A_383 = tpu.memref_slice %arg8[%dma_start3A_382, %multiple_of3A] : memref<1x1000000xf32, #tpu.memory_space<hbm>> -> memref<1x128xf32, #tpu.memory_space<hbm>>
      tpu.enqueue_dma source(%dma_start3A_383 : memref<1x128xf32, #tpu.memory_space<hbm>>) target(%dma_start3A_381 : memref<1x128xf32, #tpu.memory_space<vmem>>) target_semaphore(%dma_start3A_377 : memref<!tpu.dma_semaphore, #tpu.memory_space<semaphore_mem>>)
    } else {
    }
    %gt3A_44 = arith.constant 4 : i32
    %gt3A_45 = arith.cmpi sgt, %scan3A_25#1, %gt3A_44 : i32
    %convert_element_type3A_46 = arith.extui %gt3A_45 : i1 to i32
    %cond3A_47 = arith.constant 0 : i32
    %cond3A_48 = arith.cmpi ne, %convert_element_type3A_46, %cond3A_47 : i32
    scf.if %cond3A_48 {
      %get3A = arith.constant 4 : i32
      %get3A_342 = arith.index_cast %get3A : i32 to index
      %get3A_343 = memref.load %arg14[%get3A_342] : memref<512xi32, #tpu.memory_space<smem>>
      %mul3A_344 = arith.constant 128 : i32
      %mul3A_345 = arith.muli %get3A_343, %mul3A_344 : i32
      %multiple_of3A = tpu.assume_multiple %mul3A_345, 128 : i32
      %jit3A = arith.constant 4 : i32
      %jit3A_346 = arith.constant 7 : i32
      %eq3A = arith.constant 0 : i32
      %eq3A_347 = arith.cmpi eq, %jit3A_346, %eq3A : i32
      %jit3A_348 = arith.constant 1 : i32
      %select_n3A = arith.select %eq3A_347, %jit3A_348, %jit3A_346 : i32
      %rem3A = arith.remsi %jit3A, %select_n3A : i32
      %ne3A = arith.constant 0 : i32
      %ne3A_349 = arith.cmpi ne, %rem3A, %ne3A : i32
      %lt3A = arith.constant 0 : i32
      %lt3A_350 = arith.cmpi slt, %rem3A, %lt3A : i32
      %lt3A_351 = arith.constant 0 : i32
      %lt3A_352 = arith.cmpi slt, %select_n3A, %lt3A_351 : i32
      %ne3A_353 = arith.xori %lt3A_350, %lt3A_352 : i1
      %and3A = arith.andi %ne3A_353, %ne3A_349 : i1
      %add3A_354 = arith.addi %rem3A, %select_n3A : i32
      %select_n3A_355 = arith.select %and3A, %add3A_354, %rem3A : i32
      %dma_start3A_356 = arith.constant 0 : i32
      %dma_start3A_357 = arith.constant 0 : i32
      %dma_start3A_358 = tpu.memref_slice %arg16[%select_n3A_355, %dma_start3A_356, %dma_start3A_357] : memref<7x64x128xf32, #tpu.memory_space<vmem>> -> memref<1x64x128xf32, #tpu.memory_space<vmem>>
      %dma_start3A_359 = tpu.memref_squeeze %dma_start3A_358 : memref<1x64x128xf32, #tpu.memory_space<vmem>> -> memref<64x128xf32, #tpu.memory_space<vmem>>
      %dma_start3A_360 = arith.constant 0 : i32
      %dma_start3A_361 = tpu.memref_slice %arg6[%dma_start3A_360, %multiple_of3A] : memref<64x1000000xf32, #tpu.memory_space<hbm>> -> memref<64x128xf32, #tpu.memory_space<hbm>>
      %dma_start3A_362 = tpu.memref_slice %arg19[%select_n3A_355] : memref<7x!tpu.dma_semaphore, #tpu.memory_space<semaphore_mem>> -> memref<1x!tpu.dma_semaphore, #tpu.memory_space<semaphore_mem>>
      %dma_start3A_363 = tpu.memref_squeeze %dma_start3A_362 : memref<1x!tpu.dma_semaphore, #tpu.memory_space<semaphore_mem>> -> memref<!tpu.dma_semaphore, #tpu.memory_space<semaphore_mem>>
      %dma_start3A_364 = arith.constant 0 : i32
      %dma_start3A_365 = arith.constant 0 : i32
      %dma_start3A_366 = tpu.memref_slice %arg16[%select_n3A_355, %dma_start3A_364, %dma_start3A_365] : memref<7x64x128xf32, #tpu.memory_space<vmem>> -> memref<1x64x128xf32, #tpu.memory_space<vmem>>
      %dma_start3A_367 = tpu.memref_squeeze %dma_start3A_366 : memref<1x64x128xf32, #tpu.memory_space<vmem>> -> memref<64x128xf32, #tpu.memory_space<vmem>>
      %dma_start3A_368 = arith.constant 0 : i32
      %dma_start3A_369 = tpu.memref_slice %arg6[%dma_start3A_368, %multiple_of3A] : memref<64x1000000xf32, #tpu.memory_space<hbm>> -> memref<64x128xf32, #tpu.memory_space<hbm>>
      tpu.enqueue_dma source(%dma_start3A_369 : memref<64x128xf32, #tpu.memory_space<hbm>>) target(%dma_start3A_367 : memref<64x128xf32, #tpu.memory_space<vmem>>) target_semaphore(%dma_start3A_363 : memref<!tpu.dma_semaphore, #tpu.memory_space<semaphore_mem>>)
      %dma_start3A_370 = arith.constant 0 : i32
      %dma_start3A_371 = arith.constant 0 : i32
      %dma_start3A_372 = tpu.memref_slice %arg17[%select_n3A_355, %dma_start3A_370, %dma_start3A_371] : memref<7x1x128xf32, #tpu.memory_space<vmem>> -> memref<1x1x128xf32, #tpu.memory_space<vmem>>
      %dma_start3A_373 = tpu.memref_squeeze %dma_start3A_372 : memref<1x1x128xf32, #tpu.memory_space<vmem>> -> memref<1x128xf32, #tpu.memory_space<vmem>>
      %dma_start3A_374 = arith.constant 0 : i32
      %dma_start3A_375 = tpu.memref_slice %arg8[%dma_start3A_374, %multiple_of3A] : memref<1x1000000xf32, #tpu.memory_space<hbm>> -> memref<1x128xf32, #tpu.memory_space<hbm>>
      %dma_start3A_376 = tpu.memref_slice %arg19[%select_n3A_355] : memref<7x!tpu.dma_semaphore, #tpu.memory_space<semaphore_mem>> -> memref<1x!tpu.dma_semaphore, #tpu.memory_space<semaphore_mem>>
      %dma_start3A_377 = tpu.memref_squeeze %dma_start3A_376 : memref<1x!tpu.dma_semaphore, #tpu.memory_space<semaphore_mem>> -> memref<!tpu.dma_semaphore, #tpu.memory_space<semaphore_mem>>
      %dma_start3A_378 = arith.constant 0 : i32
      %dma_start3A_379 = arith.constant 0 : i32
      %dma_start3A_380 = tpu.memref_slice %arg17[%select_n3A_355, %dma_start3A_378, %dma_start3A_379] : memref<7x1x128xf32, #tpu.memory_space<vmem>> -> memref<1x1x128xf32, #tpu.memory_space<vmem>>
      %dma_start3A_381 = tpu.memref_squeeze %dma_start3A_380 : memref<1x1x128xf32, #tpu.memory_space<vmem>> -> memref<1x128xf32, #tpu.memory_space<vmem>>
      %dma_start3A_382 = arith.constant 0 : i32
      %dma_start3A_383 = tpu.memref_slice %arg8[%dma_start3A_382, %multiple_of3A] : memref<1x1000000xf32, #tpu.memory_space<hbm>> -> memref<1x128xf32, #tpu.memory_space<hbm>>
      tpu.enqueue_dma source(%dma_start3A_383 : memref<1x128xf32, #tpu.memory_space<hbm>>) target(%dma_start3A_381 : memref<1x128xf32, #tpu.memory_space<vmem>>) target_semaphore(%dma_start3A_377 : memref<!tpu.dma_semaphore, #tpu.memory_space<semaphore_mem>>)
    } else {
    }
    %gt3A_49 = arith.constant 5 : i32
    %gt3A_50 = arith.cmpi sgt, %scan3A_25#1, %gt3A_49 : i32
    %convert_element_type3A_51 = arith.extui %gt3A_50 : i1 to i32
    %cond3A_52 = arith.constant 0 : i32
    %cond3A_53 = arith.cmpi ne, %convert_element_type3A_51, %cond3A_52 : i32
    scf.if %cond3A_53 {
      %get3A = arith.constant 5 : i32
      %get3A_342 = arith.index_cast %get3A : i32 to index
      %get3A_343 = memref.load %arg14[%get3A_342] : memref<512xi32, #tpu.memory_space<smem>>
      %mul3A_344 = arith.constant 128 : i32
      %mul3A_345 = arith.muli %get3A_343, %mul3A_344 : i32
      %multiple_of3A = tpu.assume_multiple %mul3A_345, 128 : i32
      %jit3A = arith.constant 5 : i32
      %jit3A_346 = arith.constant 7 : i32
      %eq3A = arith.constant 0 : i32
      %eq3A_347 = arith.cmpi eq, %jit3A_346, %eq3A : i32
      %jit3A_348 = arith.constant 1 : i32
      %select_n3A = arith.select %eq3A_347, %jit3A_348, %jit3A_346 : i32
      %rem3A = arith.remsi %jit3A, %select_n3A : i32
      %ne3A = arith.constant 0 : i32
      %ne3A_349 = arith.cmpi ne, %rem3A, %ne3A : i32
      %lt3A = arith.constant 0 : i32
      %lt3A_350 = arith.cmpi slt, %rem3A, %lt3A : i32
      %lt3A_351 = arith.constant 0 : i32
      %lt3A_352 = arith.cmpi slt, %select_n3A, %lt3A_351 : i32
      %ne3A_353 = arith.xori %lt3A_350, %lt3A_352 : i1
      %and3A = arith.andi %ne3A_353, %ne3A_349 : i1
      %add3A_354 = arith.addi %rem3A, %select_n3A : i32
      %select_n3A_355 = arith.select %and3A, %add3A_354, %rem3A : i32
      %dma_start3A_356 = arith.constant 0 : i32
      %dma_start3A_357 = arith.constant 0 : i32
      %dma_start3A_358 = tpu.memref_slice %arg16[%select_n3A_355, %dma_start3A_356, %dma_start3A_357] : memref<7x64x128xf32, #tpu.memory_space<vmem>> -> memref<1x64x128xf32, #tpu.memory_space<vmem>>
      %dma_start3A_359 = tpu.memref_squeeze %dma_start3A_358 : memref<1x64x128xf32, #tpu.memory_space<vmem>> -> memref<64x128xf32, #tpu.memory_space<vmem>>
      %dma_start3A_360 = arith.constant 0 : i32
      %dma_start3A_361 = tpu.memref_slice %arg6[%dma_start3A_360, %multiple_of3A] : memref<64x1000000xf32, #tpu.memory_space<hbm>> -> memref<64x128xf32, #tpu.memory_space<hbm>>
      %dma_start3A_362 = tpu.memref_slice %arg19[%select_n3A_355] : memref<7x!tpu.dma_semaphore, #tpu.memory_space<semaphore_mem>> -> memref<1x!tpu.dma_semaphore, #tpu.memory_space<semaphore_mem>>
      %dma_start3A_363 = tpu.memref_squeeze %dma_start3A_362 : memref<1x!tpu.dma_semaphore, #tpu.memory_space<semaphore_mem>> -> memref<!tpu.dma_semaphore, #tpu.memory_space<semaphore_mem>>
      %dma_start3A_364 = arith.constant 0 : i32
      %dma_start3A_365 = arith.constant 0 : i32
      %dma_start3A_366 = tpu.memref_slice %arg16[%select_n3A_355, %dma_start3A_364, %dma_start3A_365] : memref<7x64x128xf32, #tpu.memory_space<vmem>> -> memref<1x64x128xf32, #tpu.memory_space<vmem>>
      %dma_start3A_367 = tpu.memref_squeeze %dma_start3A_366 : memref<1x64x128xf32, #tpu.memory_space<vmem>> -> memref<64x128xf32, #tpu.memory_space<vmem>>
      %dma_start3A_368 = arith.constant 0 : i32
      %dma_start3A_369 = tpu.memref_slice %arg6[%dma_start3A_368, %multiple_of3A] : memref<64x1000000xf32, #tpu.memory_space<hbm>> -> memref<64x128xf32, #tpu.memory_space<hbm>>
      tpu.enqueue_dma source(%dma_start3A_369 : memref<64x128xf32, #tpu.memory_space<hbm>>) target(%dma_start3A_367 : memref<64x128xf32, #tpu.memory_space<vmem>>) target_semaphore(%dma_start3A_363 : memref<!tpu.dma_semaphore, #tpu.memory_space<semaphore_mem>>)
      %dma_start3A_370 = arith.constant 0 : i32
      %dma_start3A_371 = arith.constant 0 : i32
      %dma_start3A_372 = tpu.memref_slice %arg17[%select_n3A_355, %dma_start3A_370, %dma_start3A_371] : memref<7x1x128xf32, #tpu.memory_space<vmem>> -> memref<1x1x128xf32, #tpu.memory_space<vmem>>
      %dma_start3A_373 = tpu.memref_squeeze %dma_start3A_372 : memref<1x1x128xf32, #tpu.memory_space<vmem>> -> memref<1x128xf32, #tpu.memory_space<vmem>>
      %dma_start3A_374 = arith.constant 0 : i32
      %dma_start3A_375 = tpu.memref_slice %arg8[%dma_start3A_374, %multiple_of3A] : memref<1x1000000xf32, #tpu.memory_space<hbm>> -> memref<1x128xf32, #tpu.memory_space<hbm>>
      %dma_start3A_376 = tpu.memref_slice %arg19[%select_n3A_355] : memref<7x!tpu.dma_semaphore, #tpu.memory_space<semaphore_mem>> -> memref<1x!tpu.dma_semaphore, #tpu.memory_space<semaphore_mem>>
      %dma_start3A_377 = tpu.memref_squeeze %dma_start3A_376 : memref<1x!tpu.dma_semaphore, #tpu.memory_space<semaphore_mem>> -> memref<!tpu.dma_semaphore, #tpu.memory_space<semaphore_mem>>
      %dma_start3A_378 = arith.constant 0 : i32
      %dma_start3A_379 = arith.constant 0 : i32
      %dma_start3A_380 = tpu.memref_slice %arg17[%select_n3A_355, %dma_start3A_378, %dma_start3A_379] : memref<7x1x128xf32, #tpu.memory_space<vmem>> -> memref<1x1x128xf32, #tpu.memory_space<vmem>>
      %dma_start3A_381 = tpu.memref_squeeze %dma_start3A_380 : memref<1x1x128xf32, #tpu.memory_space<vmem>> -> memref<1x128xf32, #tpu.memory_space<vmem>>
      %dma_start3A_382 = arith.constant 0 : i32
      %dma_start3A_383 = tpu.memref_slice %arg8[%dma_start3A_382, %multiple_of3A] : memref<1x1000000xf32, #tpu.memory_space<hbm>> -> memref<1x128xf32, #tpu.memory_space<hbm>>
      tpu.enqueue_dma source(%dma_start3A_383 : memref<1x128xf32, #tpu.memory_space<hbm>>) target(%dma_start3A_381 : memref<1x128xf32, #tpu.memory_space<vmem>>) target_semaphore(%dma_start3A_377 : memref<!tpu.dma_semaphore, #tpu.memory_space<semaphore_mem>>)
    } else {
    }
    %gt3A_54 = arith.constant 6 : i32
    %gt3A_55 = arith.cmpi sgt, %scan3A_25#1, %gt3A_54 : i32
    %convert_element_type3A_56 = arith.extui %gt3A_55 : i1 to i32
    %cond3A_57 = arith.constant 0 : i32
    %cond3A_58 = arith.cmpi ne, %convert_element_type3A_56, %cond3A_57 : i32
    scf.if %cond3A_58 {
      %get3A = arith.constant 6 : i32
      %get3A_342 = arith.index_cast %get3A : i32 to index
      %get3A_343 = memref.load %arg14[%get3A_342] : memref<512xi32, #tpu.memory_space<smem>>
      %mul3A_344 = arith.constant 128 : i32
      %mul3A_345 = arith.muli %get3A_343, %mul3A_344 : i32
      %multiple_of3A = tpu.assume_multiple %mul3A_345, 128 : i32
      %jit3A = arith.constant 6 : i32
      %jit3A_346 = arith.constant 7 : i32
      %eq3A = arith.constant 0 : i32
      %eq3A_347 = arith.cmpi eq, %jit3A_346, %eq3A : i32
      %jit3A_348 = arith.constant 1 : i32
      %select_n3A = arith.select %eq3A_347, %jit3A_348, %jit3A_346 : i32
      %rem3A = arith.remsi %jit3A, %select_n3A : i32
      %ne3A = arith.constant 0 : i32
      %ne3A_349 = arith.cmpi ne, %rem3A, %ne3A : i32
      %lt3A = arith.constant 0 : i32
      %lt3A_350 = arith.cmpi slt, %rem3A, %lt3A : i32
      %lt3A_351 = arith.constant 0 : i32
      %lt3A_352 = arith.cmpi slt, %select_n3A, %lt3A_351 : i32
      %ne3A_353 = arith.xori %lt3A_350, %lt3A_352 : i1
      %and3A = arith.andi %ne3A_353, %ne3A_349 : i1
      %add3A_354 = arith.addi %rem3A, %select_n3A : i32
      %select_n3A_355 = arith.select %and3A, %add3A_354, %rem3A : i32
      %dma_start3A_356 = arith.constant 0 : i32
      %dma_start3A_357 = arith.constant 0 : i32
      %dma_start3A_358 = tpu.memref_slice %arg16[%select_n3A_355, %dma_start3A_356, %dma_start3A_357] : memref<7x64x128xf32, #tpu.memory_space<vmem>> -> memref<1x64x128xf32, #tpu.memory_space<vmem>>
      %dma_start3A_359 = tpu.memref_squeeze %dma_start3A_358 : memref<1x64x128xf32, #tpu.memory_space<vmem>> -> memref<64x128xf32, #tpu.memory_space<vmem>>
      %dma_start3A_360 = arith.constant 0 : i32
      %dma_start3A_361 = tpu.memref_slice %arg6[%dma_start3A_360, %multiple_of3A] : memref<64x1000000xf32, #tpu.memory_space<hbm>> -> memref<64x128xf32, #tpu.memory_space<hbm>>
      %dma_start3A_362 = tpu.memref_slice %arg19[%select_n3A_355] : memref<7x!tpu.dma_semaphore, #tpu.memory_space<semaphore_mem>> -> memref<1x!tpu.dma_semaphore, #tpu.memory_space<semaphore_mem>>
      %dma_start3A_363 = tpu.memref_squeeze %dma_start3A_362 : memref<1x!tpu.dma_semaphore, #tpu.memory_space<semaphore_mem>> -> memref<!tpu.dma_semaphore, #tpu.memory_space<semaphore_mem>>
      %dma_start3A_364 = arith.constant 0 : i32
      %dma_start3A_365 = arith.constant 0 : i32
      %dma_start3A_366 = tpu.memref_slice %arg16[%select_n3A_355, %dma_start3A_364, %dma_start3A_365] : memref<7x64x128xf32, #tpu.memory_space<vmem>> -> memref<1x64x128xf32, #tpu.memory_space<vmem>>
      %dma_start3A_367 = tpu.memref_squeeze %dma_start3A_366 : memref<1x64x128xf32, #tpu.memory_space<vmem>> -> memref<64x128xf32, #tpu.memory_space<vmem>>
      %dma_start3A_368 = arith.constant 0 : i32
      %dma_start3A_369 = tpu.memref_slice %arg6[%dma_start3A_368, %multiple_of3A] : memref<64x1000000xf32, #tpu.memory_space<hbm>> -> memref<64x128xf32, #tpu.memory_space<hbm>>
      tpu.enqueue_dma source(%dma_start3A_369 : memref<64x128xf32, #tpu.memory_space<hbm>>) target(%dma_start3A_367 : memref<64x128xf32, #tpu.memory_space<vmem>>) target_semaphore(%dma_start3A_363 : memref<!tpu.dma_semaphore, #tpu.memory_space<semaphore_mem>>)
      %dma_start3A_370 = arith.constant 0 : i32
      %dma_start3A_371 = arith.constant 0 : i32
      %dma_start3A_372 = tpu.memref_slice %arg17[%select_n3A_355, %dma_start3A_370, %dma_start3A_371] : memref<7x1x128xf32, #tpu.memory_space<vmem>> -> memref<1x1x128xf32, #tpu.memory_space<vmem>>
      %dma_start3A_373 = tpu.memref_squeeze %dma_start3A_372 : memref<1x1x128xf32, #tpu.memory_space<vmem>> -> memref<1x128xf32, #tpu.memory_space<vmem>>
      %dma_start3A_374 = arith.constant 0 : i32
      %dma_start3A_375 = tpu.memref_slice %arg8[%dma_start3A_374, %multiple_of3A] : memref<1x1000000xf32, #tpu.memory_space<hbm>> -> memref<1x128xf32, #tpu.memory_space<hbm>>
      %dma_start3A_376 = tpu.memref_slice %arg19[%select_n3A_355] : memref<7x!tpu.dma_semaphore, #tpu.memory_space<semaphore_mem>> -> memref<1x!tpu.dma_semaphore, #tpu.memory_space<semaphore_mem>>
      %dma_start3A_377 = tpu.memref_squeeze %dma_start3A_376 : memref<1x!tpu.dma_semaphore, #tpu.memory_space<semaphore_mem>> -> memref<!tpu.dma_semaphore, #tpu.memory_space<semaphore_mem>>
      %dma_start3A_378 = arith.constant 0 : i32
      %dma_start3A_379 = arith.constant 0 : i32
      %dma_start3A_380 = tpu.memref_slice %arg17[%select_n3A_355, %dma_start3A_378, %dma_start3A_379] : memref<7x1x128xf32, #tpu.memory_space<vmem>> -> memref<1x1x128xf32, #tpu.memory_space<vmem>>
      %dma_start3A_381 = tpu.memref_squeeze %dma_start3A_380 : memref<1x1x128xf32, #tpu.memory_space<vmem>> -> memref<1x128xf32, #tpu.memory_space<vmem>>
      %dma_start3A_382 = arith.constant 0 : i32
      %dma_start3A_383 = tpu.memref_slice %arg8[%dma_start3A_382, %multiple_of3A] : memref<1x1000000xf32, #tpu.memory_space<hbm>> -> memref<1x128xf32, #tpu.memory_space<hbm>>
      tpu.enqueue_dma source(%dma_start3A_383 : memref<1x128xf32, #tpu.memory_space<hbm>>) target(%dma_start3A_381 : memref<1x128xf32, #tpu.memory_space<vmem>>) target_semaphore(%dma_start3A_377 : memref<!tpu.dma_semaphore, #tpu.memory_space<semaphore_mem>>)
    } else {
    }
    %scan3A_59 = arith.constant -1 : i32
    %scan3A_60 = arith.constant -1 : i32
    %scan3A_61 = arith.constant 0 : i32
    %scan3A_62 = arith.constant 512 : i32
    %scan3A_63 = arith.addi %scan3A_61, %scan3A_62 : i32
    %scan3A_64 = arith.constant 1 : i32
    %scan3A_65:2 = scf.for %scan3A_342 = %scan3A_61 to %scan3A_63 step %scan3A_64 iter_args(%scan3A_343 = %scan3A_59, %scan3A_344 = %scan3A_60) -> (i32, i32)  : i32 {
      %get3A = arith.index_cast %scan3A_342 : i32 to index
      %get3A_345 = memref.load %arg15[%get3A] : memref<512xi32, #tpu.memory_space<smem>>
      %shift_right_logical3A = arith.constant 7 : i32
      %shift_right_logical3A_346 = arith.shrui %get3A_345, %shift_right_logical3A : i32
      %eq3A = arith.constant 0 : i32
      %eq3A_347 = arith.cmpi eq, %scan3A_342, %eq3A : i32
      %ne3A = arith.cmpi ne, %shift_right_logical3A_346, %scan3A_344 : i32
      %or3A = arith.ori %eq3A_347, %ne3A : i1
      %add3A_348 = arith.constant 1 : i32
      %add3A_349 = arith.addi %scan3A_343, %add3A_348 : i32
      %select_n3A = arith.select %or3A, %add3A_349, %scan3A_343 : i32
      %jit3A = arith.constant 7 : i32
      %eq3A_350 = arith.constant 0 : i32
      %eq3A_351 = arith.cmpi eq, %jit3A, %eq3A_350 : i32
      %jit3A_352 = arith.constant 1 : i32
      %select_n3A_353 = arith.select %eq3A_351, %jit3A_352, %jit3A : i32
      %rem3A = arith.remsi %select_n3A, %select_n3A_353 : i32
      %ne3A_354 = arith.constant 0 : i32
      %ne3A_355 = arith.cmpi ne, %rem3A, %ne3A_354 : i32
      %lt3A = arith.constant 0 : i32
      %lt3A_356 = arith.cmpi slt, %rem3A, %lt3A : i32
      %lt3A_357 = arith.constant 0 : i32
      %lt3A_358 = arith.cmpi slt, %select_n3A_353, %lt3A_357 : i32
      %ne3A_359 = arith.xori %lt3A_356, %lt3A_358 : i1
      %and3A = arith.andi %ne3A_359, %ne3A_355 : i1
      %add3A_360 = arith.addi %rem3A, %select_n3A_353 : i32
      %select_n3A_361 = arith.select %and3A, %add3A_360, %rem3A : i32
      %convert_element_type3A_362 = arith.extui %or3A : i1 to i32
      %cond3A_363 = arith.constant 0 : i32
      %cond3A_364 = arith.cmpi ne, %convert_element_type3A_362, %cond3A_363 : i32
      scf.if %cond3A_364 {
        %gt3A_424 = arith.constant 0 : i32
        %gt3A_425 = arith.cmpi sgt, %select_n3A, %gt3A_424 : i32
        %add3A_426 = arith.constant 7 : i32
        %add3A_427 = arith.addi %select_n3A, %add3A_426 : i32
        %sub3A = arith.constant 1 : i32
        %sub3A_428 = arith.subi %add3A_427, %sub3A : i32
        %lt3A_429 = arith.cmpi slt, %sub3A_428, %scan3A_25#1 : i32
        %and3A_430 = arith.andi %gt3A_425, %lt3A_429 : i1
        %convert_element_type3A_431 = arith.extui %and3A_430 : i1 to i32
        %cond3A_432 = arith.constant 0 : i32
        %cond3A_433 = arith.cmpi ne, %convert_element_type3A_431, %cond3A_432 : i32
        scf.if %cond3A_433 {
          %add3A_466 = arith.constant 7 : i32
          %add3A_467 = arith.addi %select_n3A, %add3A_466 : i32
          %sub3A_468 = arith.constant 1 : i32
          %sub3A_469 = arith.subi %add3A_467, %sub3A_468 : i32
          %get3A_470 = arith.index_cast %sub3A_469 : i32 to index
          %get3A_471 = memref.load %arg14[%get3A_470] : memref<512xi32, #tpu.memory_space<smem>>
          %mul3A_472 = arith.constant 128 : i32
          %mul3A_473 = arith.muli %get3A_471, %mul3A_472 : i32
          %multiple_of3A = tpu.assume_multiple %mul3A_473, 128 : i32
          %jit3A_474 = arith.constant 7 : i32
          %eq3A_475 = arith.constant 0 : i32
          %eq3A_476 = arith.cmpi eq, %jit3A_474, %eq3A_475 : i32
          %jit3A_477 = arith.constant 1 : i32
          %select_n3A_478 = arith.select %eq3A_476, %jit3A_477, %jit3A_474 : i32
          %rem3A_479 = arith.remsi %sub3A_469, %select_n3A_478 : i32
          %ne3A_480 = arith.constant 0 : i32
          %ne3A_481 = arith.cmpi ne, %rem3A_479, %ne3A_480 : i32
          %lt3A_482 = arith.constant 0 : i32
          %lt3A_483 = arith.cmpi slt, %rem3A_479, %lt3A_482 : i32
          %lt3A_484 = arith.constant 0 : i32
          %lt3A_485 = arith.cmpi slt, %select_n3A_478, %lt3A_484 : i32
          %ne3A_486 = arith.xori %lt3A_483, %lt3A_485 : i1
          %and3A_487 = arith.andi %ne3A_486, %ne3A_481 : i1
          %add3A_488 = arith.addi %rem3A_479, %select_n3A_478 : i32
          %select_n3A_489 = arith.select %and3A_487, %add3A_488, %rem3A_479 : i32
          %dma_start3A_490 = arith.constant 0 : i32
          %dma_start3A_491 = arith.constant 0 : i32
          %dma_start3A_492 = tpu.memref_slice %arg16[%select_n3A_489, %dma_start3A_490, %dma_start3A_491] : memref<7x64x128xf32, #tpu.memory_space<vmem>> -> memref<1x64x128xf32, #tpu.memory_space<vmem>>
          %dma_start3A_493 = tpu.memref_squeeze %dma_start3A_492 : memref<1x64x128xf32, #tpu.memory_space<vmem>> -> memref<64x128xf32, #tpu.memory_space<vmem>>
          %dma_start3A_494 = arith.constant 0 : i32
          %dma_start3A_495 = tpu.memref_slice %arg6[%dma_start3A_494, %multiple_of3A] : memref<64x1000000xf32, #tpu.memory_space<hbm>> -> memref<64x128xf32, #tpu.memory_space<hbm>>
          %dma_start3A_496 = tpu.memref_slice %arg19[%select_n3A_489] : memref<7x!tpu.dma_semaphore, #tpu.memory_space<semaphore_mem>> -> memref<1x!tpu.dma_semaphore, #tpu.memory_space<semaphore_mem>>
          %dma_start3A_497 = tpu.memref_squeeze %dma_start3A_496 : memref<1x!tpu.dma_semaphore, #tpu.memory_space<semaphore_mem>> -> memref<!tpu.dma_semaphore, #tpu.memory_space<semaphore_mem>>
          %dma_start3A_498 = arith.constant 0 : i32
          %dma_start3A_499 = arith.constant 0 : i32
          %dma_start3A_500 = tpu.memref_slice %arg16[%select_n3A_489, %dma_start3A_498, %dma_start3A_499] : memref<7x64x128xf32, #tpu.memory_space<vmem>> -> memref<1x64x128xf32, #tpu.memory_space<vmem>>
          %dma_start3A_501 = tpu.memref_squeeze %dma_start3A_500 : memref<1x64x128xf32, #tpu.memory_space<vmem>> -> memref<64x128xf32, #tpu.memory_space<vmem>>
          %dma_start3A_502 = arith.constant 0 : i32
          %dma_start3A_503 = tpu.memref_slice %arg6[%dma_start3A_502, %multiple_of3A] : memref<64x1000000xf32, #tpu.memory_space<hbm>> -> memref<64x128xf32, #tpu.memory_space<hbm>>
          tpu.enqueue_dma source(%dma_start3A_503 : memref<64x128xf32, #tpu.memory_space<hbm>>) target(%dma_start3A_501 : memref<64x128xf32, #tpu.memory_space<vmem>>) target_semaphore(%dma_start3A_497 : memref<!tpu.dma_semaphore, #tpu.memory_space<semaphore_mem>>)
          %dma_start3A_504 = arith.constant 0 : i32
          %dma_start3A_505 = arith.constant 0 : i32
          %dma_start3A_506 = tpu.memref_slice %arg17[%select_n3A_489, %dma_start3A_504, %dma_start3A_505] : memref<7x1x128xf32, #tpu.memory_space<vmem>> -> memref<1x1x128xf32, #tpu.memory_space<vmem>>
          %dma_start3A_507 = tpu.memref_squeeze %dma_start3A_506 : memref<1x1x128xf32, #tpu.memory_space<vmem>> -> memref<1x128xf32, #tpu.memory_space<vmem>>
          %dma_start3A_508 = arith.constant 0 : i32
          %dma_start3A_509 = tpu.memref_slice %arg8[%dma_start3A_508, %multiple_of3A] : memref<1x1000000xf32, #tpu.memory_space<hbm>> -> memref<1x128xf32, #tpu.memory_space<hbm>>
          %dma_start3A_510 = tpu.memref_slice %arg19[%select_n3A_489] : memref<7x!tpu.dma_semaphore, #tpu.memory_space<semaphore_mem>> -> memref<1x!tpu.dma_semaphore, #tpu.memory_space<semaphore_mem>>
          %dma_start3A_511 = tpu.memref_squeeze %dma_start3A_510 : memref<1x!tpu.dma_semaphore, #tpu.memory_space<semaphore_mem>> -> memref<!tpu.dma_semaphore, #tpu.memory_space<semaphore_mem>>
          %dma_start3A_512 = arith.constant 0 : i32
          %dma_start3A_513 = arith.constant 0 : i32
          %dma_start3A_514 = tpu.memref_slice %arg17[%select_n3A_489, %dma_start3A_512, %dma_start3A_513] : memref<7x1x128xf32, #tpu.memory_space<vmem>> -> memref<1x1x128xf32, #tpu.memory_space<vmem>>
          %dma_start3A_515 = tpu.memref_squeeze %dma_start3A_514 : memref<1x1x128xf32, #tpu.memory_space<vmem>> -> memref<1x128xf32, #tpu.memory_space<vmem>>
          %dma_start3A_516 = arith.constant 0 : i32
          %dma_start3A_517 = tpu.memref_slice %arg8[%dma_start3A_516, %multiple_of3A] : memref<1x1000000xf32, #tpu.memory_space<hbm>> -> memref<1x128xf32, #tpu.memory_space<hbm>>
          tpu.enqueue_dma source(%dma_start3A_517 : memref<1x128xf32, #tpu.memory_space<hbm>>) target(%dma_start3A_515 : memref<1x128xf32, #tpu.memory_space<vmem>>) target_semaphore(%dma_start3A_511 : memref<!tpu.dma_semaphore, #tpu.memory_space<semaphore_mem>>)
        } else {
        }
        %dma_wait3A_434 = arith.constant 0 : i32
        %dma_wait3A_435 = arith.constant 0 : i32
        %dma_wait3A_436 = tpu.memref_slice %arg16[%select_n3A_361, %dma_wait3A_434, %dma_wait3A_435] : memref<7x64x128xf32, #tpu.memory_space<vmem>> -> memref<1x64x128xf32, #tpu.memory_space<vmem>>
        %dma_wait3A_437 = tpu.memref_squeeze %dma_wait3A_436 : memref<1x64x128xf32, #tpu.memory_space<vmem>> -> memref<64x128xf32, #tpu.memory_space<vmem>>
        %dma_wait3A_438 = arith.constant 0 : i32
        %dma_wait3A_439 = arith.constant 0 : i32
        %dma_wait3A_440 = tpu.memref_slice %arg6[%dma_wait3A_438, %dma_wait3A_439] : memref<64x1000000xf32, #tpu.memory_space<hbm>> -> memref<64x128xf32, #tpu.memory_space<hbm>>
        %dma_wait3A_441 = tpu.memref_slice %arg19[%select_n3A_361] : memref<7x!tpu.dma_semaphore, #tpu.memory_space<semaphore_mem>> -> memref<1x!tpu.dma_semaphore, #tpu.memory_space<semaphore_mem>>
        %dma_wait3A_442 = tpu.memref_squeeze %dma_wait3A_441 : memref<1x!tpu.dma_semaphore, #tpu.memory_space<semaphore_mem>> -> memref<!tpu.dma_semaphore, #tpu.memory_space<semaphore_mem>>
        %dma_wait3A_443 = arith.constant 0 : i32
        %dma_wait3A_444 = arith.constant 0 : i32
        %dma_wait3A_445 = tpu.memref_slice %arg16[%select_n3A_361, %dma_wait3A_443, %dma_wait3A_444] : memref<7x64x128xf32, #tpu.memory_space<vmem>> -> memref<1x64x128xf32, #tpu.memory_space<vmem>>
        %dma_wait3A_446 = tpu.memref_squeeze %dma_wait3A_445 : memref<1x64x128xf32, #tpu.memory_space<vmem>> -> memref<64x128xf32, #tpu.memory_space<vmem>>
        %dma_wait3A_447 = arith.constant 0 : i32
        %dma_wait3A_448 = arith.constant 0 : i32
        %dma_wait3A_449 = tpu.memref_slice %arg6[%dma_wait3A_447, %dma_wait3A_448] : memref<64x1000000xf32, #tpu.memory_space<hbm>> -> memref<64x128xf32, #tpu.memory_space<hbm>>
        tpu.wait_dma2 semaphore(%dma_wait3A_442 : memref<!tpu.dma_semaphore, #tpu.memory_space<semaphore_mem>>) src(%dma_wait3A_449 : memref<64x128xf32, #tpu.memory_space<hbm>>) dst(%dma_wait3A_446 : memref<64x128xf32, #tpu.memory_space<vmem>>)
        %dma_wait3A_450 = arith.constant 0 : i32
        %dma_wait3A_451 = arith.constant 0 : i32
        %dma_wait3A_452 = tpu.memref_slice %arg17[%select_n3A_361, %dma_wait3A_450, %dma_wait3A_451] : memref<7x1x128xf32, #tpu.memory_space<vmem>> -> memref<1x1x128xf32, #tpu.memory_space<vmem>>
        %dma_wait3A_453 = tpu.memref_squeeze %dma_wait3A_452 : memref<1x1x128xf32, #tpu.memory_space<vmem>> -> memref<1x128xf32, #tpu.memory_space<vmem>>
        %dma_wait3A_454 = arith.constant 0 : i32
        %dma_wait3A_455 = arith.constant 0 : i32
        %dma_wait3A_456 = tpu.memref_slice %arg8[%dma_wait3A_454, %dma_wait3A_455] : memref<1x1000000xf32, #tpu.memory_space<hbm>> -> memref<1x128xf32, #tpu.memory_space<hbm>>
        %dma_wait3A_457 = tpu.memref_slice %arg19[%select_n3A_361] : memref<7x!tpu.dma_semaphore, #tpu.memory_space<semaphore_mem>> -> memref<1x!tpu.dma_semaphore, #tpu.memory_space<semaphore_mem>>
        %dma_wait3A_458 = tpu.memref_squeeze %dma_wait3A_457 : memref<1x!tpu.dma_semaphore, #tpu.memory_space<semaphore_mem>> -> memref<!tpu.dma_semaphore, #tpu.memory_space<semaphore_mem>>
        %dma_wait3A_459 = arith.constant 0 : i32
        %dma_wait3A_460 = arith.constant 0 : i32
        %dma_wait3A_461 = tpu.memref_slice %arg17[%select_n3A_361, %dma_wait3A_459, %dma_wait3A_460] : memref<7x1x128xf32, #tpu.memory_space<vmem>> -> memref<1x1x128xf32, #tpu.memory_space<vmem>>
        %dma_wait3A_462 = tpu.memref_squeeze %dma_wait3A_461 : memref<1x1x128xf32, #tpu.memory_space<vmem>> -> memref<1x128xf32, #tpu.memory_space<vmem>>
        %dma_wait3A_463 = arith.constant 0 : i32
        %dma_wait3A_464 = arith.constant 0 : i32
        %dma_wait3A_465 = tpu.memref_slice %arg8[%dma_wait3A_463, %dma_wait3A_464] : memref<1x1000000xf32, #tpu.memory_space<hbm>> -> memref<1x128xf32, #tpu.memory_space<hbm>>
        tpu.wait_dma2 semaphore(%dma_wait3A_458 : memref<!tpu.dma_semaphore, #tpu.memory_space<semaphore_mem>>) src(%dma_wait3A_465 : memref<1x128xf32, #tpu.memory_space<hbm>>) dst(%dma_wait3A_462 : memref<1x128xf32, #tpu.memory_space<vmem>>)
      } else {
      }
      %get3A_365 = arith.index_cast %scan3A_342 : i32 to index
      %get3A_366 = memref.load %arg15[%get3A_365] : memref<512xi32, #tpu.memory_space<smem>>
      %and3A_367 = arith.constant 127 : i32
      %and3A_368 = arith.andi %get3A_366, %and3A_367 : i32
      %broadcast_in_dim3A = vector.broadcast %and3A_368 : i32 to vector<16xi32>
      %iota3A = tpu.iota {dimensions = array<i32: 0>} : vector<16xi32>
      %add3A_369 = arith.constant 0 : i32
      %add3A_370 = vector.broadcast %add3A_369 : i32 to vector<16xi32>
      %add3A_371 = arith.addi %iota3A, %add3A_370 : vector<16xi32>
      %gather3A = arith.constant 0 : i32
      %gather3A_372 = arith.constant 0 : i32
      %gather3A_373 = tpu.memref_slice %arg16[%select_n3A_361, %gather3A, %gather3A_372] : memref<7x64x128xf32, #tpu.memory_space<vmem>> -> memref<1x64x128xf32, #tpu.memory_space<vmem>>
      %gather3A_374 = tpu.memref_squeeze %gather3A_373 : memref<1x64x128xf32, #tpu.memory_space<vmem>> -> memref<64x128xf32, #tpu.memory_space<vmem>>
      %gather3A_375 = tpu.vector_load_idx %gather3A_374[%add3A_371, %broadcast_in_dim3A] : memref<64x128xf32, #tpu.memory_space<vmem>>[vector<16xi32>, vector<16xi32>], vector<16xf32>,
      %swap3A = arith.index_cast %scan3A_342 : i32 to index
      %swap3A_376 = arith.constant 0 : index
      %swap3A_377 = tpu.vector_load %arg18[%swap3A, %swap3A_376] {strides = array<i32>} : memref<512x128xf32, #tpu.memory_space<vmem>>, vector<16xf32>,
      tpu.vector_store %arg18[%swap3A, %swap3A_376], %gather3A_375 {strides = array<i32>} : memref<512x128xf32, #tpu.memory_space<vmem>>, vector<16xf32>,
      %iota3A_378 = tpu.iota {dimensions = array<i32: 0>} : vector<16xi32>
      %add3A_379 = arith.constant 16 : i32
      %add3A_380 = vector.broadcast %add3A_379 : i32 to vector<16xi32>
      %add3A_381 = arith.addi %iota3A_378, %add3A_380 : vector<16xi32>
      %gather3A_382 = arith.constant 0 : i32
      %gather3A_383 = arith.constant 0 : i32
      %gather3A_384 = tpu.memref_slice %arg16[%select_n3A_361, %gather3A_382, %gather3A_383] : memref<7x64x128xf32, #tpu.memory_space<vmem>> -> memref<1x64x128xf32, #tpu.memory_space<vmem>>
      %gather3A_385 = tpu.memref_squeeze %gather3A_384 : memref<1x64x128xf32, #tpu.memory_space<vmem>> -> memref<64x128xf32, #tpu.memory_space<vmem>>
      %gather3A_386 = tpu.vector_load_idx %gather3A_385[%add3A_381, %broadcast_in_dim3A] : memref<64x128xf32, #tpu.memory_space<vmem>>[vector<16xi32>, vector<16xi32>], vector<16xf32>,
      %swap3A_387 = arith.index_cast %scan3A_342 : i32 to index
      %swap3A_388 = arith.constant 16 : index
      %swap3A_389 = tpu.vector_load %arg18[%swap3A_387, %swap3A_388] {strides = array<i32>} : memref<512x128xf32, #tpu.memory_space<vmem>>, vector<16xf32>,
      tpu.vector_store %arg18[%swap3A_387, %swap3A_388], %gather3A_386 {strides = array<i32>} : memref<512x128xf32, #tpu.memory_space<vmem>>, vector<16xf32>,
      %iota3A_390 = tpu.iota {dimensions = array<i32: 0>} : vector<16xi32>
      %add3A_391 = arith.constant 32 : i32
      %add3A_392 = vector.broadcast %add3A_391 : i32 to vector<16xi32>
      %add3A_393 = arith.addi %iota3A_390, %add3A_392 : vector<16xi32>
      %gather3A_394 = arith.constant 0 : i32
      %gather3A_395 = arith.constant 0 : i32
      %gather3A_396 = tpu.memref_slice %arg16[%select_n3A_361, %gather3A_394, %gather3A_395] : memref<7x64x128xf32, #tpu.memory_space<vmem>> -> memref<1x64x128xf32, #tpu.memory_space<vmem>>
      %gather3A_397 = tpu.memref_squeeze %gather3A_396 : memref<1x64x128xf32, #tpu.memory_space<vmem>> -> memref<64x128xf32, #tpu.memory_space<vmem>>
      %gather3A_398 = tpu.vector_load_idx %gather3A_397[%add3A_393, %broadcast_in_dim3A] : memref<64x128xf32, #tpu.memory_space<vmem>>[vector<16xi32>, vector<16xi32>], vector<16xf32>,
      %swap3A_399 = arith.index_cast %scan3A_342 : i32 to index
      %swap3A_400 = arith.constant 32 : index
      %swap3A_401 = tpu.vector_load %arg18[%swap3A_399, %swap3A_400] {strides = array<i32>} : memref<512x128xf32, #tpu.memory_space<vmem>>, vector<16xf32>,
      tpu.vector_store %arg18[%swap3A_399, %swap3A_400], %gather3A_398 {strides = array<i32>} : memref<512x128xf32, #tpu.memory_space<vmem>>, vector<16xf32>,
      %iota3A_402 = tpu.iota {dimensions = array<i32: 0>} : vector<16xi32>
      %add3A_403 = arith.constant 48 : i32
      %add3A_404 = vector.broadcast %add3A_403 : i32 to vector<16xi32>
      %add3A_405 = arith.addi %iota3A_402, %add3A_404 : vector<16xi32>
      %gather3A_406 = arith.constant 0 : i32
      %gather3A_407 = arith.constant 0 : i32
      %gather3A_408 = tpu.memref_slice %arg16[%select_n3A_361, %gather3A_406, %gather3A_407] : memref<7x64x128xf32, #tpu.memory_space<vmem>> -> memref<1x64x128xf32, #tpu.memory_space<vmem>>
      %gather3A_409 = tpu.memref_squeeze %gather3A_408 : memref<1x64x128xf32, #tpu.memory_space<vmem>> -> memref<64x128xf32, #tpu.memory_space<vmem>>
      %gather3A_410 = tpu.vector_load_idx %gather3A_409[%add3A_405, %broadcast_in_dim3A] : memref<64x128xf32, #tpu.memory_space<vmem>>[vector<16xi32>, vector<16xi32>], vector<16xf32>,
      %swap3A_411 = arith.index_cast %scan3A_342 : i32 to index
      %swap3A_412 = arith.constant 48 : index
      %swap3A_413 = tpu.vector_load %arg18[%swap3A_411, %swap3A_412] {strides = array<i32>} : memref<512x128xf32, #tpu.memory_space<vmem>>, vector<16xf32>,
      tpu.vector_store %arg18[%swap3A_411, %swap3A_412], %gather3A_410 {strides = array<i32>} : memref<512x128xf32, #tpu.memory_space<vmem>>, vector<16xf32>,
      %broadcast_in_dim3A_414 = arith.constant 0 : i32
      %broadcast_in_dim3A_415 = vector.broadcast %broadcast_in_dim3A_414 : i32 to vector<16xi32>
      %gather3A_416 = arith.constant 0 : i32
      %gather3A_417 = arith.constant 0 : i32
      %gather3A_418 = tpu.memref_slice %arg17[%select_n3A_361, %gather3A_416, %gather3A_417] : memref<7x1x128xf32, #tpu.memory_space<vmem>> -> memref<1x1x128xf32, #tpu.memory_space<vmem>>
      %gather3A_419 = tpu.memref_squeeze %gather3A_418 : memref<1x1x128xf32, #tpu.memory_space<vmem>> -> memref<1x128xf32, #tpu.memory_space<vmem>>
      %gather3A_420 = tpu.vector_load_idx %gather3A_419[%broadcast_in_dim3A_415, %broadcast_in_dim3A] : memref<1x128xf32, #tpu.memory_space<vmem>>[vector<16xi32>, vector<16xi32>], vector<16xf32>,
      %swap3A_421 = arith.index_cast %scan3A_342 : i32 to index
      %swap3A_422 = arith.constant 64 : index
      %swap3A_423 = tpu.vector_load %arg18[%swap3A_421, %swap3A_422] {strides = array<i32>} : memref<512x128xf32, #tpu.memory_space<vmem>>, vector<16xf32>,
      tpu.vector_store %arg18[%swap3A_421, %swap3A_422], %gather3A_420 {strides = array<i32>} : memref<512x128xf32, #tpu.memory_space<vmem>>, vector<16xf32>,
      scf.yield %select_n3A, %shift_right_logical3A_346 : i32, i32
    }
    %scan3A_66 = arith.constant 512 : i32
    %dma_start3A = arith.constant 0 : i32
    %dma_start3A_67 = arith.constant 0 : i32
    %dma_start3A_68 = arith.constant 0 : i32
    %dma_start3A_69 = arith.constant 0 : i32
    %dma_start3A_70 = tpu.memref_slice %arg18[%dma_start3A_68, %dma_start3A_69] : memref<512x128xf32, #tpu.memory_space<vmem>> -> memref<128x128xf32, #tpu.memory_space<vmem>>
    %dma_start3A_71 = arith.constant 0 : i32
    %dma_start3A_72 = tpu.memref_slice %arg13[%dma_start3A, %dma_start3A_71] : memref<4x128xi32, #tpu.memory_space<vmem>> -> memref<1x128xi32, #tpu.memory_space<vmem>>
    %dma_start3A_73 = tpu.memref_squeeze %dma_start3A_72 : memref<1x128xi32, #tpu.memory_space<vmem>> -> memref<128xi32, #tpu.memory_space<vmem>>
    %dma_start3A_74 = arith.constant 0 : i32
    %dma_start3A_75 = arith.constant 0 : i32
    %dma_start3A_76 = tpu.memref_slice %arg10[%dma_start3A_74, %dma_start3A_75] : memref<16384x128xf32, #tpu.memory_space<hbm>> -> memref<16384x128xf32, #tpu.memory_space<hbm>>
    %dma_start3A_77 = tpu.memref_slice %arg19[%dma_start3A_67] : memref<7x!tpu.dma_semaphore, #tpu.memory_space<semaphore_mem>> -> memref<1x!tpu.dma_semaphore, #tpu.memory_space<semaphore_mem>>
    %dma_start3A_78 = tpu.memref_squeeze %dma_start3A_77 : memref<1x!tpu.dma_semaphore, #tpu.memory_space<semaphore_mem>> -> memref<!tpu.dma_semaphore, #tpu.memory_space<semaphore_mem>>
    tpu.enqueue_indirect_dma source(%dma_start3A_70 : memref<128x128xf32, #tpu.memory_space<vmem>>) target(%dma_start3A_76 : memref<16384x128xf32, #tpu.memory_space<hbm>>) offsets(%dma_start3A_73 : memref<128xi32, #tpu.memory_space<vmem>>) semaphore(%dma_start3A_78 : memref<!tpu.dma_semaphore, #tpu.memory_space<semaphore_mem>>)
    %dma_start3A_79 = arith.constant 1 : i32
    %dma_start3A_80 = arith.constant 1 : i32
    %dma_start3A_81 = arith.constant 128 : i32
    %dma_start3A_82 = arith.constant 0 : i32
    %dma_start3A_83 = tpu.memref_slice %arg18[%dma_start3A_81, %dma_start3A_82] : memref<512x128xf32, #tpu.memory_space<vmem>> -> memref<128x128xf32, #tpu.memory_space<vmem>>
    %dma_start3A_84 = arith.constant 0 : i32
    %dma_start3A_85 = tpu.memref_slice %arg13[%dma_start3A_79, %dma_start3A_84] : memref<4x128xi32, #tpu.memory_space<vmem>> -> memref<1x128xi32, #tpu.memory_space<vmem>>
    %dma_start3A_86 = tpu.memref_squeeze %dma_start3A_85 : memref<1x128xi32, #tpu.memory_space<vmem>> -> memref<128xi32, #tpu.memory_space<vmem>>
    %dma_start3A_87 = arith.constant 0 : i32
    %dma_start3A_88 = arith.constant 0 : i32
    %dma_start3A_89 = tpu.memref_slice %arg10[%dma_start3A_87, %dma_start3A_88] : memref<16384x128xf32, #tpu.memory_space<hbm>> -> memref<16384x128xf32, #tpu.memory_space<hbm>>
    %dma_start3A_90 = tpu.memref_slice %arg19[%dma_start3A_80] : memref<7x!tpu.dma_semaphore, #tpu.memory_space<semaphore_mem>> -> memref<1x!tpu.dma_semaphore, #tpu.memory_space<semaphore_mem>>
    %dma_start3A_91 = tpu.memref_squeeze %dma_start3A_90 : memref<1x!tpu.dma_semaphore, #tpu.memory_space<semaphore_mem>> -> memref<!tpu.dma_semaphore, #tpu.memory_space<semaphore_mem>>
    tpu.enqueue_indirect_dma source(%dma_start3A_83 : memref<128x128xf32, #tpu.memory_space<vmem>>) target(%dma_start3A_89 : memref<16384x128xf32, #tpu.memory_space<hbm>>) offsets(%dma_start3A_86 : memref<128xi32, #tpu.memory_space<vmem>>) semaphore(%dma_start3A_91 : memref<!tpu.dma_semaphore, #tpu.memory_space<semaphore_mem>>)
    %dma_start3A_92 = arith.constant 2 : i32
    %dma_start3A_93 = arith.constant 2 : i32
    %dma_start3A_94 = arith.constant 256 : i32
    %dma_start3A_95 = arith.constant 0 : i32
    %dma_start3A_96 = tpu.memref_slice %arg18[%dma_start3A_94, %dma_start3A_95] : memref<512x128xf32, #tpu.memory_space<vmem>> -> memref<128x128xf32, #tpu.memory_space<vmem>>
    %dma_start3A_97 = arith.constant 0 : i32
    %dma_start3A_98 = tpu.memref_slice %arg13[%dma_start3A_92, %dma_start3A_97] : memref<4x128xi32, #tpu.memory_space<vmem>> -> memref<1x128xi32, #tpu.memory_space<vmem>>
    %dma_start3A_99 = tpu.memref_squeeze %dma_start3A_98 : memref<1x128xi32, #tpu.memory_space<vmem>> -> memref<128xi32, #tpu.memory_space<vmem>>
    %dma_start3A_100 = arith.constant 0 : i32
    %dma_start3A_101 = arith.constant 0 : i32
    %dma_start3A_102 = tpu.memref_slice %arg10[%dma_start3A_100, %dma_start3A_101] : memref<16384x128xf32, #tpu.memory_space<hbm>> -> memref<16384x128xf32, #tpu.memory_space<hbm>>
    %dma_start3A_103 = tpu.memref_slice %arg19[%dma_start3A_93] : memref<7x!tpu.dma_semaphore, #tpu.memory_space<semaphore_mem>> -> memref<1x!tpu.dma_semaphore, #tpu.memory_space<semaphore_mem>>
    %dma_start3A_104 = tpu.memref_squeeze %dma_start3A_103 : memref<1x!tpu.dma_semaphore, #tpu.memory_space<semaphore_mem>> -> memref<!tpu.dma_semaphore, #tpu.memory_space<semaphore_mem>>
    tpu.enqueue_indirect_dma source(%dma_start3A_96 : memref<128x128xf32, #tpu.memory_space<vmem>>) target(%dma_start3A_102 : memref<16384x128xf32, #tpu.memory_space<hbm>>) offsets(%dma_start3A_99 : memref<128xi32, #tpu.memory_space<vmem>>) semaphore(%dma_start3A_104 : memref<!tpu.dma_semaphore, #tpu.memory_space<semaphore_mem>>)
    %dma_start3A_105 = arith.constant 3 : i32
    %dma_start3A_106 = arith.constant 3 : i32
    %dma_start3A_107 = arith.constant 384 : i32
    %dma_start3A_108 = arith.constant 0 : i32
    %dma_start3A_109 = tpu.memref_slice %arg18[%dma_start3A_107, %dma_start3A_108] : memref<512x128xf32, #tpu.memory_space<vmem>> -> memref<128x128xf32, #tpu.memory_space<vmem>>
    %dma_start3A_110 = arith.constant 0 : i32
    %dma_start3A_111 = tpu.memref_slice %arg13[%dma_start3A_105, %dma_start3A_110] : memref<4x128xi32, #tpu.memory_space<vmem>> -> memref<1x128xi32, #tpu.memory_space<vmem>>
    %dma_start3A_112 = tpu.memref_squeeze %dma_start3A_111 : memref<1x128xi32, #tpu.memory_space<vmem>> -> memref<128xi32, #tpu.memory_space<vmem>>
    %dma_start3A_113 = arith.constant 0 : i32
    %dma_start3A_114 = arith.constant 0 : i32
    %dma_start3A_115 = tpu.memref_slice %arg10[%dma_start3A_113, %dma_start3A_114] : memref<16384x128xf32, #tpu.memory_space<hbm>> -> memref<16384x128xf32, #tpu.memory_space<hbm>>
    %dma_start3A_116 = tpu.memref_slice %arg19[%dma_start3A_106] : memref<7x!tpu.dma_semaphore, #tpu.memory_space<semaphore_mem>> -> memref<1x!tpu.dma_semaphore, #tpu.memory_space<semaphore_mem>>
    %dma_start3A_117 = tpu.memref_squeeze %dma_start3A_116 : memref<1x!tpu.dma_semaphore, #tpu.memory_space<semaphore_mem>> -> memref<!tpu.dma_semaphore, #tpu.memory_space<semaphore_mem>>
    tpu.enqueue_indirect_dma source(%dma_start3A_109 : memref<128x128xf32, #tpu.memory_space<vmem>>) target(%dma_start3A_115 : memref<16384x128xf32, #tpu.memory_space<hbm>>) offsets(%dma_start3A_112 : memref<128xi32, #tpu.memory_space<vmem>>) semaphore(%dma_start3A_117 : memref<!tpu.dma_semaphore, #tpu.memory_space<semaphore_mem>>)
    %dma_wait3A = arith.constant 0 : i32
    %dma_wait3A_118 = arith.constant 0 : i32
    %dma_wait3A_119 = arith.constant 0 : i32
    %dma_wait3A_120 = arith.constant 0 : i32
    %dma_wait3A_121 = tpu.memref_slice %arg18[%dma_wait3A_119, %dma_wait3A_120] : memref<512x128xf32, #tpu.memory_space<vmem>> -> memref<128x128xf32, #tpu.memory_space<vmem>>
    %dma_wait3A_122 = arith.constant 0 : i32
    %dma_wait3A_123 = tpu.memref_slice %arg13[%dma_wait3A, %dma_wait3A_122] : memref<4x128xi32, #tpu.memory_space<vmem>> -> memref<1x128xi32, #tpu.memory_space<vmem>>
    %dma_wait3A_124 = tpu.memref_squeeze %dma_wait3A_123 : memref<1x128xi32, #tpu.memory_space<vmem>> -> memref<128xi32, #tpu.memory_space<vmem>>
    %dma_wait3A_125 = arith.constant 0 : i32
    %dma_wait3A_126 = arith.constant 0 : i32
    %dma_wait3A_127 = tpu.memref_slice %arg10[%dma_wait3A_125, %dma_wait3A_126] : memref<16384x128xf32, #tpu.memory_space<hbm>> -> memref<16384x128xf32, #tpu.memory_space<hbm>>
    %dma_wait3A_128 = tpu.memref_slice %arg19[%dma_wait3A_118] : memref<7x!tpu.dma_semaphore, #tpu.memory_space<semaphore_mem>> -> memref<1x!tpu.dma_semaphore, #tpu.memory_space<semaphore_mem>>
    %dma_wait3A_129 = tpu.memref_squeeze %dma_wait3A_128 : memref<1x!tpu.dma_semaphore, #tpu.memory_space<semaphore_mem>> -> memref<!tpu.dma_semaphore, #tpu.memory_space<semaphore_mem>>
    tpu.wait_indirect_dma semaphore(%dma_wait3A_129 : memref<!tpu.dma_semaphore, #tpu.memory_space<semaphore_mem>>) src(%dma_wait3A_121 : memref<128x128xf32, #tpu.memory_space<vmem>>) dst(%dma_wait3A_127 : memref<16384x128xf32, #tpu.memory_space<hbm>>)
    %dma_wait3A_130 = arith.constant 1 : i32
    %dma_wait3A_131 = arith.constant 1 : i32
    %dma_wait3A_132 = arith.constant 128 : i32
    %dma_wait3A_133 = arith.constant 0 : i32
    %dma_wait3A_134 = tpu.memref_slice %arg18[%dma_wait3A_132, %dma_wait3A_133] : memref<512x128xf32, #tpu.memory_space<vmem>> -> memref<128x128xf32, #tpu.memory_space<vmem>>
    %dma_wait3A_135 = arith.constant 0 : i32
    %dma_wait3A_136 = tpu.memref_slice %arg13[%dma_wait3A_130, %dma_wait3A_135] : memref<4x128xi32, #tpu.memory_space<vmem>> -> memref<1x128xi32, #tpu.memory_space<vmem>>
    %dma_wait3A_137 = tpu.memref_squeeze %dma_wait3A_136 : memref<1x128xi32, #tpu.memory_space<vmem>> -> memref<128xi32, #tpu.memory_space<vmem>>
    %dma_wait3A_138 = arith.constant 0 : i32
    %dma_wait3A_139 = arith.constant 0 : i32
    %dma_wait3A_140 = tpu.memref_slice %arg10[%dma_wait3A_138, %dma_wait3A_139] : memref<16384x128xf32, #tpu.memory_space<hbm>> -> memref<16384x128xf32, #tpu.memory_space<hbm>>
    %dma_wait3A_141 = tpu.memref_slice %arg19[%dma_wait3A_131] : memref<7x!tpu.dma_semaphore, #tpu.memory_space<semaphore_mem>> -> memref<1x!tpu.dma_semaphore, #tpu.memory_space<semaphore_mem>>
    %dma_wait3A_142 = tpu.memref_squeeze %dma_wait3A_141 : memref<1x!tpu.dma_semaphore, #tpu.memory_space<semaphore_mem>> -> memref<!tpu.dma_semaphore, #tpu.memory_space<semaphore_mem>>
    tpu.wait_indirect_dma semaphore(%dma_wait3A_142 : memref<!tpu.dma_semaphore, #tpu.memory_space<semaphore_mem>>) src(%dma_wait3A_134 : memref<128x128xf32, #tpu.memory_space<vmem>>) dst(%dma_wait3A_140 : memref<16384x128xf32, #tpu.memory_space<hbm>>)
    %dma_wait3A_143 = arith.constant 2 : i32
    %dma_wait3A_144 = arith.constant 2 : i32
    %dma_wait3A_145 = arith.constant 256 : i32
    %dma_wait3A_146 = arith.constant 0 : i32
    %dma_wait3A_147 = tpu.memref_slice %arg18[%dma_wait3A_145, %dma_wait3A_146] : memref<512x128xf32, #tpu.memory_space<vmem>> -> memref<128x128xf32, #tpu.memory_space<vmem>>
    %dma_wait3A_148 = arith.constant 0 : i32
    %dma_wait3A_149 = tpu.memref_slice %arg13[%dma_wait3A_143, %dma_wait3A_148] : memref<4x128xi32, #tpu.memory_space<vmem>> -> memref<1x128xi32, #tpu.memory_space<vmem>>
    %dma_wait3A_150 = tpu.memref_squeeze %dma_wait3A_149 : memref<1x128xi32, #tpu.memory_space<vmem>> -> memref<128xi32, #tpu.memory_space<vmem>>
    %dma_wait3A_151 = arith.constant 0 : i32
    %dma_wait3A_152 = arith.constant 0 : i32
    %dma_wait3A_153 = tpu.memref_slice %arg10[%dma_wait3A_151, %dma_wait3A_152] : memref<16384x128xf32, #tpu.memory_space<hbm>> -> memref<16384x128xf32, #tpu.memory_space<hbm>>
    %dma_wait3A_154 = tpu.memref_slice %arg19[%dma_wait3A_144] : memref<7x!tpu.dma_semaphore, #tpu.memory_space<semaphore_mem>> -> memref<1x!tpu.dma_semaphore, #tpu.memory_space<semaphore_mem>>
    %dma_wait3A_155 = tpu.memref_squeeze %dma_wait3A_154 : memref<1x!tpu.dma_semaphore, #tpu.memory_space<semaphore_mem>> -> memref<!tpu.dma_semaphore, #tpu.memory_space<semaphore_mem>>
    tpu.wait_indirect_dma semaphore(%dma_wait3A_155 : memref<!tpu.dma_semaphore, #tpu.memory_space<semaphore_mem>>) src(%dma_wait3A_147 : memref<128x128xf32, #tpu.memory_space<vmem>>) dst(%dma_wait3A_153 : memref<16384x128xf32, #tpu.memory_space<hbm>>)
    %dma_wait3A_156 = arith.constant 3 : i32
    %dma_wait3A_157 = arith.constant 3 : i32
    %dma_wait3A_158 = arith.constant 384 : i32
    %dma_wait3A_159 = arith.constant 0 : i32
    %dma_wait3A_160 = tpu.memref_slice %arg18[%dma_wait3A_158, %dma_wait3A_159] : memref<512x128xf32, #tpu.memory_space<vmem>> -> memref<128x128xf32, #tpu.memory_space<vmem>>
    %dma_wait3A_161 = arith.constant 0 : i32
    %dma_wait3A_162 = tpu.memref_slice %arg13[%dma_wait3A_156, %dma_wait3A_161] : memref<4x128xi32, #tpu.memory_space<vmem>> -> memref<1x128xi32, #tpu.memory_space<vmem>>
    %dma_wait3A_163 = tpu.memref_squeeze %dma_wait3A_162 : memref<1x128xi32, #tpu.memory_space<vmem>> -> memref<128xi32, #tpu.memory_space<vmem>>
    %dma_wait3A_164 = arith.constant 0 : i32
    %dma_wait3A_165 = arith.constant 0 : i32
    %dma_wait3A_166 = tpu.memref_slice %arg10[%dma_wait3A_164, %dma_wait3A_165] : memref<16384x128xf32, #tpu.memory_space<hbm>> -> memref<16384x128xf32, #tpu.memory_space<hbm>>
    %dma_wait3A_167 = tpu.memref_slice %arg19[%dma_wait3A_157] : memref<7x!tpu.dma_semaphore, #tpu.memory_space<semaphore_mem>> -> memref<1x!tpu.dma_semaphore, #tpu.memory_space<semaphore_mem>>
    %dma_wait3A_168 = tpu.memref_squeeze %dma_wait3A_167 : memref<1x!tpu.dma_semaphore, #tpu.memory_space<semaphore_mem>> -> memref<!tpu.dma_semaphore, #tpu.memory_space<semaphore_mem>>
    tpu.wait_indirect_dma semaphore(%dma_wait3A_168 : memref<!tpu.dma_semaphore, #tpu.memory_space<semaphore_mem>>) src(%dma_wait3A_160 : memref<128x128xf32, #tpu.memory_space<vmem>>) dst(%dma_wait3A_166 : memref<16384x128xf32, #tpu.memory_space<hbm>>)
    "tpu.region"() ({
      %run_scoped3A_342 = tpu.sem_alloc : memref<!tpu.dma_semaphore, #tpu.memory_space<semaphore_mem>>
      %dma_start3A_343 = tpu.memref_slice %arg4[%mul3A_2] : memref<16384xi32, #tpu.memory_space<hbm>> -> memref<512xi32, #tpu.memory_space<hbm>>
      %dma_start3A_344 = tpu.memref_slice %arg4[%mul3A_2] : memref<16384xi32, #tpu.memory_space<hbm>> -> memref<512xi32, #tpu.memory_space<hbm>>
      tpu.enqueue_dma source(%dma_start3A_344 : memref<512xi32, #tpu.memory_space<hbm>>) target(%arg12 : memref<512xi32, #tpu.memory_space<vmem>>) target_semaphore(%run_scoped3A_342 : memref<!tpu.dma_semaphore, #tpu.memory_space<semaphore_mem>>)
      %dma_wait3A_345 = tpu.memref_slice %arg4[%mul3A_2] : memref<16384xi32, #tpu.memory_space<hbm>> -> memref<512xi32, #tpu.memory_space<hbm>>
      %dma_wait3A_346 = tpu.memref_slice %arg4[%mul3A_2] : memref<16384xi32, #tpu.memory_space<hbm>> -> memref<512xi32, #tpu.memory_space<hbm>>
      tpu.wait_dma2 semaphore(%run_scoped3A_342 : memref<!tpu.dma_semaphore, #tpu.memory_space<semaphore_mem>>) src(%dma_wait3A_346 : memref<512xi32, #tpu.memory_space<hbm>>) dst(%arg12 : memref<512xi32, #tpu.memory_space<vmem>>)
      tpu.yield
    }) : () -> ()
    %add3A_169 = arith.constant 0 : i32
    %add3A_170 = arith.addi %mul3A_2, %add3A_169 : i32
    %run_scoped3A_171 = arith.constant 0 : i32
    "tpu.region"() ({
      %run_scoped3A_342 = tpu.sem_alloc : memref<!tpu.dma_semaphore, #tpu.memory_space<semaphore_mem>>
      %dma_start3A_343 = arith.constant 0 : i32
      %dma_start3A_344 = tpu.memref_slice %arg13[%run_scoped3A_171, %dma_start3A_343] : memref<4x128xi32, #tpu.memory_space<vmem>> -> memref<1x128xi32, #tpu.memory_space<vmem>>
      %dma_start3A_345 = tpu.memref_squeeze %dma_start3A_344 : memref<1x128xi32, #tpu.memory_space<vmem>> -> memref<128xi32, #tpu.memory_space<vmem>>
      %dma_start3A_346 = tpu.memref_slice %arg5[%add3A_170] : memref<16384xi32, #tpu.memory_space<hbm>> -> memref<128xi32, #tpu.memory_space<hbm>>
      %dma_start3A_347 = arith.constant 0 : i32
      %dma_start3A_348 = tpu.memref_slice %arg13[%run_scoped3A_171, %dma_start3A_347] : memref<4x128xi32, #tpu.memory_space<vmem>> -> memref<1x128xi32, #tpu.memory_space<vmem>>
      %dma_start3A_349 = tpu.memref_squeeze %dma_start3A_348 : memref<1x128xi32, #tpu.memory_space<vmem>> -> memref<128xi32, #tpu.memory_space<vmem>>
      %dma_start3A_350 = tpu.memref_slice %arg5[%add3A_170] : memref<16384xi32, #tpu.memory_space<hbm>> -> memref<128xi32, #tpu.memory_space<hbm>>
      tpu.enqueue_dma source(%dma_start3A_350 : memref<128xi32, #tpu.memory_space<hbm>>) target(%dma_start3A_349 : memref<128xi32, #tpu.memory_space<vmem>>) target_semaphore(%run_scoped3A_342 : memref<!tpu.dma_semaphore, #tpu.memory_space<semaphore_mem>>)
      %dma_wait3A_351 = arith.constant 0 : i32
      %dma_wait3A_352 = tpu.memref_slice %arg13[%run_scoped3A_171, %dma_wait3A_351] : memref<4x128xi32, #tpu.memory_space<vmem>> -> memref<1x128xi32, #tpu.memory_space<vmem>>
      %dma_wait3A_353 = tpu.memref_squeeze %dma_wait3A_352 : memref<1x128xi32, #tpu.memory_space<vmem>> -> memref<128xi32, #tpu.memory_space<vmem>>
      %dma_wait3A_354 = tpu.memref_slice %arg5[%add3A_170] : memref<16384xi32, #tpu.memory_space<hbm>> -> memref<128xi32, #tpu.memory_space<hbm>>
      %dma_wait3A_355 = arith.constant 0 : i32
      %dma_wait3A_356 = tpu.memref_slice %arg13[%run_scoped3A_171, %dma_wait3A_355] : memref<4x128xi32, #tpu.memory_space<vmem>> -> memref<1x128xi32, #tpu.memory_space<vmem>>
      %dma_wait3A_357 = tpu.memref_squeeze %dma_wait3A_356 : memref<1x128xi32, #tpu.memory_space<vmem>> -> memref<128xi32, #tpu.memory_space<vmem>>
      %dma_wait3A_358 = tpu.memref_slice %arg5[%add3A_170] : memref<16384xi32, #tpu.memory_space<hbm>> -> memref<128xi32, #tpu.memory_space<hbm>>
      tpu.wait_dma2 semaphore(%run_scoped3A_342 : memref<!tpu.dma_semaphore, #tpu.memory_space<semaphore_mem>>) src(%dma_wait3A_358 : memref<128xi32, #tpu.memory_space<hbm>>) dst(%dma_wait3A_357 : memref<128xi32, #tpu.memory_space<vmem>>)
      tpu.yield
    }) : () -> ()
    %add3A_172 = arith.constant 128 : i32
    %add3A_173 = arith.addi %mul3A_2, %add3A_172 : i32
    %run_scoped3A_174 = arith.constant 1 : i32
    "tpu.region"() ({
      %run_scoped3A_342 = tpu.sem_alloc : memref<!tpu.dma_semaphore, #tpu.memory_space<semaphore_mem>>
      %dma_start3A_343 = arith.constant 0 : i32
      %dma_start3A_344 = tpu.memref_slice %arg13[%run_scoped3A_174, %dma_start3A_343] : memref<4x128xi32, #tpu.memory_space<vmem>> -> memref<1x128xi32, #tpu.memory_space<vmem>>
      %dma_start3A_345 = tpu.memref_squeeze %dma_start3A_344 : memref<1x128xi32, #tpu.memory_space<vmem>> -> memref<128xi32, #tpu.memory_space<vmem>>
      %dma_start3A_346 = tpu.memref_slice %arg5[%add3A_173] : memref<16384xi32, #tpu.memory_space<hbm>> -> memref<128xi32, #tpu.memory_space<hbm>>
      %dma_start3A_347 = arith.constant 0 : i32
      %dma_start3A_348 = tpu.memref_slice %arg13[%run_scoped3A_174, %dma_start3A_347] : memref<4x128xi32, #tpu.memory_space<vmem>> -> memref<1x128xi32, #tpu.memory_space<vmem>>
      %dma_start3A_349 = tpu.memref_squeeze %dma_start3A_348 : memref<1x128xi32, #tpu.memory_space<vmem>> -> memref<128xi32, #tpu.memory_space<vmem>>
      %dma_start3A_350 = tpu.memref_slice %arg5[%add3A_173] : memref<16384xi32, #tpu.memory_space<hbm>> -> memref<128xi32, #tpu.memory_space<hbm>>
      tpu.enqueue_dma source(%dma_start3A_350 : memref<128xi32, #tpu.memory_space<hbm>>) target(%dma_start3A_349 : memref<128xi32, #tpu.memory_space<vmem>>) target_semaphore(%run_scoped3A_342 : memref<!tpu.dma_semaphore, #tpu.memory_space<semaphore_mem>>)
      %dma_wait3A_351 = arith.constant 0 : i32
      %dma_wait3A_352 = tpu.memref_slice %arg13[%run_scoped3A_174, %dma_wait3A_351] : memref<4x128xi32, #tpu.memory_space<vmem>> -> memref<1x128xi32, #tpu.memory_space<vmem>>
      %dma_wait3A_353 = tpu.memref_squeeze %dma_wait3A_352 : memref<1x128xi32, #tpu.memory_space<vmem>> -> memref<128xi32, #tpu.memory_space<vmem>>
      %dma_wait3A_354 = tpu.memref_slice %arg5[%add3A_173] : memref<16384xi32, #tpu.memory_space<hbm>> -> memref<128xi32, #tpu.memory_space<hbm>>
      %dma_wait3A_355 = arith.constant 0 : i32
      %dma_wait3A_356 = tpu.memref_slice %arg13[%run_scoped3A_174, %dma_wait3A_355] : memref<4x128xi32, #tpu.memory_space<vmem>> -> memref<1x128xi32, #tpu.memory_space<vmem>>
      %dma_wait3A_357 = tpu.memref_squeeze %dma_wait3A_356 : memref<1x128xi32, #tpu.memory_space<vmem>> -> memref<128xi32, #tpu.memory_space<vmem>>
      %dma_wait3A_358 = tpu.memref_slice %arg5[%add3A_173] : memref<16384xi32, #tpu.memory_space<hbm>> -> memref<128xi32, #tpu.memory_space<hbm>>
      tpu.wait_dma2 semaphore(%run_scoped3A_342 : memref<!tpu.dma_semaphore, #tpu.memory_space<semaphore_mem>>) src(%dma_wait3A_358 : memref<128xi32, #tpu.memory_space<hbm>>) dst(%dma_wait3A_357 : memref<128xi32, #tpu.memory_space<vmem>>)
      tpu.yield
    }) : () -> ()
    %add3A_175 = arith.constant 256 : i32
    %add3A_176 = arith.addi %mul3A_2, %add3A_175 : i32
    %run_scoped3A_177 = arith.constant 2 : i32
    "tpu.region"() ({
      %run_scoped3A_342 = tpu.sem_alloc : memref<!tpu.dma_semaphore, #tpu.memory_space<semaphore_mem>>
      %dma_start3A_343 = arith.constant 0 : i32
      %dma_start3A_344 = tpu.memref_slice %arg13[%run_scoped3A_177, %dma_start3A_343] : memref<4x128xi32, #tpu.memory_space<vmem>> -> memref<1x128xi32, #tpu.memory_space<vmem>>
      %dma_start3A_345 = tpu.memref_squeeze %dma_start3A_344 : memref<1x128xi32, #tpu.memory_space<vmem>> -> memref<128xi32, #tpu.memory_space<vmem>>
      %dma_start3A_346 = tpu.memref_slice %arg5[%add3A_176] : memref<16384xi32, #tpu.memory_space<hbm>> -> memref<128xi32, #tpu.memory_space<hbm>>
      %dma_start3A_347 = arith.constant 0 : i32
      %dma_start3A_348 = tpu.memref_slice %arg13[%run_scoped3A_177, %dma_start3A_347] : memref<4x128xi32, #tpu.memory_space<vmem>> -> memref<1x128xi32, #tpu.memory_space<vmem>>
      %dma_start3A_349 = tpu.memref_squeeze %dma_start3A_348 : memref<1x128xi32, #tpu.memory_space<vmem>> -> memref<128xi32, #tpu.memory_space<vmem>>
      %dma_start3A_350 = tpu.memref_slice %arg5[%add3A_176] : memref<16384xi32, #tpu.memory_space<hbm>> -> memref<128xi32, #tpu.memory_space<hbm>>
      tpu.enqueue_dma source(%dma_start3A_350 : memref<128xi32, #tpu.memory_space<hbm>>) target(%dma_start3A_349 : memref<128xi32, #tpu.memory_space<vmem>>) target_semaphore(%run_scoped3A_342 : memref<!tpu.dma_semaphore, #tpu.memory_space<semaphore_mem>>)
      %dma_wait3A_351 = arith.constant 0 : i32
      %dma_wait3A_352 = tpu.memref_slice %arg13[%run_scoped3A_177, %dma_wait3A_351] : memref<4x128xi32, #tpu.memory_space<vmem>> -> memref<1x128xi32, #tpu.memory_space<vmem>>
      %dma_wait3A_353 = tpu.memref_squeeze %dma_wait3A_352 : memref<1x128xi32, #tpu.memory_space<vmem>> -> memref<128xi32, #tpu.memory_space<vmem>>
      %dma_wait3A_354 = tpu.memref_slice %arg5[%add3A_176] : memref<16384xi32, #tpu.memory_space<hbm>> -> memref<128xi32, #tpu.memory_space<hbm>>
      %dma_wait3A_355 = arith.constant 0 : i32
      %dma_wait3A_356 = tpu.memref_slice %arg13[%run_scoped3A_177, %dma_wait3A_355] : memref<4x128xi32, #tpu.memory_space<vmem>> -> memref<1x128xi32, #tpu.memory_space<vmem>>
      %dma_wait3A_357 = tpu.memref_squeeze %dma_wait3A_356 : memref<1x128xi32, #tpu.memory_space<vmem>> -> memref<128xi32, #tpu.memory_space<vmem>>
      %dma_wait3A_358 = tpu.memref_slice %arg5[%add3A_176] : memref<16384xi32, #tpu.memory_space<hbm>> -> memref<128xi32, #tpu.memory_space<hbm>>
      tpu.wait_dma2 semaphore(%run_scoped3A_342 : memref<!tpu.dma_semaphore, #tpu.memory_space<semaphore_mem>>) src(%dma_wait3A_358 : memref<128xi32, #tpu.memory_space<hbm>>) dst(%dma_wait3A_357 : memref<128xi32, #tpu.memory_space<vmem>>)
      tpu.yield
    }) : () -> ()
    %add3A_178 = arith.constant 384 : i32
    %add3A_179 = arith.addi %mul3A_2, %add3A_178 : i32
    %run_scoped3A_180 = arith.constant 3 : i32
    "tpu.region"() ({
      %run_scoped3A_342 = tpu.sem_alloc : memref<!tpu.dma_semaphore, #tpu.memory_space<semaphore_mem>>
      %dma_start3A_343 = arith.constant 0 : i32
      %dma_start3A_344 = tpu.memref_slice %arg13[%run_scoped3A_180, %dma_start3A_343] : memref<4x128xi32, #tpu.memory_space<vmem>> -> memref<1x128xi32, #tpu.memory_space<vmem>>
      %dma_start3A_345 = tpu.memref_squeeze %dma_start3A_344 : memref<1x128xi32, #tpu.memory_space<vmem>> -> memref<128xi32, #tpu.memory_space<vmem>>
      %dma_start3A_346 = tpu.memref_slice %arg5[%add3A_179] : memref<16384xi32, #tpu.memory_space<hbm>> -> memref<128xi32, #tpu.memory_space<hbm>>
      %dma_start3A_347 = arith.constant 0 : i32
      %dma_start3A_348 = tpu.memref_slice %arg13[%run_scoped3A_180, %dma_start3A_347] : memref<4x128xi32, #tpu.memory_space<vmem>> -> memref<1x128xi32, #tpu.memory_space<vmem>>
      %dma_start3A_349 = tpu.memref_squeeze %dma_start3A_348 : memref<1x128xi32, #tpu.memory_space<vmem>> -> memref<128xi32, #tpu.memory_space<vmem>>
      %dma_start3A_350 = tpu.memref_slice %arg5[%add3A_179] : memref<16384xi32, #tpu.memory_space<hbm>> -> memref<128xi32, #tpu.memory_space<hbm>>
      tpu.enqueue_dma source(%dma_start3A_350 : memref<128xi32, #tpu.memory_space<hbm>>) target(%dma_start3A_349 : memref<128xi32, #tpu.memory_space<vmem>>) target_semaphore(%run_scoped3A_342 : memref<!tpu.dma_semaphore, #tpu.memory_space<semaphore_mem>>)
      %dma_wait3A_351 = arith.constant 0 : i32
      %dma_wait3A_352 = tpu.memref_slice %arg13[%run_scoped3A_180, %dma_wait3A_351] : memref<4x128xi32, #tpu.memory_space<vmem>> -> memref<1x128xi32, #tpu.memory_space<vmem>>
      %dma_wait3A_353 = tpu.memref_squeeze %dma_wait3A_352 : memref<1x128xi32, #tpu.memory_space<vmem>> -> memref<128xi32, #tpu.memory_space<vmem>>
      %dma_wait3A_354 = tpu.memref_slice %arg5[%add3A_179] : memref<16384xi32, #tpu.memory_space<hbm>> -> memref<128xi32, #tpu.memory_space<hbm>>
      %dma_wait3A_355 = arith.constant 0 : i32
      %dma_wait3A_356 = tpu.memref_slice %arg13[%run_scoped3A_180, %dma_wait3A_355] : memref<4x128xi32, #tpu.memory_space<vmem>> -> memref<1x128xi32, #tpu.memory_space<vmem>>
      %dma_wait3A_357 = tpu.memref_squeeze %dma_wait3A_356 : memref<1x128xi32, #tpu.memory_space<vmem>> -> memref<128xi32, #tpu.memory_space<vmem>>
      %dma_wait3A_358 = tpu.memref_slice %arg5[%add3A_179] : memref<16384xi32, #tpu.memory_space<hbm>> -> memref<128xi32, #tpu.memory_space<hbm>>
      tpu.wait_dma2 semaphore(%run_scoped3A_342 : memref<!tpu.dma_semaphore, #tpu.memory_space<semaphore_mem>>) src(%dma_wait3A_358 : memref<128xi32, #tpu.memory_space<hbm>>) dst(%dma_wait3A_357 : memref<128xi32, #tpu.memory_space<vmem>>)
      tpu.yield
    }) : () -> ()
    %scan3A_181 = arith.constant 0 : i32
    %scan3A_182 = arith.constant 0 : i32
    %scan3A_183 = arith.constant 32 : i32
    %scan3A_184 = arith.addi %scan3A_182, %scan3A_183 : i32
    %scan3A_185 = arith.constant 1 : i32
    scf.for %scan3A_342 = %scan3A_182 to %scan3A_184 step %scan3A_185  : i32 {
      %mul3A_343 = arith.constant 16 : i32
      %mul3A_344 = arith.muli %scan3A_342, %mul3A_343 : i32
      %get3A = arith.index_cast %mul3A_344 : i32 to index
      %get3A_345 = tpu.vector_load %arg12[%get3A] {strides = array<i32>} : memref<512xi32, #tpu.memory_space<vmem>>, vector<16xi32>,
      %slice3A = vector.extract_strided_slice %get3A_345 {offsets = [0], sizes = [1], strides = [1]} : vector<16xi32> to vector<1xi32>
      %squeeze3A = vector.extract %slice3A[0] : i32 from vector<1xi32>
      %mul3A_346 = arith.constant 16 : i32
      %mul3A_347 = arith.muli %scan3A_342, %mul3A_346 : i32
      %add3A_348 = arith.constant 0 : i32
      %add3A_349 = arith.addi %mul3A_347, %add3A_348 : i32
      %swap3A = arith.index_cast %add3A_349 : i32 to index
      %swap3A_350 = memref.load %arg15[%swap3A] : memref<512xi32, #tpu.memory_space<smem>>
      memref.store %squeeze3A, %arg15[%swap3A] : memref<512xi32, #tpu.memory_space<smem>>
      %slice3A_351 = vector.extract_strided_slice %get3A_345 {offsets = [1], sizes = [1], strides = [1]} : vector<16xi32> to vector<1xi32>
      %squeeze3A_352 = vector.extract %slice3A_351[0] : i32 from vector<1xi32>
      %mul3A_353 = arith.constant 16 : i32
      %mul3A_354 = arith.muli %scan3A_342, %mul3A_353 : i32
      %add3A_355 = arith.constant 1 : i32
      %add3A_356 = arith.addi %mul3A_354, %add3A_355 : i32
      %swap3A_357 = arith.index_cast %add3A_356 : i32 to index
      %swap3A_358 = memref.load %arg15[%swap3A_357] : memref<512xi32, #tpu.memory_space<smem>>
      memref.store %squeeze3A_352, %arg15[%swap3A_357] : memref<512xi32, #tpu.memory_space<smem>>
      %slice3A_359 = vector.extract_strided_slice %get3A_345 {offsets = [2], sizes = [1], strides = [1]} : vector<16xi32> to vector<1xi32>
      %squeeze3A_360 = vector.extract %slice3A_359[0] : i32 from vector<1xi32>
      %mul3A_361 = arith.constant 16 : i32
      %mul3A_362 = arith.muli %scan3A_342, %mul3A_361 : i32
      %add3A_363 = arith.constant 2 : i32
      %add3A_364 = arith.addi %mul3A_362, %add3A_363 : i32
      %swap3A_365 = arith.index_cast %add3A_364 : i32 to index
      %swap3A_366 = memref.load %arg15[%swap3A_365] : memref<512xi32, #tpu.memory_space<smem>>
      memref.store %squeeze3A_360, %arg15[%swap3A_365] : memref<512xi32, #tpu.memory_space<smem>>
      %slice3A_367 = vector.extract_strided_slice %get3A_345 {offsets = [3], sizes = [1], strides = [1]} : vector<16xi32> to vector<1xi32>
      %squeeze3A_368 = vector.extract %slice3A_367[0] : i32 from vector<1xi32>
      %mul3A_369 = arith.constant 16 : i32
      %mul3A_370 = arith.muli %scan3A_342, %mul3A_369 : i32
      %add3A_371 = arith.constant 3 : i32
      %add3A_372 = arith.addi %mul3A_370, %add3A_371 : i32
      %swap3A_373 = arith.index_cast %add3A_372 : i32 to index
      %swap3A_374 = memref.load %arg15[%swap3A_373] : memref<512xi32, #tpu.memory_space<smem>>
      memref.store %squeeze3A_368, %arg15[%swap3A_373] : memref<512xi32, #tpu.memory_space<smem>>
      %slice3A_375 = vector.extract_strided_slice %get3A_345 {offsets = [4], sizes = [1], strides = [1]} : vector<16xi32> to vector<1xi32>
      %squeeze3A_376 = vector.extract %slice3A_375[0] : i32 from vector<1xi32>
      %mul3A_377 = arith.constant 16 : i32
      %mul3A_378 = arith.muli %scan3A_342, %mul3A_377 : i32
      %add3A_379 = arith.constant 4 : i32
      %add3A_380 = arith.addi %mul3A_378, %add3A_379 : i32
      %swap3A_381 = arith.index_cast %add3A_380 : i32 to index
      %swap3A_382 = memref.load %arg15[%swap3A_381] : memref<512xi32, #tpu.memory_space<smem>>
      memref.store %squeeze3A_376, %arg15[%swap3A_381] : memref<512xi32, #tpu.memory_space<smem>>
      %slice3A_383 = vector.extract_strided_slice %get3A_345 {offsets = [5], sizes = [1], strides = [1]} : vector<16xi32> to vector<1xi32>
      %squeeze3A_384 = vector.extract %slice3A_383[0] : i32 from vector<1xi32>
      %mul3A_385 = arith.constant 16 : i32
      %mul3A_386 = arith.muli %scan3A_342, %mul3A_385 : i32
      %add3A_387 = arith.constant 5 : i32
      %add3A_388 = arith.addi %mul3A_386, %add3A_387 : i32
      %swap3A_389 = arith.index_cast %add3A_388 : i32 to index
      %swap3A_390 = memref.load %arg15[%swap3A_389] : memref<512xi32, #tpu.memory_space<smem>>
      memref.store %squeeze3A_384, %arg15[%swap3A_389] : memref<512xi32, #tpu.memory_space<smem>>
      %slice3A_391 = vector.extract_strided_slice %get3A_345 {offsets = [6], sizes = [1], strides = [1]} : vector<16xi32> to vector<1xi32>
      %squeeze3A_392 = vector.extract %slice3A_391[0] : i32 from vector<1xi32>
      %mul3A_393 = arith.constant 16 : i32
      %mul3A_394 = arith.muli %scan3A_342, %mul3A_393 : i32
      %add3A_395 = arith.constant 6 : i32
      %add3A_396 = arith.addi %mul3A_394, %add3A_395 : i32
      %swap3A_397 = arith.index_cast %add3A_396 : i32 to index
      %swap3A_398 = memref.load %arg15[%swap3A_397] : memref<512xi32, #tpu.memory_space<smem>>
      memref.store %squeeze3A_392, %arg15[%swap3A_397] : memref<512xi32, #tpu.memory_space<smem>>
      %slice3A_399 = vector.extract_strided_slice %get3A_345 {offsets = [7], sizes = [1], strides = [1]} : vector<16xi32> to vector<1xi32>
      %squeeze3A_400 = vector.extract %slice3A_399[0] : i32 from vector<1xi32>
      %mul3A_401 = arith.constant 16 : i32
      %mul3A_402 = arith.muli %scan3A_342, %mul3A_401 : i32
      %add3A_403 = arith.constant 7 : i32
      %add3A_404 = arith.addi %mul3A_402, %add3A_403 : i32
      %swap3A_405 = arith.index_cast %add3A_404 : i32 to index
      %swap3A_406 = memref.load %arg15[%swap3A_405] : memref<512xi32, #tpu.memory_space<smem>>
      memref.store %squeeze3A_400, %arg15[%swap3A_405] : memref<512xi32, #tpu.memory_space<smem>>
      %slice3A_407 = vector.extract_strided_slice %get3A_345 {offsets = [8], sizes = [1], strides = [1]} : vector<16xi32> to vector<1xi32>
      %squeeze3A_408 = vector.extract %slice3A_407[0] : i32 from vector<1xi32>
      %mul3A_409 = arith.constant 16 : i32
      %mul3A_410 = arith.muli %scan3A_342, %mul3A_409 : i32
      %add3A_411 = arith.constant 8 : i32
      %add3A_412 = arith.addi %mul3A_410, %add3A_411 : i32
      %swap3A_413 = arith.index_cast %add3A_412 : i32 to index
      %swap3A_414 = memref.load %arg15[%swap3A_413] : memref<512xi32, #tpu.memory_space<smem>>
      memref.store %squeeze3A_408, %arg15[%swap3A_413] : memref<512xi32, #tpu.memory_space<smem>>
      %slice3A_415 = vector.extract_strided_slice %get3A_345 {offsets = [9], sizes = [1], strides = [1]} : vector<16xi32> to vector<1xi32>
      %squeeze3A_416 = vector.extract %slice3A_415[0] : i32 from vector<1xi32>
      %mul3A_417 = arith.constant 16 : i32
      %mul3A_418 = arith.muli %scan3A_342, %mul3A_417 : i32
      %add3A_419 = arith.constant 9 : i32
      %add3A_420 = arith.addi %mul3A_418, %add3A_419 : i32
      %swap3A_421 = arith.index_cast %add3A_420 : i32 to index
      %swap3A_422 = memref.load %arg15[%swap3A_421] : memref<512xi32, #tpu.memory_space<smem>>
      memref.store %squeeze3A_416, %arg15[%swap3A_421] : memref<512xi32, #tpu.memory_space<smem>>
      %slice3A_423 = vector.extract_strided_slice %get3A_345 {offsets = [10], sizes = [1], strides = [1]} : vector<16xi32> to vector<1xi32>
      %squeeze3A_424 = vector.extract %slice3A_423[0] : i32 from vector<1xi32>
      %mul3A_425 = arith.constant 16 : i32
      %mul3A_426 = arith.muli %scan3A_342, %mul3A_425 : i32
      %add3A_427 = arith.constant 10 : i32
      %add3A_428 = arith.addi %mul3A_426, %add3A_427 : i32
      %swap3A_429 = arith.index_cast %add3A_428 : i32 to index
      %swap3A_430 = memref.load %arg15[%swap3A_429] : memref<512xi32, #tpu.memory_space<smem>>
      memref.store %squeeze3A_424, %arg15[%swap3A_429] : memref<512xi32, #tpu.memory_space<smem>>
      %slice3A_431 = vector.extract_strided_slice %get3A_345 {offsets = [11], sizes = [1], strides = [1]} : vector<16xi32> to vector<1xi32>
      %squeeze3A_432 = vector.extract %slice3A_431[0] : i32 from vector<1xi32>
      %mul3A_433 = arith.constant 16 : i32
      %mul3A_434 = arith.muli %scan3A_342, %mul3A_433 : i32
      %add3A_435 = arith.constant 11 : i32
      %add3A_436 = arith.addi %mul3A_434, %add3A_435 : i32
      %swap3A_437 = arith.index_cast %add3A_436 : i32 to index
      %swap3A_438 = memref.load %arg15[%swap3A_437] : memref<512xi32, #tpu.memory_space<smem>>
      memref.store %squeeze3A_432, %arg15[%swap3A_437] : memref<512xi32, #tpu.memory_space<smem>>
      %slice3A_439 = vector.extract_strided_slice %get3A_345 {offsets = [12], sizes = [1], strides = [1]} : vector<16xi32> to vector<1xi32>
      %squeeze3A_440 = vector.extract %slice3A_439[0] : i32 from vector<1xi32>
      %mul3A_441 = arith.constant 16 : i32
      %mul3A_442 = arith.muli %scan3A_342, %mul3A_441 : i32
      %add3A_443 = arith.constant 12 : i32
      %add3A_444 = arith.addi %mul3A_442, %add3A_443 : i32
      %swap3A_445 = arith.index_cast %add3A_444 : i32 to index
      %swap3A_446 = memref.load %arg15[%swap3A_445] : memref<512xi32, #tpu.memory_space<smem>>
      memref.store %squeeze3A_440, %arg15[%swap3A_445] : memref<512xi32, #tpu.memory_space<smem>>
      %slice3A_447 = vector.extract_strided_slice %get3A_345 {offsets = [13], sizes = [1], strides = [1]} : vector<16xi32> to vector<1xi32>
      %squeeze3A_448 = vector.extract %slice3A_447[0] : i32 from vector<1xi32>
      %mul3A_449 = arith.constant 16 : i32
      %mul3A_450 = arith.muli %scan3A_342, %mul3A_449 : i32
      %add3A_451 = arith.constant 13 : i32
      %add3A_452 = arith.addi %mul3A_450, %add3A_451 : i32
      %swap3A_453 = arith.index_cast %add3A_452 : i32 to index
      %swap3A_454 = memref.load %arg15[%swap3A_453] : memref<512xi32, #tpu.memory_space<smem>>
      memref.store %squeeze3A_448, %arg15[%swap3A_453] : memref<512xi32, #tpu.memory_space<smem>>
      %slice3A_455 = vector.extract_strided_slice %get3A_345 {offsets = [14], sizes = [1], strides = [1]} : vector<16xi32> to vector<1xi32>
      %squeeze3A_456 = vector.extract %slice3A_455[0] : i32 from vector<1xi32>
      %mul3A_457 = arith.constant 16 : i32
      %mul3A_458 = arith.muli %scan3A_342, %mul3A_457 : i32
      %add3A_459 = arith.constant 14 : i32
      %add3A_460 = arith.addi %mul3A_458, %add3A_459 : i32
      %swap3A_461 = arith.index_cast %add3A_460 : i32 to index
      %swap3A_462 = memref.load %arg15[%swap3A_461] : memref<512xi32, #tpu.memory_space<smem>>
      memref.store %squeeze3A_456, %arg15[%swap3A_461] : memref<512xi32, #tpu.memory_space<smem>>
      %slice3A_463 = vector.extract_strided_slice %get3A_345 {offsets = [15], sizes = [1], strides = [1]} : vector<16xi32> to vector<1xi32>
      %squeeze3A_464 = vector.extract %slice3A_463[0] : i32 from vector<1xi32>
      %mul3A_465 = arith.constant 16 : i32
      %mul3A_466 = arith.muli %scan3A_342, %mul3A_465 : i32
      %add3A_467 = arith.constant 15 : i32
      %add3A_468 = arith.addi %mul3A_466, %add3A_467 : i32
      %swap3A_469 = arith.index_cast %add3A_468 : i32 to index
      %swap3A_470 = memref.load %arg15[%swap3A_469] : memref<512xi32, #tpu.memory_space<smem>>
      memref.store %squeeze3A_464, %arg15[%swap3A_469] : memref<512xi32, #tpu.memory_space<smem>>
    }
    %scan3A_186 = arith.constant 32 : i32
    %scan3A_187 = arith.constant -1 : i32
    %scan3A_188 = arith.constant 0 : i32
    %scan3A_189 = arith.constant 0 : i32
    %scan3A_190 = arith.constant 512 : i32
    %scan3A_191 = arith.addi %scan3A_189, %scan3A_190 : i32
    %scan3A_192 = arith.constant 1 : i32
    %scan3A_193:2 = scf.for %scan3A_342 = %scan3A_189 to %scan3A_191 step %scan3A_192 iter_args(%scan3A_343 = %scan3A_187, %scan3A_344 = %scan3A_188) -> (i32, i32)  : i32 {
      %get3A = arith.index_cast %scan3A_342 : i32 to index
      %get3A_345 = memref.load %arg15[%get3A] : memref<512xi32, #tpu.memory_space<smem>>
      %shift_right_logical3A = arith.constant 7 : i32
      %shift_right_logical3A_346 = arith.shrui %get3A_345, %shift_right_logical3A : i32
      %eq3A = arith.constant 0 : i32
      %eq3A_347 = arith.cmpi eq, %scan3A_342, %eq3A : i32
      %ne3A = arith.cmpi ne, %shift_right_logical3A_346, %scan3A_343 : i32
      %or3A = arith.ori %eq3A_347, %ne3A : i1
      %add3A_348 = arith.constant 1 : i32
      %add3A_349 = arith.addi %scan3A_344, %add3A_348 : i32
      %select_n3A = arith.select %or3A, %add3A_349, %scan3A_344 : i32
      %convert_element_type3A_350 = arith.extui %or3A : i1 to i32
      %cond3A_351 = arith.constant 0 : i32
      %cond3A_352 = arith.cmpi ne, %convert_element_type3A_350, %cond3A_351 : i32
      scf.if %cond3A_352 {
        %swap3A = arith.index_cast %scan3A_344 : i32 to index
        %swap3A_353 = memref.load %arg14[%swap3A] : memref<512xi32, #tpu.memory_space<smem>>
        memref.store %shift_right_logical3A_346, %arg14[%swap3A] : memref<512xi32, #tpu.memory_space<smem>>
      } else {
      }
      scf.yield %shift_right_logical3A_346, %select_n3A : i32, i32
    }
    %scan3A_194 = arith.constant 512 : i32
    %gt3A_195 = arith.constant 0 : i32
    %gt3A_196 = arith.cmpi sgt, %scan3A_193#1, %gt3A_195 : i32
    %convert_element_type3A_197 = arith.extui %gt3A_196 : i1 to i32
    %cond3A_198 = arith.constant 0 : i32
    %cond3A_199 = arith.cmpi ne, %convert_element_type3A_197, %cond3A_198 : i32
    scf.if %cond3A_199 {
      %get3A = arith.constant 0 : i32
      %get3A_342 = arith.index_cast %get3A : i32 to index
      %get3A_343 = memref.load %arg14[%get3A_342] : memref<512xi32, #tpu.memory_space<smem>>
      %mul3A_344 = arith.constant 128 : i32
      %mul3A_345 = arith.muli %get3A_343, %mul3A_344 : i32
      %multiple_of3A = tpu.assume_multiple %mul3A_345, 128 : i32
      %jit3A = arith.constant 0 : i32
      %jit3A_346 = arith.constant 7 : i32
      %eq3A = arith.constant 0 : i32
      %eq3A_347 = arith.cmpi eq, %jit3A_346, %eq3A : i32
      %jit3A_348 = arith.constant 1 : i32
      %select_n3A = arith.select %eq3A_347, %jit3A_348, %jit3A_346 : i32
      %rem3A = arith.remsi %jit3A, %select_n3A : i32
      %ne3A = arith.constant 0 : i32
      %ne3A_349 = arith.cmpi ne, %rem3A, %ne3A : i32
      %lt3A = arith.constant 0 : i32
      %lt3A_350 = arith.cmpi slt, %rem3A, %lt3A : i32
      %lt3A_351 = arith.constant 0 : i32
      %lt3A_352 = arith.cmpi slt, %select_n3A, %lt3A_351 : i32
      %ne3A_353 = arith.xori %lt3A_350, %lt3A_352 : i1
      %and3A = arith.andi %ne3A_353, %ne3A_349 : i1
      %add3A_354 = arith.addi %rem3A, %select_n3A : i32
      %select_n3A_355 = arith.select %and3A, %add3A_354, %rem3A : i32
      %dma_start3A_356 = arith.constant 0 : i32
      %dma_start3A_357 = arith.constant 0 : i32
      %dma_start3A_358 = tpu.memref_slice %arg16[%select_n3A_355, %dma_start3A_356, %dma_start3A_357] : memref<7x64x128xf32, #tpu.memory_space<vmem>> -> memref<1x64x128xf32, #tpu.memory_space<vmem>>
      %dma_start3A_359 = tpu.memref_squeeze %dma_start3A_358 : memref<1x64x128xf32, #tpu.memory_space<vmem>> -> memref<64x128xf32, #tpu.memory_space<vmem>>
      %dma_start3A_360 = arith.constant 0 : i32
      %dma_start3A_361 = tpu.memref_slice %arg7[%dma_start3A_360, %multiple_of3A] : memref<64x1000000xf32, #tpu.memory_space<hbm>> -> memref<64x128xf32, #tpu.memory_space<hbm>>
      %dma_start3A_362 = tpu.memref_slice %arg19[%select_n3A_355] : memref<7x!tpu.dma_semaphore, #tpu.memory_space<semaphore_mem>> -> memref<1x!tpu.dma_semaphore, #tpu.memory_space<semaphore_mem>>
      %dma_start3A_363 = tpu.memref_squeeze %dma_start3A_362 : memref<1x!tpu.dma_semaphore, #tpu.memory_space<semaphore_mem>> -> memref<!tpu.dma_semaphore, #tpu.memory_space<semaphore_mem>>
      %dma_start3A_364 = arith.constant 0 : i32
      %dma_start3A_365 = arith.constant 0 : i32
      %dma_start3A_366 = tpu.memref_slice %arg16[%select_n3A_355, %dma_start3A_364, %dma_start3A_365] : memref<7x64x128xf32, #tpu.memory_space<vmem>> -> memref<1x64x128xf32, #tpu.memory_space<vmem>>
      %dma_start3A_367 = tpu.memref_squeeze %dma_start3A_366 : memref<1x64x128xf32, #tpu.memory_space<vmem>> -> memref<64x128xf32, #tpu.memory_space<vmem>>
      %dma_start3A_368 = arith.constant 0 : i32
      %dma_start3A_369 = tpu.memref_slice %arg7[%dma_start3A_368, %multiple_of3A] : memref<64x1000000xf32, #tpu.memory_space<hbm>> -> memref<64x128xf32, #tpu.memory_space<hbm>>
      tpu.enqueue_dma source(%dma_start3A_369 : memref<64x128xf32, #tpu.memory_space<hbm>>) target(%dma_start3A_367 : memref<64x128xf32, #tpu.memory_space<vmem>>) target_semaphore(%dma_start3A_363 : memref<!tpu.dma_semaphore, #tpu.memory_space<semaphore_mem>>)
      %dma_start3A_370 = arith.constant 0 : i32
      %dma_start3A_371 = arith.constant 0 : i32
      %dma_start3A_372 = tpu.memref_slice %arg17[%select_n3A_355, %dma_start3A_370, %dma_start3A_371] : memref<7x1x128xf32, #tpu.memory_space<vmem>> -> memref<1x1x128xf32, #tpu.memory_space<vmem>>
      %dma_start3A_373 = tpu.memref_squeeze %dma_start3A_372 : memref<1x1x128xf32, #tpu.memory_space<vmem>> -> memref<1x128xf32, #tpu.memory_space<vmem>>
      %dma_start3A_374 = arith.constant 0 : i32
      %dma_start3A_375 = tpu.memref_slice %arg9[%dma_start3A_374, %multiple_of3A] : memref<1x1000000xf32, #tpu.memory_space<hbm>> -> memref<1x128xf32, #tpu.memory_space<hbm>>
      %dma_start3A_376 = tpu.memref_slice %arg19[%select_n3A_355] : memref<7x!tpu.dma_semaphore, #tpu.memory_space<semaphore_mem>> -> memref<1x!tpu.dma_semaphore, #tpu.memory_space<semaphore_mem>>
      %dma_start3A_377 = tpu.memref_squeeze %dma_start3A_376 : memref<1x!tpu.dma_semaphore, #tpu.memory_space<semaphore_mem>> -> memref<!tpu.dma_semaphore, #tpu.memory_space<semaphore_mem>>
      %dma_start3A_378 = arith.constant 0 : i32
      %dma_start3A_379 = arith.constant 0 : i32
      %dma_start3A_380 = tpu.memref_slice %arg17[%select_n3A_355, %dma_start3A_378, %dma_start3A_379] : memref<7x1x128xf32, #tpu.memory_space<vmem>> -> memref<1x1x128xf32, #tpu.memory_space<vmem>>
      %dma_start3A_381 = tpu.memref_squeeze %dma_start3A_380 : memref<1x1x128xf32, #tpu.memory_space<vmem>> -> memref<1x128xf32, #tpu.memory_space<vmem>>
      %dma_start3A_382 = arith.constant 0 : i32
      %dma_start3A_383 = tpu.memref_slice %arg9[%dma_start3A_382, %multiple_of3A] : memref<1x1000000xf32, #tpu.memory_space<hbm>> -> memref<1x128xf32, #tpu.memory_space<hbm>>
      tpu.enqueue_dma source(%dma_start3A_383 : memref<1x128xf32, #tpu.memory_space<hbm>>) target(%dma_start3A_381 : memref<1x128xf32, #tpu.memory_space<vmem>>) target_semaphore(%dma_start3A_377 : memref<!tpu.dma_semaphore, #tpu.memory_space<semaphore_mem>>)
    } else {
    }
    %gt3A_200 = arith.constant 1 : i32
    %gt3A_201 = arith.cmpi sgt, %scan3A_193#1, %gt3A_200 : i32
    %convert_element_type3A_202 = arith.extui %gt3A_201 : i1 to i32
    %cond3A_203 = arith.constant 0 : i32
    %cond3A_204 = arith.cmpi ne, %convert_element_type3A_202, %cond3A_203 : i32
    scf.if %cond3A_204 {
      %get3A = arith.constant 1 : i32
      %get3A_342 = arith.index_cast %get3A : i32 to index
      %get3A_343 = memref.load %arg14[%get3A_342] : memref<512xi32, #tpu.memory_space<smem>>
      %mul3A_344 = arith.constant 128 : i32
      %mul3A_345 = arith.muli %get3A_343, %mul3A_344 : i32
      %multiple_of3A = tpu.assume_multiple %mul3A_345, 128 : i32
      %jit3A = arith.constant 1 : i32
      %jit3A_346 = arith.constant 7 : i32
      %eq3A = arith.constant 0 : i32
      %eq3A_347 = arith.cmpi eq, %jit3A_346, %eq3A : i32
      %jit3A_348 = arith.constant 1 : i32
      %select_n3A = arith.select %eq3A_347, %jit3A_348, %jit3A_346 : i32
      %rem3A = arith.remsi %jit3A, %select_n3A : i32
      %ne3A = arith.constant 0 : i32
      %ne3A_349 = arith.cmpi ne, %rem3A, %ne3A : i32
      %lt3A = arith.constant 0 : i32
      %lt3A_350 = arith.cmpi slt, %rem3A, %lt3A : i32
      %lt3A_351 = arith.constant 0 : i32
      %lt3A_352 = arith.cmpi slt, %select_n3A, %lt3A_351 : i32
      %ne3A_353 = arith.xori %lt3A_350, %lt3A_352 : i1
      %and3A = arith.andi %ne3A_353, %ne3A_349 : i1
      %add3A_354 = arith.addi %rem3A, %select_n3A : i32
      %select_n3A_355 = arith.select %and3A, %add3A_354, %rem3A : i32
      %dma_start3A_356 = arith.constant 0 : i32
      %dma_start3A_357 = arith.constant 0 : i32
      %dma_start3A_358 = tpu.memref_slice %arg16[%select_n3A_355, %dma_start3A_356, %dma_start3A_357] : memref<7x64x128xf32, #tpu.memory_space<vmem>> -> memref<1x64x128xf32, #tpu.memory_space<vmem>>
      %dma_start3A_359 = tpu.memref_squeeze %dma_start3A_358 : memref<1x64x128xf32, #tpu.memory_space<vmem>> -> memref<64x128xf32, #tpu.memory_space<vmem>>
      %dma_start3A_360 = arith.constant 0 : i32
      %dma_start3A_361 = tpu.memref_slice %arg7[%dma_start3A_360, %multiple_of3A] : memref<64x1000000xf32, #tpu.memory_space<hbm>> -> memref<64x128xf32, #tpu.memory_space<hbm>>
      %dma_start3A_362 = tpu.memref_slice %arg19[%select_n3A_355] : memref<7x!tpu.dma_semaphore, #tpu.memory_space<semaphore_mem>> -> memref<1x!tpu.dma_semaphore, #tpu.memory_space<semaphore_mem>>
      %dma_start3A_363 = tpu.memref_squeeze %dma_start3A_362 : memref<1x!tpu.dma_semaphore, #tpu.memory_space<semaphore_mem>> -> memref<!tpu.dma_semaphore, #tpu.memory_space<semaphore_mem>>
      %dma_start3A_364 = arith.constant 0 : i32
      %dma_start3A_365 = arith.constant 0 : i32
      %dma_start3A_366 = tpu.memref_slice %arg16[%select_n3A_355, %dma_start3A_364, %dma_start3A_365] : memref<7x64x128xf32, #tpu.memory_space<vmem>> -> memref<1x64x128xf32, #tpu.memory_space<vmem>>
      %dma_start3A_367 = tpu.memref_squeeze %dma_start3A_366 : memref<1x64x128xf32, #tpu.memory_space<vmem>> -> memref<64x128xf32, #tpu.memory_space<vmem>>
      %dma_start3A_368 = arith.constant 0 : i32
      %dma_start3A_369 = tpu.memref_slice %arg7[%dma_start3A_368, %multiple_of3A] : memref<64x1000000xf32, #tpu.memory_space<hbm>> -> memref<64x128xf32, #tpu.memory_space<hbm>>
      tpu.enqueue_dma source(%dma_start3A_369 : memref<64x128xf32, #tpu.memory_space<hbm>>) target(%dma_start3A_367 : memref<64x128xf32, #tpu.memory_space<vmem>>) target_semaphore(%dma_start3A_363 : memref<!tpu.dma_semaphore, #tpu.memory_space<semaphore_mem>>)
      %dma_start3A_370 = arith.constant 0 : i32
      %dma_start3A_371 = arith.constant 0 : i32
      %dma_start3A_372 = tpu.memref_slice %arg17[%select_n3A_355, %dma_start3A_370, %dma_start3A_371] : memref<7x1x128xf32, #tpu.memory_space<vmem>> -> memref<1x1x128xf32, #tpu.memory_space<vmem>>
      %dma_start3A_373 = tpu.memref_squeeze %dma_start3A_372 : memref<1x1x128xf32, #tpu.memory_space<vmem>> -> memref<1x128xf32, #tpu.memory_space<vmem>>
      %dma_start3A_374 = arith.constant 0 : i32
      %dma_start3A_375 = tpu.memref_slice %arg9[%dma_start3A_374, %multiple_of3A] : memref<1x1000000xf32, #tpu.memory_space<hbm>> -> memref<1x128xf32, #tpu.memory_space<hbm>>
      %dma_start3A_376 = tpu.memref_slice %arg19[%select_n3A_355] : memref<7x!tpu.dma_semaphore, #tpu.memory_space<semaphore_mem>> -> memref<1x!tpu.dma_semaphore, #tpu.memory_space<semaphore_mem>>
      %dma_start3A_377 = tpu.memref_squeeze %dma_start3A_376 : memref<1x!tpu.dma_semaphore, #tpu.memory_space<semaphore_mem>> -> memref<!tpu.dma_semaphore, #tpu.memory_space<semaphore_mem>>
      %dma_start3A_378 = arith.constant 0 : i32
      %dma_start3A_379 = arith.constant 0 : i32
      %dma_start3A_380 = tpu.memref_slice %arg17[%select_n3A_355, %dma_start3A_378, %dma_start3A_379] : memref<7x1x128xf32, #tpu.memory_space<vmem>> -> memref<1x1x128xf32, #tpu.memory_space<vmem>>
      %dma_start3A_381 = tpu.memref_squeeze %dma_start3A_380 : memref<1x1x128xf32, #tpu.memory_space<vmem>> -> memref<1x128xf32, #tpu.memory_space<vmem>>
      %dma_start3A_382 = arith.constant 0 : i32
      %dma_start3A_383 = tpu.memref_slice %arg9[%dma_start3A_382, %multiple_of3A] : memref<1x1000000xf32, #tpu.memory_space<hbm>> -> memref<1x128xf32, #tpu.memory_space<hbm>>
      tpu.enqueue_dma source(%dma_start3A_383 : memref<1x128xf32, #tpu.memory_space<hbm>>) target(%dma_start3A_381 : memref<1x128xf32, #tpu.memory_space<vmem>>) target_semaphore(%dma_start3A_377 : memref<!tpu.dma_semaphore, #tpu.memory_space<semaphore_mem>>)
    } else {
    }
    %gt3A_205 = arith.constant 2 : i32
    %gt3A_206 = arith.cmpi sgt, %scan3A_193#1, %gt3A_205 : i32
    %convert_element_type3A_207 = arith.extui %gt3A_206 : i1 to i32
    %cond3A_208 = arith.constant 0 : i32
    %cond3A_209 = arith.cmpi ne, %convert_element_type3A_207, %cond3A_208 : i32
    scf.if %cond3A_209 {
      %get3A = arith.constant 2 : i32
      %get3A_342 = arith.index_cast %get3A : i32 to index
      %get3A_343 = memref.load %arg14[%get3A_342] : memref<512xi32, #tpu.memory_space<smem>>
      %mul3A_344 = arith.constant 128 : i32
      %mul3A_345 = arith.muli %get3A_343, %mul3A_344 : i32
      %multiple_of3A = tpu.assume_multiple %mul3A_345, 128 : i32
      %jit3A = arith.constant 2 : i32
      %jit3A_346 = arith.constant 7 : i32
      %eq3A = arith.constant 0 : i32
      %eq3A_347 = arith.cmpi eq, %jit3A_346, %eq3A : i32
      %jit3A_348 = arith.constant 1 : i32
      %select_n3A = arith.select %eq3A_347, %jit3A_348, %jit3A_346 : i32
      %rem3A = arith.remsi %jit3A, %select_n3A : i32
      %ne3A = arith.constant 0 : i32
      %ne3A_349 = arith.cmpi ne, %rem3A, %ne3A : i32
      %lt3A = arith.constant 0 : i32
      %lt3A_350 = arith.cmpi slt, %rem3A, %lt3A : i32
      %lt3A_351 = arith.constant 0 : i32
      %lt3A_352 = arith.cmpi slt, %select_n3A, %lt3A_351 : i32
      %ne3A_353 = arith.xori %lt3A_350, %lt3A_352 : i1
      %and3A = arith.andi %ne3A_353, %ne3A_349 : i1
      %add3A_354 = arith.addi %rem3A, %select_n3A : i32
      %select_n3A_355 = arith.select %and3A, %add3A_354, %rem3A : i32
      %dma_start3A_356 = arith.constant 0 : i32
      %dma_start3A_357 = arith.constant 0 : i32
      %dma_start3A_358 = tpu.memref_slice %arg16[%select_n3A_355, %dma_start3A_356, %dma_start3A_357] : memref<7x64x128xf32, #tpu.memory_space<vmem>> -> memref<1x64x128xf32, #tpu.memory_space<vmem>>
      %dma_start3A_359 = tpu.memref_squeeze %dma_start3A_358 : memref<1x64x128xf32, #tpu.memory_space<vmem>> -> memref<64x128xf32, #tpu.memory_space<vmem>>
      %dma_start3A_360 = arith.constant 0 : i32
      %dma_start3A_361 = tpu.memref_slice %arg7[%dma_start3A_360, %multiple_of3A] : memref<64x1000000xf32, #tpu.memory_space<hbm>> -> memref<64x128xf32, #tpu.memory_space<hbm>>
      %dma_start3A_362 = tpu.memref_slice %arg19[%select_n3A_355] : memref<7x!tpu.dma_semaphore, #tpu.memory_space<semaphore_mem>> -> memref<1x!tpu.dma_semaphore, #tpu.memory_space<semaphore_mem>>
      %dma_start3A_363 = tpu.memref_squeeze %dma_start3A_362 : memref<1x!tpu.dma_semaphore, #tpu.memory_space<semaphore_mem>> -> memref<!tpu.dma_semaphore, #tpu.memory_space<semaphore_mem>>
      %dma_start3A_364 = arith.constant 0 : i32
      %dma_start3A_365 = arith.constant 0 : i32
      %dma_start3A_366 = tpu.memref_slice %arg16[%select_n3A_355, %dma_start3A_364, %dma_start3A_365] : memref<7x64x128xf32, #tpu.memory_space<vmem>> -> memref<1x64x128xf32, #tpu.memory_space<vmem>>
      %dma_start3A_367 = tpu.memref_squeeze %dma_start3A_366 : memref<1x64x128xf32, #tpu.memory_space<vmem>> -> memref<64x128xf32, #tpu.memory_space<vmem>>
      %dma_start3A_368 = arith.constant 0 : i32
      %dma_start3A_369 = tpu.memref_slice %arg7[%dma_start3A_368, %multiple_of3A] : memref<64x1000000xf32, #tpu.memory_space<hbm>> -> memref<64x128xf32, #tpu.memory_space<hbm>>
      tpu.enqueue_dma source(%dma_start3A_369 : memref<64x128xf32, #tpu.memory_space<hbm>>) target(%dma_start3A_367 : memref<64x128xf32, #tpu.memory_space<vmem>>) target_semaphore(%dma_start3A_363 : memref<!tpu.dma_semaphore, #tpu.memory_space<semaphore_mem>>)
      %dma_start3A_370 = arith.constant 0 : i32
      %dma_start3A_371 = arith.constant 0 : i32
      %dma_start3A_372 = tpu.memref_slice %arg17[%select_n3A_355, %dma_start3A_370, %dma_start3A_371] : memref<7x1x128xf32, #tpu.memory_space<vmem>> -> memref<1x1x128xf32, #tpu.memory_space<vmem>>
      %dma_start3A_373 = tpu.memref_squeeze %dma_start3A_372 : memref<1x1x128xf32, #tpu.memory_space<vmem>> -> memref<1x128xf32, #tpu.memory_space<vmem>>
      %dma_start3A_374 = arith.constant 0 : i32
      %dma_start3A_375 = tpu.memref_slice %arg9[%dma_start3A_374, %multiple_of3A] : memref<1x1000000xf32, #tpu.memory_space<hbm>> -> memref<1x128xf32, #tpu.memory_space<hbm>>
      %dma_start3A_376 = tpu.memref_slice %arg19[%select_n3A_355] : memref<7x!tpu.dma_semaphore, #tpu.memory_space<semaphore_mem>> -> memref<1x!tpu.dma_semaphore, #tpu.memory_space<semaphore_mem>>
      %dma_start3A_377 = tpu.memref_squeeze %dma_start3A_376 : memref<1x!tpu.dma_semaphore, #tpu.memory_space<semaphore_mem>> -> memref<!tpu.dma_semaphore, #tpu.memory_space<semaphore_mem>>
      %dma_start3A_378 = arith.constant 0 : i32
      %dma_start3A_379 = arith.constant 0 : i32
      %dma_start3A_380 = tpu.memref_slice %arg17[%select_n3A_355, %dma_start3A_378, %dma_start3A_379] : memref<7x1x128xf32, #tpu.memory_space<vmem>> -> memref<1x1x128xf32, #tpu.memory_space<vmem>>
      %dma_start3A_381 = tpu.memref_squeeze %dma_start3A_380 : memref<1x1x128xf32, #tpu.memory_space<vmem>> -> memref<1x128xf32, #tpu.memory_space<vmem>>
      %dma_start3A_382 = arith.constant 0 : i32
      %dma_start3A_383 = tpu.memref_slice %arg9[%dma_start3A_382, %multiple_of3A] : memref<1x1000000xf32, #tpu.memory_space<hbm>> -> memref<1x128xf32, #tpu.memory_space<hbm>>
      tpu.enqueue_dma source(%dma_start3A_383 : memref<1x128xf32, #tpu.memory_space<hbm>>) target(%dma_start3A_381 : memref<1x128xf32, #tpu.memory_space<vmem>>) target_semaphore(%dma_start3A_377 : memref<!tpu.dma_semaphore, #tpu.memory_space<semaphore_mem>>)
    } else {
    }
    %gt3A_210 = arith.constant 3 : i32
    %gt3A_211 = arith.cmpi sgt, %scan3A_193#1, %gt3A_210 : i32
    %convert_element_type3A_212 = arith.extui %gt3A_211 : i1 to i32
    %cond3A_213 = arith.constant 0 : i32
    %cond3A_214 = arith.cmpi ne, %convert_element_type3A_212, %cond3A_213 : i32
    scf.if %cond3A_214 {
      %get3A = arith.constant 3 : i32
      %get3A_342 = arith.index_cast %get3A : i32 to index
      %get3A_343 = memref.load %arg14[%get3A_342] : memref<512xi32, #tpu.memory_space<smem>>
      %mul3A_344 = arith.constant 128 : i32
      %mul3A_345 = arith.muli %get3A_343, %mul3A_344 : i32
      %multiple_of3A = tpu.assume_multiple %mul3A_345, 128 : i32
      %jit3A = arith.constant 3 : i32
      %jit3A_346 = arith.constant 7 : i32
      %eq3A = arith.constant 0 : i32
      %eq3A_347 = arith.cmpi eq, %jit3A_346, %eq3A : i32
      %jit3A_348 = arith.constant 1 : i32
      %select_n3A = arith.select %eq3A_347, %jit3A_348, %jit3A_346 : i32
      %rem3A = arith.remsi %jit3A, %select_n3A : i32
      %ne3A = arith.constant 0 : i32
      %ne3A_349 = arith.cmpi ne, %rem3A, %ne3A : i32
      %lt3A = arith.constant 0 : i32
      %lt3A_350 = arith.cmpi slt, %rem3A, %lt3A : i32
      %lt3A_351 = arith.constant 0 : i32
      %lt3A_352 = arith.cmpi slt, %select_n3A, %lt3A_351 : i32
      %ne3A_353 = arith.xori %lt3A_350, %lt3A_352 : i1
      %and3A = arith.andi %ne3A_353, %ne3A_349 : i1
      %add3A_354 = arith.addi %rem3A, %select_n3A : i32
      %select_n3A_355 = arith.select %and3A, %add3A_354, %rem3A : i32
      %dma_start3A_356 = arith.constant 0 : i32
      %dma_start3A_357 = arith.constant 0 : i32
      %dma_start3A_358 = tpu.memref_slice %arg16[%select_n3A_355, %dma_start3A_356, %dma_start3A_357] : memref<7x64x128xf32, #tpu.memory_space<vmem>> -> memref<1x64x128xf32, #tpu.memory_space<vmem>>
      %dma_start3A_359 = tpu.memref_squeeze %dma_start3A_358 : memref<1x64x128xf32, #tpu.memory_space<vmem>> -> memref<64x128xf32, #tpu.memory_space<vmem>>
      %dma_start3A_360 = arith.constant 0 : i32
      %dma_start3A_361 = tpu.memref_slice %arg7[%dma_start3A_360, %multiple_of3A] : memref<64x1000000xf32, #tpu.memory_space<hbm>> -> memref<64x128xf32, #tpu.memory_space<hbm>>
      %dma_start3A_362 = tpu.memref_slice %arg19[%select_n3A_355] : memref<7x!tpu.dma_semaphore, #tpu.memory_space<semaphore_mem>> -> memref<1x!tpu.dma_semaphore, #tpu.memory_space<semaphore_mem>>
      %dma_start3A_363 = tpu.memref_squeeze %dma_start3A_362 : memref<1x!tpu.dma_semaphore, #tpu.memory_space<semaphore_mem>> -> memref<!tpu.dma_semaphore, #tpu.memory_space<semaphore_mem>>
      %dma_start3A_364 = arith.constant 0 : i32
      %dma_start3A_365 = arith.constant 0 : i32
      %dma_start3A_366 = tpu.memref_slice %arg16[%select_n3A_355, %dma_start3A_364, %dma_start3A_365] : memref<7x64x128xf32, #tpu.memory_space<vmem>> -> memref<1x64x128xf32, #tpu.memory_space<vmem>>
      %dma_start3A_367 = tpu.memref_squeeze %dma_start3A_366 : memref<1x64x128xf32, #tpu.memory_space<vmem>> -> memref<64x128xf32, #tpu.memory_space<vmem>>
      %dma_start3A_368 = arith.constant 0 : i32
      %dma_start3A_369 = tpu.memref_slice %arg7[%dma_start3A_368, %multiple_of3A] : memref<64x1000000xf32, #tpu.memory_space<hbm>> -> memref<64x128xf32, #tpu.memory_space<hbm>>
      tpu.enqueue_dma source(%dma_start3A_369 : memref<64x128xf32, #tpu.memory_space<hbm>>) target(%dma_start3A_367 : memref<64x128xf32, #tpu.memory_space<vmem>>) target_semaphore(%dma_start3A_363 : memref<!tpu.dma_semaphore, #tpu.memory_space<semaphore_mem>>)
      %dma_start3A_370 = arith.constant 0 : i32
      %dma_start3A_371 = arith.constant 0 : i32
      %dma_start3A_372 = tpu.memref_slice %arg17[%select_n3A_355, %dma_start3A_370, %dma_start3A_371] : memref<7x1x128xf32, #tpu.memory_space<vmem>> -> memref<1x1x128xf32, #tpu.memory_space<vmem>>
      %dma_start3A_373 = tpu.memref_squeeze %dma_start3A_372 : memref<1x1x128xf32, #tpu.memory_space<vmem>> -> memref<1x128xf32, #tpu.memory_space<vmem>>
      %dma_start3A_374 = arith.constant 0 : i32
      %dma_start3A_375 = tpu.memref_slice %arg9[%dma_start3A_374, %multiple_of3A] : memref<1x1000000xf32, #tpu.memory_space<hbm>> -> memref<1x128xf32, #tpu.memory_space<hbm>>
      %dma_start3A_376 = tpu.memref_slice %arg19[%select_n3A_355] : memref<7x!tpu.dma_semaphore, #tpu.memory_space<semaphore_mem>> -> memref<1x!tpu.dma_semaphore, #tpu.memory_space<semaphore_mem>>
      %dma_start3A_377 = tpu.memref_squeeze %dma_start3A_376 : memref<1x!tpu.dma_semaphore, #tpu.memory_space<semaphore_mem>> -> memref<!tpu.dma_semaphore, #tpu.memory_space<semaphore_mem>>
      %dma_start3A_378 = arith.constant 0 : i32
      %dma_start3A_379 = arith.constant 0 : i32
      %dma_start3A_380 = tpu.memref_slice %arg17[%select_n3A_355, %dma_start3A_378, %dma_start3A_379] : memref<7x1x128xf32, #tpu.memory_space<vmem>> -> memref<1x1x128xf32, #tpu.memory_space<vmem>>
      %dma_start3A_381 = tpu.memref_squeeze %dma_start3A_380 : memref<1x1x128xf32, #tpu.memory_space<vmem>> -> memref<1x128xf32, #tpu.memory_space<vmem>>
      %dma_start3A_382 = arith.constant 0 : i32
      %dma_start3A_383 = tpu.memref_slice %arg9[%dma_start3A_382, %multiple_of3A] : memref<1x1000000xf32, #tpu.memory_space<hbm>> -> memref<1x128xf32, #tpu.memory_space<hbm>>
      tpu.enqueue_dma source(%dma_start3A_383 : memref<1x128xf32, #tpu.memory_space<hbm>>) target(%dma_start3A_381 : memref<1x128xf32, #tpu.memory_space<vmem>>) target_semaphore(%dma_start3A_377 : memref<!tpu.dma_semaphore, #tpu.memory_space<semaphore_mem>>)
    } else {
    }
    %gt3A_215 = arith.constant 4 : i32
    %gt3A_216 = arith.cmpi sgt, %scan3A_193#1, %gt3A_215 : i32
    %convert_element_type3A_217 = arith.extui %gt3A_216 : i1 to i32
    %cond3A_218 = arith.constant 0 : i32
    %cond3A_219 = arith.cmpi ne, %convert_element_type3A_217, %cond3A_218 : i32
    scf.if %cond3A_219 {
      %get3A = arith.constant 4 : i32
      %get3A_342 = arith.index_cast %get3A : i32 to index
      %get3A_343 = memref.load %arg14[%get3A_342] : memref<512xi32, #tpu.memory_space<smem>>
      %mul3A_344 = arith.constant 128 : i32
      %mul3A_345 = arith.muli %get3A_343, %mul3A_344 : i32
      %multiple_of3A = tpu.assume_multiple %mul3A_345, 128 : i32
      %jit3A = arith.constant 4 : i32
      %jit3A_346 = arith.constant 7 : i32
      %eq3A = arith.constant 0 : i32
      %eq3A_347 = arith.cmpi eq, %jit3A_346, %eq3A : i32
      %jit3A_348 = arith.constant 1 : i32
      %select_n3A = arith.select %eq3A_347, %jit3A_348, %jit3A_346 : i32
      %rem3A = arith.remsi %jit3A, %select_n3A : i32
      %ne3A = arith.constant 0 : i32
      %ne3A_349 = arith.cmpi ne, %rem3A, %ne3A : i32
      %lt3A = arith.constant 0 : i32
      %lt3A_350 = arith.cmpi slt, %rem3A, %lt3A : i32
      %lt3A_351 = arith.constant 0 : i32
      %lt3A_352 = arith.cmpi slt, %select_n3A, %lt3A_351 : i32
      %ne3A_353 = arith.xori %lt3A_350, %lt3A_352 : i1
      %and3A = arith.andi %ne3A_353, %ne3A_349 : i1
      %add3A_354 = arith.addi %rem3A, %select_n3A : i32
      %select_n3A_355 = arith.select %and3A, %add3A_354, %rem3A : i32
      %dma_start3A_356 = arith.constant 0 : i32
      %dma_start3A_357 = arith.constant 0 : i32
      %dma_start3A_358 = tpu.memref_slice %arg16[%select_n3A_355, %dma_start3A_356, %dma_start3A_357] : memref<7x64x128xf32, #tpu.memory_space<vmem>> -> memref<1x64x128xf32, #tpu.memory_space<vmem>>
      %dma_start3A_359 = tpu.memref_squeeze %dma_start3A_358 : memref<1x64x128xf32, #tpu.memory_space<vmem>> -> memref<64x128xf32, #tpu.memory_space<vmem>>
      %dma_start3A_360 = arith.constant 0 : i32
      %dma_start3A_361 = tpu.memref_slice %arg7[%dma_start3A_360, %multiple_of3A] : memref<64x1000000xf32, #tpu.memory_space<hbm>> -> memref<64x128xf32, #tpu.memory_space<hbm>>
      %dma_start3A_362 = tpu.memref_slice %arg19[%select_n3A_355] : memref<7x!tpu.dma_semaphore, #tpu.memory_space<semaphore_mem>> -> memref<1x!tpu.dma_semaphore, #tpu.memory_space<semaphore_mem>>
      %dma_start3A_363 = tpu.memref_squeeze %dma_start3A_362 : memref<1x!tpu.dma_semaphore, #tpu.memory_space<semaphore_mem>> -> memref<!tpu.dma_semaphore, #tpu.memory_space<semaphore_mem>>
      %dma_start3A_364 = arith.constant 0 : i32
      %dma_start3A_365 = arith.constant 0 : i32
      %dma_start3A_366 = tpu.memref_slice %arg16[%select_n3A_355, %dma_start3A_364, %dma_start3A_365] : memref<7x64x128xf32, #tpu.memory_space<vmem>> -> memref<1x64x128xf32, #tpu.memory_space<vmem>>
      %dma_start3A_367 = tpu.memref_squeeze %dma_start3A_366 : memref<1x64x128xf32, #tpu.memory_space<vmem>> -> memref<64x128xf32, #tpu.memory_space<vmem>>
      %dma_start3A_368 = arith.constant 0 : i32
      %dma_start3A_369 = tpu.memref_slice %arg7[%dma_start3A_368, %multiple_of3A] : memref<64x1000000xf32, #tpu.memory_space<hbm>> -> memref<64x128xf32, #tpu.memory_space<hbm>>
      tpu.enqueue_dma source(%dma_start3A_369 : memref<64x128xf32, #tpu.memory_space<hbm>>) target(%dma_start3A_367 : memref<64x128xf32, #tpu.memory_space<vmem>>) target_semaphore(%dma_start3A_363 : memref<!tpu.dma_semaphore, #tpu.memory_space<semaphore_mem>>)
      %dma_start3A_370 = arith.constant 0 : i32
      %dma_start3A_371 = arith.constant 0 : i32
      %dma_start3A_372 = tpu.memref_slice %arg17[%select_n3A_355, %dma_start3A_370, %dma_start3A_371] : memref<7x1x128xf32, #tpu.memory_space<vmem>> -> memref<1x1x128xf32, #tpu.memory_space<vmem>>
      %dma_start3A_373 = tpu.memref_squeeze %dma_start3A_372 : memref<1x1x128xf32, #tpu.memory_space<vmem>> -> memref<1x128xf32, #tpu.memory_space<vmem>>
      %dma_start3A_374 = arith.constant 0 : i32
      %dma_start3A_375 = tpu.memref_slice %arg9[%dma_start3A_374, %multiple_of3A] : memref<1x1000000xf32, #tpu.memory_space<hbm>> -> memref<1x128xf32, #tpu.memory_space<hbm>>
      %dma_start3A_376 = tpu.memref_slice %arg19[%select_n3A_355] : memref<7x!tpu.dma_semaphore, #tpu.memory_space<semaphore_mem>> -> memref<1x!tpu.dma_semaphore, #tpu.memory_space<semaphore_mem>>
      %dma_start3A_377 = tpu.memref_squeeze %dma_start3A_376 : memref<1x!tpu.dma_semaphore, #tpu.memory_space<semaphore_mem>> -> memref<!tpu.dma_semaphore, #tpu.memory_space<semaphore_mem>>
      %dma_start3A_378 = arith.constant 0 : i32
      %dma_start3A_379 = arith.constant 0 : i32
      %dma_start3A_380 = tpu.memref_slice %arg17[%select_n3A_355, %dma_start3A_378, %dma_start3A_379] : memref<7x1x128xf32, #tpu.memory_space<vmem>> -> memref<1x1x128xf32, #tpu.memory_space<vmem>>
      %dma_start3A_381 = tpu.memref_squeeze %dma_start3A_380 : memref<1x1x128xf32, #tpu.memory_space<vmem>> -> memref<1x128xf32, #tpu.memory_space<vmem>>
      %dma_start3A_382 = arith.constant 0 : i32
      %dma_start3A_383 = tpu.memref_slice %arg9[%dma_start3A_382, %multiple_of3A] : memref<1x1000000xf32, #tpu.memory_space<hbm>> -> memref<1x128xf32, #tpu.memory_space<hbm>>
      tpu.enqueue_dma source(%dma_start3A_383 : memref<1x128xf32, #tpu.memory_space<hbm>>) target(%dma_start3A_381 : memref<1x128xf32, #tpu.memory_space<vmem>>) target_semaphore(%dma_start3A_377 : memref<!tpu.dma_semaphore, #tpu.memory_space<semaphore_mem>>)
    } else {
    }
    %gt3A_220 = arith.constant 5 : i32
    %gt3A_221 = arith.cmpi sgt, %scan3A_193#1, %gt3A_220 : i32
    %convert_element_type3A_222 = arith.extui %gt3A_221 : i1 to i32
    %cond3A_223 = arith.constant 0 : i32
    %cond3A_224 = arith.cmpi ne, %convert_element_type3A_222, %cond3A_223 : i32
    scf.if %cond3A_224 {
      %get3A = arith.constant 5 : i32
      %get3A_342 = arith.index_cast %get3A : i32 to index
      %get3A_343 = memref.load %arg14[%get3A_342] : memref<512xi32, #tpu.memory_space<smem>>
      %mul3A_344 = arith.constant 128 : i32
      %mul3A_345 = arith.muli %get3A_343, %mul3A_344 : i32
      %multiple_of3A = tpu.assume_multiple %mul3A_345, 128 : i32
      %jit3A = arith.constant 5 : i32
      %jit3A_346 = arith.constant 7 : i32
      %eq3A = arith.constant 0 : i32
      %eq3A_347 = arith.cmpi eq, %jit3A_346, %eq3A : i32
      %jit3A_348 = arith.constant 1 : i32
      %select_n3A = arith.select %eq3A_347, %jit3A_348, %jit3A_346 : i32
      %rem3A = arith.remsi %jit3A, %select_n3A : i32
      %ne3A = arith.constant 0 : i32
      %ne3A_349 = arith.cmpi ne, %rem3A, %ne3A : i32
      %lt3A = arith.constant 0 : i32
      %lt3A_350 = arith.cmpi slt, %rem3A, %lt3A : i32
      %lt3A_351 = arith.constant 0 : i32
      %lt3A_352 = arith.cmpi slt, %select_n3A, %lt3A_351 : i32
      %ne3A_353 = arith.xori %lt3A_350, %lt3A_352 : i1
      %and3A = arith.andi %ne3A_353, %ne3A_349 : i1
      %add3A_354 = arith.addi %rem3A, %select_n3A : i32
      %select_n3A_355 = arith.select %and3A, %add3A_354, %rem3A : i32
      %dma_start3A_356 = arith.constant 0 : i32
      %dma_start3A_357 = arith.constant 0 : i32
      %dma_start3A_358 = tpu.memref_slice %arg16[%select_n3A_355, %dma_start3A_356, %dma_start3A_357] : memref<7x64x128xf32, #tpu.memory_space<vmem>> -> memref<1x64x128xf32, #tpu.memory_space<vmem>>
      %dma_start3A_359 = tpu.memref_squeeze %dma_start3A_358 : memref<1x64x128xf32, #tpu.memory_space<vmem>> -> memref<64x128xf32, #tpu.memory_space<vmem>>
      %dma_start3A_360 = arith.constant 0 : i32
      %dma_start3A_361 = tpu.memref_slice %arg7[%dma_start3A_360, %multiple_of3A] : memref<64x1000000xf32, #tpu.memory_space<hbm>> -> memref<64x128xf32, #tpu.memory_space<hbm>>
      %dma_start3A_362 = tpu.memref_slice %arg19[%select_n3A_355] : memref<7x!tpu.dma_semaphore, #tpu.memory_space<semaphore_mem>> -> memref<1x!tpu.dma_semaphore, #tpu.memory_space<semaphore_mem>>
      %dma_start3A_363 = tpu.memref_squeeze %dma_start3A_362 : memref<1x!tpu.dma_semaphore, #tpu.memory_space<semaphore_mem>> -> memref<!tpu.dma_semaphore, #tpu.memory_space<semaphore_mem>>
      %dma_start3A_364 = arith.constant 0 : i32
      %dma_start3A_365 = arith.constant 0 : i32
      %dma_start3A_366 = tpu.memref_slice %arg16[%select_n3A_355, %dma_start3A_364, %dma_start3A_365] : memref<7x64x128xf32, #tpu.memory_space<vmem>> -> memref<1x64x128xf32, #tpu.memory_space<vmem>>
      %dma_start3A_367 = tpu.memref_squeeze %dma_start3A_366 : memref<1x64x128xf32, #tpu.memory_space<vmem>> -> memref<64x128xf32, #tpu.memory_space<vmem>>
      %dma_start3A_368 = arith.constant 0 : i32
      %dma_start3A_369 = tpu.memref_slice %arg7[%dma_start3A_368, %multiple_of3A] : memref<64x1000000xf32, #tpu.memory_space<hbm>> -> memref<64x128xf32, #tpu.memory_space<hbm>>
      tpu.enqueue_dma source(%dma_start3A_369 : memref<64x128xf32, #tpu.memory_space<hbm>>) target(%dma_start3A_367 : memref<64x128xf32, #tpu.memory_space<vmem>>) target_semaphore(%dma_start3A_363 : memref<!tpu.dma_semaphore, #tpu.memory_space<semaphore_mem>>)
      %dma_start3A_370 = arith.constant 0 : i32
      %dma_start3A_371 = arith.constant 0 : i32
      %dma_start3A_372 = tpu.memref_slice %arg17[%select_n3A_355, %dma_start3A_370, %dma_start3A_371] : memref<7x1x128xf32, #tpu.memory_space<vmem>> -> memref<1x1x128xf32, #tpu.memory_space<vmem>>
      %dma_start3A_373 = tpu.memref_squeeze %dma_start3A_372 : memref<1x1x128xf32, #tpu.memory_space<vmem>> -> memref<1x128xf32, #tpu.memory_space<vmem>>
      %dma_start3A_374 = arith.constant 0 : i32
      %dma_start3A_375 = tpu.memref_slice %arg9[%dma_start3A_374, %multiple_of3A] : memref<1x1000000xf32, #tpu.memory_space<hbm>> -> memref<1x128xf32, #tpu.memory_space<hbm>>
      %dma_start3A_376 = tpu.memref_slice %arg19[%select_n3A_355] : memref<7x!tpu.dma_semaphore, #tpu.memory_space<semaphore_mem>> -> memref<1x!tpu.dma_semaphore, #tpu.memory_space<semaphore_mem>>
      %dma_start3A_377 = tpu.memref_squeeze %dma_start3A_376 : memref<1x!tpu.dma_semaphore, #tpu.memory_space<semaphore_mem>> -> memref<!tpu.dma_semaphore, #tpu.memory_space<semaphore_mem>>
      %dma_start3A_378 = arith.constant 0 : i32
      %dma_start3A_379 = arith.constant 0 : i32
      %dma_start3A_380 = tpu.memref_slice %arg17[%select_n3A_355, %dma_start3A_378, %dma_start3A_379] : memref<7x1x128xf32, #tpu.memory_space<vmem>> -> memref<1x1x128xf32, #tpu.memory_space<vmem>>
      %dma_start3A_381 = tpu.memref_squeeze %dma_start3A_380 : memref<1x1x128xf32, #tpu.memory_space<vmem>> -> memref<1x128xf32, #tpu.memory_space<vmem>>
      %dma_start3A_382 = arith.constant 0 : i32
      %dma_start3A_383 = tpu.memref_slice %arg9[%dma_start3A_382, %multiple_of3A] : memref<1x1000000xf32, #tpu.memory_space<hbm>> -> memref<1x128xf32, #tpu.memory_space<hbm>>
      tpu.enqueue_dma source(%dma_start3A_383 : memref<1x128xf32, #tpu.memory_space<hbm>>) target(%dma_start3A_381 : memref<1x128xf32, #tpu.memory_space<vmem>>) target_semaphore(%dma_start3A_377 : memref<!tpu.dma_semaphore, #tpu.memory_space<semaphore_mem>>)
    } else {
    }
    %gt3A_225 = arith.constant 6 : i32
    %gt3A_226 = arith.cmpi sgt, %scan3A_193#1, %gt3A_225 : i32
    %convert_element_type3A_227 = arith.extui %gt3A_226 : i1 to i32
    %cond3A_228 = arith.constant 0 : i32
    %cond3A_229 = arith.cmpi ne, %convert_element_type3A_227, %cond3A_228 : i32
    scf.if %cond3A_229 {
      %get3A = arith.constant 6 : i32
      %get3A_342 = arith.index_cast %get3A : i32 to index
      %get3A_343 = memref.load %arg14[%get3A_342] : memref<512xi32, #tpu.memory_space<smem>>
      %mul3A_344 = arith.constant 128 : i32
      %mul3A_345 = arith.muli %get3A_343, %mul3A_344 : i32
      %multiple_of3A = tpu.assume_multiple %mul3A_345, 128 : i32
      %jit3A = arith.constant 6 : i32
      %jit3A_346 = arith.constant 7 : i32
      %eq3A = arith.constant 0 : i32
      %eq3A_347 = arith.cmpi eq, %jit3A_346, %eq3A : i32
      %jit3A_348 = arith.constant 1 : i32
      %select_n3A = arith.select %eq3A_347, %jit3A_348, %jit3A_346 : i32
      %rem3A = arith.remsi %jit3A, %select_n3A : i32
      %ne3A = arith.constant 0 : i32
      %ne3A_349 = arith.cmpi ne, %rem3A, %ne3A : i32
      %lt3A = arith.constant 0 : i32
      %lt3A_350 = arith.cmpi slt, %rem3A, %lt3A : i32
      %lt3A_351 = arith.constant 0 : i32
      %lt3A_352 = arith.cmpi slt, %select_n3A, %lt3A_351 : i32
      %ne3A_353 = arith.xori %lt3A_350, %lt3A_352 : i1
      %and3A = arith.andi %ne3A_353, %ne3A_349 : i1
      %add3A_354 = arith.addi %rem3A, %select_n3A : i32
      %select_n3A_355 = arith.select %and3A, %add3A_354, %rem3A : i32
      %dma_start3A_356 = arith.constant 0 : i32
      %dma_start3A_357 = arith.constant 0 : i32
      %dma_start3A_358 = tpu.memref_slice %arg16[%select_n3A_355, %dma_start3A_356, %dma_start3A_357] : memref<7x64x128xf32, #tpu.memory_space<vmem>> -> memref<1x64x128xf32, #tpu.memory_space<vmem>>
      %dma_start3A_359 = tpu.memref_squeeze %dma_start3A_358 : memref<1x64x128xf32, #tpu.memory_space<vmem>> -> memref<64x128xf32, #tpu.memory_space<vmem>>
      %dma_start3A_360 = arith.constant 0 : i32
      %dma_start3A_361 = tpu.memref_slice %arg7[%dma_start3A_360, %multiple_of3A] : memref<64x1000000xf32, #tpu.memory_space<hbm>> -> memref<64x128xf32, #tpu.memory_space<hbm>>
      %dma_start3A_362 = tpu.memref_slice %arg19[%select_n3A_355] : memref<7x!tpu.dma_semaphore, #tpu.memory_space<semaphore_mem>> -> memref<1x!tpu.dma_semaphore, #tpu.memory_space<semaphore_mem>>
      %dma_start3A_363 = tpu.memref_squeeze %dma_start3A_362 : memref<1x!tpu.dma_semaphore, #tpu.memory_space<semaphore_mem>> -> memref<!tpu.dma_semaphore, #tpu.memory_space<semaphore_mem>>
      %dma_start3A_364 = arith.constant 0 : i32
      %dma_start3A_365 = arith.constant 0 : i32
      %dma_start3A_366 = tpu.memref_slice %arg16[%select_n3A_355, %dma_start3A_364, %dma_start3A_365] : memref<7x64x128xf32, #tpu.memory_space<vmem>> -> memref<1x64x128xf32, #tpu.memory_space<vmem>>
      %dma_start3A_367 = tpu.memref_squeeze %dma_start3A_366 : memref<1x64x128xf32, #tpu.memory_space<vmem>> -> memref<64x128xf32, #tpu.memory_space<vmem>>
      %dma_start3A_368 = arith.constant 0 : i32
      %dma_start3A_369 = tpu.memref_slice %arg7[%dma_start3A_368, %multiple_of3A] : memref<64x1000000xf32, #tpu.memory_space<hbm>> -> memref<64x128xf32, #tpu.memory_space<hbm>>
      tpu.enqueue_dma source(%dma_start3A_369 : memref<64x128xf32, #tpu.memory_space<hbm>>) target(%dma_start3A_367 : memref<64x128xf32, #tpu.memory_space<vmem>>) target_semaphore(%dma_start3A_363 : memref<!tpu.dma_semaphore, #tpu.memory_space<semaphore_mem>>)
      %dma_start3A_370 = arith.constant 0 : i32
      %dma_start3A_371 = arith.constant 0 : i32
      %dma_start3A_372 = tpu.memref_slice %arg17[%select_n3A_355, %dma_start3A_370, %dma_start3A_371] : memref<7x1x128xf32, #tpu.memory_space<vmem>> -> memref<1x1x128xf32, #tpu.memory_space<vmem>>
      %dma_start3A_373 = tpu.memref_squeeze %dma_start3A_372 : memref<1x1x128xf32, #tpu.memory_space<vmem>> -> memref<1x128xf32, #tpu.memory_space<vmem>>
      %dma_start3A_374 = arith.constant 0 : i32
      %dma_start3A_375 = tpu.memref_slice %arg9[%dma_start3A_374, %multiple_of3A] : memref<1x1000000xf32, #tpu.memory_space<hbm>> -> memref<1x128xf32, #tpu.memory_space<hbm>>
      %dma_start3A_376 = tpu.memref_slice %arg19[%select_n3A_355] : memref<7x!tpu.dma_semaphore, #tpu.memory_space<semaphore_mem>> -> memref<1x!tpu.dma_semaphore, #tpu.memory_space<semaphore_mem>>
      %dma_start3A_377 = tpu.memref_squeeze %dma_start3A_376 : memref<1x!tpu.dma_semaphore, #tpu.memory_space<semaphore_mem>> -> memref<!tpu.dma_semaphore, #tpu.memory_space<semaphore_mem>>
      %dma_start3A_378 = arith.constant 0 : i32
      %dma_start3A_379 = arith.constant 0 : i32
      %dma_start3A_380 = tpu.memref_slice %arg17[%select_n3A_355, %dma_start3A_378, %dma_start3A_379] : memref<7x1x128xf32, #tpu.memory_space<vmem>> -> memref<1x1x128xf32, #tpu.memory_space<vmem>>
      %dma_start3A_381 = tpu.memref_squeeze %dma_start3A_380 : memref<1x1x128xf32, #tpu.memory_space<vmem>> -> memref<1x128xf32, #tpu.memory_space<vmem>>
      %dma_start3A_382 = arith.constant 0 : i32
      %dma_start3A_383 = tpu.memref_slice %arg9[%dma_start3A_382, %multiple_of3A] : memref<1x1000000xf32, #tpu.memory_space<hbm>> -> memref<1x128xf32, #tpu.memory_space<hbm>>
      tpu.enqueue_dma source(%dma_start3A_383 : memref<1x128xf32, #tpu.memory_space<hbm>>) target(%dma_start3A_381 : memref<1x128xf32, #tpu.memory_space<vmem>>) target_semaphore(%dma_start3A_377 : memref<!tpu.dma_semaphore, #tpu.memory_space<semaphore_mem>>)
    } else {
    }
    %scan3A_230 = arith.constant -1 : i32
    %scan3A_231 = arith.constant -1 : i32
    %scan3A_232 = arith.constant 0 : i32
    %scan3A_233 = arith.constant 512 : i32
    %scan3A_234 = arith.addi %scan3A_232, %scan3A_233 : i32
    %scan3A_235 = arith.constant 1 : i32
    %scan3A_236:2 = scf.for %scan3A_342 = %scan3A_232 to %scan3A_234 step %scan3A_235 iter_args(%scan3A_343 = %scan3A_230, %scan3A_344 = %scan3A_231) -> (i32, i32)  : i32 {
      %get3A = arith.index_cast %scan3A_342 : i32 to index
      %get3A_345 = memref.load %arg15[%get3A] : memref<512xi32, #tpu.memory_space<smem>>
      %shift_right_logical3A = arith.constant 7 : i32
      %shift_right_logical3A_346 = arith.shrui %get3A_345, %shift_right_logical3A : i32
      %eq3A = arith.constant 0 : i32
      %eq3A_347 = arith.cmpi eq, %scan3A_342, %eq3A : i32
      %ne3A = arith.cmpi ne, %shift_right_logical3A_346, %scan3A_344 : i32
      %or3A = arith.ori %eq3A_347, %ne3A : i1
      %add3A_348 = arith.constant 1 : i32
      %add3A_349 = arith.addi %scan3A_343, %add3A_348 : i32
      %select_n3A = arith.select %or3A, %add3A_349, %scan3A_343 : i32
      %jit3A = arith.constant 7 : i32
      %eq3A_350 = arith.constant 0 : i32
      %eq3A_351 = arith.cmpi eq, %jit3A, %eq3A_350 : i32
      %jit3A_352 = arith.constant 1 : i32
      %select_n3A_353 = arith.select %eq3A_351, %jit3A_352, %jit3A : i32
      %rem3A = arith.remsi %select_n3A, %select_n3A_353 : i32
      %ne3A_354 = arith.constant 0 : i32
      %ne3A_355 = arith.cmpi ne, %rem3A, %ne3A_354 : i32
      %lt3A = arith.constant 0 : i32
      %lt3A_356 = arith.cmpi slt, %rem3A, %lt3A : i32
      %lt3A_357 = arith.constant 0 : i32
      %lt3A_358 = arith.cmpi slt, %select_n3A_353, %lt3A_357 : i32
      %ne3A_359 = arith.xori %lt3A_356, %lt3A_358 : i1
      %and3A = arith.andi %ne3A_359, %ne3A_355 : i1
      %add3A_360 = arith.addi %rem3A, %select_n3A_353 : i32
      %select_n3A_361 = arith.select %and3A, %add3A_360, %rem3A : i32
      %convert_element_type3A_362 = arith.extui %or3A : i1 to i32
      %cond3A_363 = arith.constant 0 : i32
      %cond3A_364 = arith.cmpi ne, %convert_element_type3A_362, %cond3A_363 : i32
      scf.if %cond3A_364 {
        %gt3A_424 = arith.constant 0 : i32
        %gt3A_425 = arith.cmpi sgt, %select_n3A, %gt3A_424 : i32
        %add3A_426 = arith.constant 7 : i32
        %add3A_427 = arith.addi %select_n3A, %add3A_426 : i32
        %sub3A = arith.constant 1 : i32
        %sub3A_428 = arith.subi %add3A_427, %sub3A : i32
        %lt3A_429 = arith.cmpi slt, %sub3A_428, %scan3A_193#1 : i32
        %and3A_430 = arith.andi %gt3A_425, %lt3A_429 : i1
        %convert_element_type3A_431 = arith.extui %and3A_430 : i1 to i32
        %cond3A_432 = arith.constant 0 : i32
        %cond3A_433 = arith.cmpi ne, %convert_element_type3A_431, %cond3A_432 : i32
        scf.if %cond3A_433 {
          %add3A_466 = arith.constant 7 : i32
          %add3A_467 = arith.addi %select_n3A, %add3A_466 : i32
          %sub3A_468 = arith.constant 1 : i32
          %sub3A_469 = arith.subi %add3A_467, %sub3A_468 : i32
          %get3A_470 = arith.index_cast %sub3A_469 : i32 to index
          %get3A_471 = memref.load %arg14[%get3A_470] : memref<512xi32, #tpu.memory_space<smem>>
          %mul3A_472 = arith.constant 128 : i32
          %mul3A_473 = arith.muli %get3A_471, %mul3A_472 : i32
          %multiple_of3A = tpu.assume_multiple %mul3A_473, 128 : i32
          %jit3A_474 = arith.constant 7 : i32
          %eq3A_475 = arith.constant 0 : i32
          %eq3A_476 = arith.cmpi eq, %jit3A_474, %eq3A_475 : i32
          %jit3A_477 = arith.constant 1 : i32
          %select_n3A_478 = arith.select %eq3A_476, %jit3A_477, %jit3A_474 : i32
          %rem3A_479 = arith.remsi %sub3A_469, %select_n3A_478 : i32
          %ne3A_480 = arith.constant 0 : i32
          %ne3A_481 = arith.cmpi ne, %rem3A_479, %ne3A_480 : i32
          %lt3A_482 = arith.constant 0 : i32
          %lt3A_483 = arith.cmpi slt, %rem3A_479, %lt3A_482 : i32
          %lt3A_484 = arith.constant 0 : i32
          %lt3A_485 = arith.cmpi slt, %select_n3A_478, %lt3A_484 : i32
          %ne3A_486 = arith.xori %lt3A_483, %lt3A_485 : i1
          %and3A_487 = arith.andi %ne3A_486, %ne3A_481 : i1
          %add3A_488 = arith.addi %rem3A_479, %select_n3A_478 : i32
          %select_n3A_489 = arith.select %and3A_487, %add3A_488, %rem3A_479 : i32
          %dma_start3A_490 = arith.constant 0 : i32
          %dma_start3A_491 = arith.constant 0 : i32
          %dma_start3A_492 = tpu.memref_slice %arg16[%select_n3A_489, %dma_start3A_490, %dma_start3A_491] : memref<7x64x128xf32, #tpu.memory_space<vmem>> -> memref<1x64x128xf32, #tpu.memory_space<vmem>>
          %dma_start3A_493 = tpu.memref_squeeze %dma_start3A_492 : memref<1x64x128xf32, #tpu.memory_space<vmem>> -> memref<64x128xf32, #tpu.memory_space<vmem>>
          %dma_start3A_494 = arith.constant 0 : i32
          %dma_start3A_495 = tpu.memref_slice %arg7[%dma_start3A_494, %multiple_of3A] : memref<64x1000000xf32, #tpu.memory_space<hbm>> -> memref<64x128xf32, #tpu.memory_space<hbm>>
          %dma_start3A_496 = tpu.memref_slice %arg19[%select_n3A_489] : memref<7x!tpu.dma_semaphore, #tpu.memory_space<semaphore_mem>> -> memref<1x!tpu.dma_semaphore, #tpu.memory_space<semaphore_mem>>
          %dma_start3A_497 = tpu.memref_squeeze %dma_start3A_496 : memref<1x!tpu.dma_semaphore, #tpu.memory_space<semaphore_mem>> -> memref<!tpu.dma_semaphore, #tpu.memory_space<semaphore_mem>>
          %dma_start3A_498 = arith.constant 0 : i32
          %dma_start3A_499 = arith.constant 0 : i32
          %dma_start3A_500 = tpu.memref_slice %arg16[%select_n3A_489, %dma_start3A_498, %dma_start3A_499] : memref<7x64x128xf32, #tpu.memory_space<vmem>> -> memref<1x64x128xf32, #tpu.memory_space<vmem>>
          %dma_start3A_501 = tpu.memref_squeeze %dma_start3A_500 : memref<1x64x128xf32, #tpu.memory_space<vmem>> -> memref<64x128xf32, #tpu.memory_space<vmem>>
          %dma_start3A_502 = arith.constant 0 : i32
          %dma_start3A_503 = tpu.memref_slice %arg7[%dma_start3A_502, %multiple_of3A] : memref<64x1000000xf32, #tpu.memory_space<hbm>> -> memref<64x128xf32, #tpu.memory_space<hbm>>
          tpu.enqueue_dma source(%dma_start3A_503 : memref<64x128xf32, #tpu.memory_space<hbm>>) target(%dma_start3A_501 : memref<64x128xf32, #tpu.memory_space<vmem>>) target_semaphore(%dma_start3A_497 : memref<!tpu.dma_semaphore, #tpu.memory_space<semaphore_mem>>)
          %dma_start3A_504 = arith.constant 0 : i32
          %dma_start3A_505 = arith.constant 0 : i32
          %dma_start3A_506 = tpu.memref_slice %arg17[%select_n3A_489, %dma_start3A_504, %dma_start3A_505] : memref<7x1x128xf32, #tpu.memory_space<vmem>> -> memref<1x1x128xf32, #tpu.memory_space<vmem>>
          %dma_start3A_507 = tpu.memref_squeeze %dma_start3A_506 : memref<1x1x128xf32, #tpu.memory_space<vmem>> -> memref<1x128xf32, #tpu.memory_space<vmem>>
          %dma_start3A_508 = arith.constant 0 : i32
          %dma_start3A_509 = tpu.memref_slice %arg9[%dma_start3A_508, %multiple_of3A] : memref<1x1000000xf32, #tpu.memory_space<hbm>> -> memref<1x128xf32, #tpu.memory_space<hbm>>
          %dma_start3A_510 = tpu.memref_slice %arg19[%select_n3A_489] : memref<7x!tpu.dma_semaphore, #tpu.memory_space<semaphore_mem>> -> memref<1x!tpu.dma_semaphore, #tpu.memory_space<semaphore_mem>>
          %dma_start3A_511 = tpu.memref_squeeze %dma_start3A_510 : memref<1x!tpu.dma_semaphore, #tpu.memory_space<semaphore_mem>> -> memref<!tpu.dma_semaphore, #tpu.memory_space<semaphore_mem>>
          %dma_start3A_512 = arith.constant 0 : i32
          %dma_start3A_513 = arith.constant 0 : i32
          %dma_start3A_514 = tpu.memref_slice %arg17[%select_n3A_489, %dma_start3A_512, %dma_start3A_513] : memref<7x1x128xf32, #tpu.memory_space<vmem>> -> memref<1x1x128xf32, #tpu.memory_space<vmem>>
          %dma_start3A_515 = tpu.memref_squeeze %dma_start3A_514 : memref<1x1x128xf32, #tpu.memory_space<vmem>> -> memref<1x128xf32, #tpu.memory_space<vmem>>
          %dma_start3A_516 = arith.constant 0 : i32
          %dma_start3A_517 = tpu.memref_slice %arg9[%dma_start3A_516, %multiple_of3A] : memref<1x1000000xf32, #tpu.memory_space<hbm>> -> memref<1x128xf32, #tpu.memory_space<hbm>>
          tpu.enqueue_dma source(%dma_start3A_517 : memref<1x128xf32, #tpu.memory_space<hbm>>) target(%dma_start3A_515 : memref<1x128xf32, #tpu.memory_space<vmem>>) target_semaphore(%dma_start3A_511 : memref<!tpu.dma_semaphore, #tpu.memory_space<semaphore_mem>>)
        } else {
        }
        %dma_wait3A_434 = arith.constant 0 : i32
        %dma_wait3A_435 = arith.constant 0 : i32
        %dma_wait3A_436 = tpu.memref_slice %arg16[%select_n3A_361, %dma_wait3A_434, %dma_wait3A_435] : memref<7x64x128xf32, #tpu.memory_space<vmem>> -> memref<1x64x128xf32, #tpu.memory_space<vmem>>
        %dma_wait3A_437 = tpu.memref_squeeze %dma_wait3A_436 : memref<1x64x128xf32, #tpu.memory_space<vmem>> -> memref<64x128xf32, #tpu.memory_space<vmem>>
        %dma_wait3A_438 = arith.constant 0 : i32
        %dma_wait3A_439 = arith.constant 0 : i32
        %dma_wait3A_440 = tpu.memref_slice %arg7[%dma_wait3A_438, %dma_wait3A_439] : memref<64x1000000xf32, #tpu.memory_space<hbm>> -> memref<64x128xf32, #tpu.memory_space<hbm>>
        %dma_wait3A_441 = tpu.memref_slice %arg19[%select_n3A_361] : memref<7x!tpu.dma_semaphore, #tpu.memory_space<semaphore_mem>> -> memref<1x!tpu.dma_semaphore, #tpu.memory_space<semaphore_mem>>
        %dma_wait3A_442 = tpu.memref_squeeze %dma_wait3A_441 : memref<1x!tpu.dma_semaphore, #tpu.memory_space<semaphore_mem>> -> memref<!tpu.dma_semaphore, #tpu.memory_space<semaphore_mem>>
        %dma_wait3A_443 = arith.constant 0 : i32
        %dma_wait3A_444 = arith.constant 0 : i32
        %dma_wait3A_445 = tpu.memref_slice %arg16[%select_n3A_361, %dma_wait3A_443, %dma_wait3A_444] : memref<7x64x128xf32, #tpu.memory_space<vmem>> -> memref<1x64x128xf32, #tpu.memory_space<vmem>>
        %dma_wait3A_446 = tpu.memref_squeeze %dma_wait3A_445 : memref<1x64x128xf32, #tpu.memory_space<vmem>> -> memref<64x128xf32, #tpu.memory_space<vmem>>
        %dma_wait3A_447 = arith.constant 0 : i32
        %dma_wait3A_448 = arith.constant 0 : i32
        %dma_wait3A_449 = tpu.memref_slice %arg7[%dma_wait3A_447, %dma_wait3A_448] : memref<64x1000000xf32, #tpu.memory_space<hbm>> -> memref<64x128xf32, #tpu.memory_space<hbm>>
        tpu.wait_dma2 semaphore(%dma_wait3A_442 : memref<!tpu.dma_semaphore, #tpu.memory_space<semaphore_mem>>) src(%dma_wait3A_449 : memref<64x128xf32, #tpu.memory_space<hbm>>) dst(%dma_wait3A_446 : memref<64x128xf32, #tpu.memory_space<vmem>>)
        %dma_wait3A_450 = arith.constant 0 : i32
        %dma_wait3A_451 = arith.constant 0 : i32
        %dma_wait3A_452 = tpu.memref_slice %arg17[%select_n3A_361, %dma_wait3A_450, %dma_wait3A_451] : memref<7x1x128xf32, #tpu.memory_space<vmem>> -> memref<1x1x128xf32, #tpu.memory_space<vmem>>
        %dma_wait3A_453 = tpu.memref_squeeze %dma_wait3A_452 : memref<1x1x128xf32, #tpu.memory_space<vmem>> -> memref<1x128xf32, #tpu.memory_space<vmem>>
        %dma_wait3A_454 = arith.constant 0 : i32
        %dma_wait3A_455 = arith.constant 0 : i32
        %dma_wait3A_456 = tpu.memref_slice %arg9[%dma_wait3A_454, %dma_wait3A_455] : memref<1x1000000xf32, #tpu.memory_space<hbm>> -> memref<1x128xf32, #tpu.memory_space<hbm>>
        %dma_wait3A_457 = tpu.memref_slice %arg19[%select_n3A_361] : memref<7x!tpu.dma_semaphore, #tpu.memory_space<semaphore_mem>> -> memref<1x!tpu.dma_semaphore, #tpu.memory_space<semaphore_mem>>
        %dma_wait3A_458 = tpu.memref_squeeze %dma_wait3A_457 : memref<1x!tpu.dma_semaphore, #tpu.memory_space<semaphore_mem>> -> memref<!tpu.dma_semaphore, #tpu.memory_space<semaphore_mem>>
        %dma_wait3A_459 = arith.constant 0 : i32
        %dma_wait3A_460 = arith.constant 0 : i32
        %dma_wait3A_461 = tpu.memref_slice %arg17[%select_n3A_361, %dma_wait3A_459, %dma_wait3A_460] : memref<7x1x128xf32, #tpu.memory_space<vmem>> -> memref<1x1x128xf32, #tpu.memory_space<vmem>>
        %dma_wait3A_462 = tpu.memref_squeeze %dma_wait3A_461 : memref<1x1x128xf32, #tpu.memory_space<vmem>> -> memref<1x128xf32, #tpu.memory_space<vmem>>
        %dma_wait3A_463 = arith.constant 0 : i32
        %dma_wait3A_464 = arith.constant 0 : i32
        %dma_wait3A_465 = tpu.memref_slice %arg9[%dma_wait3A_463, %dma_wait3A_464] : memref<1x1000000xf32, #tpu.memory_space<hbm>> -> memref<1x128xf32, #tpu.memory_space<hbm>>
        tpu.wait_dma2 semaphore(%dma_wait3A_458 : memref<!tpu.dma_semaphore, #tpu.memory_space<semaphore_mem>>) src(%dma_wait3A_465 : memref<1x128xf32, #tpu.memory_space<hbm>>) dst(%dma_wait3A_462 : memref<1x128xf32, #tpu.memory_space<vmem>>)
      } else {
      }
      %get3A_365 = arith.index_cast %scan3A_342 : i32 to index
      %get3A_366 = memref.load %arg15[%get3A_365] : memref<512xi32, #tpu.memory_space<smem>>
      %and3A_367 = arith.constant 127 : i32
      %and3A_368 = arith.andi %get3A_366, %and3A_367 : i32
      %broadcast_in_dim3A = vector.broadcast %and3A_368 : i32 to vector<16xi32>
      %iota3A = tpu.iota {dimensions = array<i32: 0>} : vector<16xi32>
      %add3A_369 = arith.constant 0 : i32
      %add3A_370 = vector.broadcast %add3A_369 : i32 to vector<16xi32>
      %add3A_371 = arith.addi %iota3A, %add3A_370 : vector<16xi32>
      %gather3A = arith.constant 0 : i32
      %gather3A_372 = arith.constant 0 : i32
      %gather3A_373 = tpu.memref_slice %arg16[%select_n3A_361, %gather3A, %gather3A_372] : memref<7x64x128xf32, #tpu.memory_space<vmem>> -> memref<1x64x128xf32, #tpu.memory_space<vmem>>
      %gather3A_374 = tpu.memref_squeeze %gather3A_373 : memref<1x64x128xf32, #tpu.memory_space<vmem>> -> memref<64x128xf32, #tpu.memory_space<vmem>>
      %gather3A_375 = tpu.vector_load_idx %gather3A_374[%add3A_371, %broadcast_in_dim3A] : memref<64x128xf32, #tpu.memory_space<vmem>>[vector<16xi32>, vector<16xi32>], vector<16xf32>,
      %swap3A = arith.index_cast %scan3A_342 : i32 to index
      %swap3A_376 = arith.constant 0 : index
      %swap3A_377 = tpu.vector_load %arg18[%swap3A, %swap3A_376] {strides = array<i32>} : memref<512x128xf32, #tpu.memory_space<vmem>>, vector<16xf32>,
      tpu.vector_store %arg18[%swap3A, %swap3A_376], %gather3A_375 {strides = array<i32>} : memref<512x128xf32, #tpu.memory_space<vmem>>, vector<16xf32>,
      %iota3A_378 = tpu.iota {dimensions = array<i32: 0>} : vector<16xi32>
      %add3A_379 = arith.constant 16 : i32
      %add3A_380 = vector.broadcast %add3A_379 : i32 to vector<16xi32>
      %add3A_381 = arith.addi %iota3A_378, %add3A_380 : vector<16xi32>
      %gather3A_382 = arith.constant 0 : i32
      %gather3A_383 = arith.constant 0 : i32
      %gather3A_384 = tpu.memref_slice %arg16[%select_n3A_361, %gather3A_382, %gather3A_383] : memref<7x64x128xf32, #tpu.memory_space<vmem>> -> memref<1x64x128xf32, #tpu.memory_space<vmem>>
      %gather3A_385 = tpu.memref_squeeze %gather3A_384 : memref<1x64x128xf32, #tpu.memory_space<vmem>> -> memref<64x128xf32, #tpu.memory_space<vmem>>
      %gather3A_386 = tpu.vector_load_idx %gather3A_385[%add3A_381, %broadcast_in_dim3A] : memref<64x128xf32, #tpu.memory_space<vmem>>[vector<16xi32>, vector<16xi32>], vector<16xf32>,
      %swap3A_387 = arith.index_cast %scan3A_342 : i32 to index
      %swap3A_388 = arith.constant 16 : index
      %swap3A_389 = tpu.vector_load %arg18[%swap3A_387, %swap3A_388] {strides = array<i32>} : memref<512x128xf32, #tpu.memory_space<vmem>>, vector<16xf32>,
      tpu.vector_store %arg18[%swap3A_387, %swap3A_388], %gather3A_386 {strides = array<i32>} : memref<512x128xf32, #tpu.memory_space<vmem>>, vector<16xf32>,
      %iota3A_390 = tpu.iota {dimensions = array<i32: 0>} : vector<16xi32>
      %add3A_391 = arith.constant 32 : i32
      %add3A_392 = vector.broadcast %add3A_391 : i32 to vector<16xi32>
      %add3A_393 = arith.addi %iota3A_390, %add3A_392 : vector<16xi32>
      %gather3A_394 = arith.constant 0 : i32
      %gather3A_395 = arith.constant 0 : i32
      %gather3A_396 = tpu.memref_slice %arg16[%select_n3A_361, %gather3A_394, %gather3A_395] : memref<7x64x128xf32, #tpu.memory_space<vmem>> -> memref<1x64x128xf32, #tpu.memory_space<vmem>>
      %gather3A_397 = tpu.memref_squeeze %gather3A_396 : memref<1x64x128xf32, #tpu.memory_space<vmem>> -> memref<64x128xf32, #tpu.memory_space<vmem>>
      %gather3A_398 = tpu.vector_load_idx %gather3A_397[%add3A_393, %broadcast_in_dim3A] : memref<64x128xf32, #tpu.memory_space<vmem>>[vector<16xi32>, vector<16xi32>], vector<16xf32>,
      %swap3A_399 = arith.index_cast %scan3A_342 : i32 to index
      %swap3A_400 = arith.constant 32 : index
      %swap3A_401 = tpu.vector_load %arg18[%swap3A_399, %swap3A_400] {strides = array<i32>} : memref<512x128xf32, #tpu.memory_space<vmem>>, vector<16xf32>,
      tpu.vector_store %arg18[%swap3A_399, %swap3A_400], %gather3A_398 {strides = array<i32>} : memref<512x128xf32, #tpu.memory_space<vmem>>, vector<16xf32>,
      %iota3A_402 = tpu.iota {dimensions = array<i32: 0>} : vector<16xi32>
      %add3A_403 = arith.constant 48 : i32
      %add3A_404 = vector.broadcast %add3A_403 : i32 to vector<16xi32>
      %add3A_405 = arith.addi %iota3A_402, %add3A_404 : vector<16xi32>
      %gather3A_406 = arith.constant 0 : i32
      %gather3A_407 = arith.constant 0 : i32
      %gather3A_408 = tpu.memref_slice %arg16[%select_n3A_361, %gather3A_406, %gather3A_407] : memref<7x64x128xf32, #tpu.memory_space<vmem>> -> memref<1x64x128xf32, #tpu.memory_space<vmem>>
      %gather3A_409 = tpu.memref_squeeze %gather3A_408 : memref<1x64x128xf32, #tpu.memory_space<vmem>> -> memref<64x128xf32, #tpu.memory_space<vmem>>
      %gather3A_410 = tpu.vector_load_idx %gather3A_409[%add3A_405, %broadcast_in_dim3A] : memref<64x128xf32, #tpu.memory_space<vmem>>[vector<16xi32>, vector<16xi32>], vector<16xf32>,
      %swap3A_411 = arith.index_cast %scan3A_342 : i32 to index
      %swap3A_412 = arith.constant 48 : index
      %swap3A_413 = tpu.vector_load %arg18[%swap3A_411, %swap3A_412] {strides = array<i32>} : memref<512x128xf32, #tpu.memory_space<vmem>>, vector<16xf32>,
      tpu.vector_store %arg18[%swap3A_411, %swap3A_412], %gather3A_410 {strides = array<i32>} : memref<512x128xf32, #tpu.memory_space<vmem>>, vector<16xf32>,
      %broadcast_in_dim3A_414 = arith.constant 0 : i32
      %broadcast_in_dim3A_415 = vector.broadcast %broadcast_in_dim3A_414 : i32 to vector<16xi32>
      %gather3A_416 = arith.constant 0 : i32
      %gather3A_417 = arith.constant 0 : i32
      %gather3A_418 = tpu.memref_slice %arg17[%select_n3A_361, %gather3A_416, %gather3A_417] : memref<7x1x128xf32, #tpu.memory_space<vmem>> -> memref<1x1x128xf32, #tpu.memory_space<vmem>>
      %gather3A_419 = tpu.memref_squeeze %gather3A_418 : memref<1x1x128xf32, #tpu.memory_space<vmem>> -> memref<1x128xf32, #tpu.memory_space<vmem>>
      %gather3A_420 = tpu.vector_load_idx %gather3A_419[%broadcast_in_dim3A_415, %broadcast_in_dim3A] : memref<1x128xf32, #tpu.memory_space<vmem>>[vector<16xi32>, vector<16xi32>], vector<16xf32>,
      %swap3A_421 = arith.index_cast %scan3A_342 : i32 to index
      %swap3A_422 = arith.constant 64 : index
      %swap3A_423 = tpu.vector_load %arg18[%swap3A_421, %swap3A_422] {strides = array<i32>} : memref<512x128xf32, #tpu.memory_space<vmem>>, vector<16xf32>,
      tpu.vector_store %arg18[%swap3A_421, %swap3A_422], %gather3A_420 {strides = array<i32>} : memref<512x128xf32, #tpu.memory_space<vmem>>, vector<16xf32>,
      scf.yield %select_n3A, %shift_right_logical3A_346 : i32, i32
    }
    %scan3A_237 = arith.constant 512 : i32
    %dma_start3A_238 = arith.constant 0 : i32
    %dma_start3A_239 = arith.constant 0 : i32
    %dma_start3A_240 = arith.constant 0 : i32
    %dma_start3A_241 = arith.constant 0 : i32
    %dma_start3A_242 = tpu.memref_slice %arg18[%dma_start3A_240, %dma_start3A_241] : memref<512x128xf32, #tpu.memory_space<vmem>> -> memref<128x128xf32, #tpu.memory_space<vmem>>
    %dma_start3A_243 = arith.constant 0 : i32
    %dma_start3A_244 = tpu.memref_slice %arg13[%dma_start3A_238, %dma_start3A_243] : memref<4x128xi32, #tpu.memory_space<vmem>> -> memref<1x128xi32, #tpu.memory_space<vmem>>
    %dma_start3A_245 = tpu.memref_squeeze %dma_start3A_244 : memref<1x128xi32, #tpu.memory_space<vmem>> -> memref<128xi32, #tpu.memory_space<vmem>>
    %dma_start3A_246 = arith.constant 0 : i32
    %dma_start3A_247 = arith.constant 0 : i32
    %dma_start3A_248 = tpu.memref_slice %arg11[%dma_start3A_246, %dma_start3A_247] : memref<16384x128xf32, #tpu.memory_space<hbm>> -> memref<16384x128xf32, #tpu.memory_space<hbm>>
    %dma_start3A_249 = tpu.memref_slice %arg19[%dma_start3A_239] : memref<7x!tpu.dma_semaphore, #tpu.memory_space<semaphore_mem>> -> memref<1x!tpu.dma_semaphore, #tpu.memory_space<semaphore_mem>>
    %dma_start3A_250 = tpu.memref_squeeze %dma_start3A_249 : memref<1x!tpu.dma_semaphore, #tpu.memory_space<semaphore_mem>> -> memref<!tpu.dma_semaphore, #tpu.memory_space<semaphore_mem>>
    tpu.enqueue_indirect_dma source(%dma_start3A_242 : memref<128x128xf32, #tpu.memory_space<vmem>>) target(%dma_start3A_248 : memref<16384x128xf32, #tpu.memory_space<hbm>>) offsets(%dma_start3A_245 : memref<128xi32, #tpu.memory_space<vmem>>) semaphore(%dma_start3A_250 : memref<!tpu.dma_semaphore, #tpu.memory_space<semaphore_mem>>)
    %dma_start3A_251 = arith.constant 1 : i32
    %dma_start3A_252 = arith.constant 1 : i32
    %dma_start3A_253 = arith.constant 128 : i32
    %dma_start3A_254 = arith.constant 0 : i32
    %dma_start3A_255 = tpu.memref_slice %arg18[%dma_start3A_253, %dma_start3A_254] : memref<512x128xf32, #tpu.memory_space<vmem>> -> memref<128x128xf32, #tpu.memory_space<vmem>>
    %dma_start3A_256 = arith.constant 0 : i32
    %dma_start3A_257 = tpu.memref_slice %arg13[%dma_start3A_251, %dma_start3A_256] : memref<4x128xi32, #tpu.memory_space<vmem>> -> memref<1x128xi32, #tpu.memory_space<vmem>>
    %dma_start3A_258 = tpu.memref_squeeze %dma_start3A_257 : memref<1x128xi32, #tpu.memory_space<vmem>> -> memref<128xi32, #tpu.memory_space<vmem>>
    %dma_start3A_259 = arith.constant 0 : i32
    %dma_start3A_260 = arith.constant 0 : i32
    %dma_start3A_261 = tpu.memref_slice %arg11[%dma_start3A_259, %dma_start3A_260] : memref<16384x128xf32, #tpu.memory_space<hbm>> -> memref<16384x128xf32, #tpu.memory_space<hbm>>
    %dma_start3A_262 = tpu.memref_slice %arg19[%dma_start3A_252] : memref<7x!tpu.dma_semaphore, #tpu.memory_space<semaphore_mem>> -> memref<1x!tpu.dma_semaphore, #tpu.memory_space<semaphore_mem>>
    %dma_start3A_263 = tpu.memref_squeeze %dma_start3A_262 : memref<1x!tpu.dma_semaphore, #tpu.memory_space<semaphore_mem>> -> memref<!tpu.dma_semaphore, #tpu.memory_space<semaphore_mem>>
    tpu.enqueue_indirect_dma source(%dma_start3A_255 : memref<128x128xf32, #tpu.memory_space<vmem>>) target(%dma_start3A_261 : memref<16384x128xf32, #tpu.memory_space<hbm>>) offsets(%dma_start3A_258 : memref<128xi32, #tpu.memory_space<vmem>>) semaphore(%dma_start3A_263 : memref<!tpu.dma_semaphore, #tpu.memory_space<semaphore_mem>>)
    %dma_start3A_264 = arith.constant 2 : i32
    %dma_start3A_265 = arith.constant 2 : i32
    %dma_start3A_266 = arith.constant 256 : i32
    %dma_start3A_267 = arith.constant 0 : i32
    %dma_start3A_268 = tpu.memref_slice %arg18[%dma_start3A_266, %dma_start3A_267] : memref<512x128xf32, #tpu.memory_space<vmem>> -> memref<128x128xf32, #tpu.memory_space<vmem>>
    %dma_start3A_269 = arith.constant 0 : i32
    %dma_start3A_270 = tpu.memref_slice %arg13[%dma_start3A_264, %dma_start3A_269] : memref<4x128xi32, #tpu.memory_space<vmem>> -> memref<1x128xi32, #tpu.memory_space<vmem>>
    %dma_start3A_271 = tpu.memref_squeeze %dma_start3A_270 : memref<1x128xi32, #tpu.memory_space<vmem>> -> memref<128xi32, #tpu.memory_space<vmem>>
    %dma_start3A_272 = arith.constant 0 : i32
    %dma_start3A_273 = arith.constant 0 : i32
    %dma_start3A_274 = tpu.memref_slice %arg11[%dma_start3A_272, %dma_start3A_273] : memref<16384x128xf32, #tpu.memory_space<hbm>> -> memref<16384x128xf32, #tpu.memory_space<hbm>>
    %dma_start3A_275 = tpu.memref_slice %arg19[%dma_start3A_265] : memref<7x!tpu.dma_semaphore, #tpu.memory_space<semaphore_mem>> -> memref<1x!tpu.dma_semaphore, #tpu.memory_space<semaphore_mem>>
    %dma_start3A_276 = tpu.memref_squeeze %dma_start3A_275 : memref<1x!tpu.dma_semaphore, #tpu.memory_space<semaphore_mem>> -> memref<!tpu.dma_semaphore, #tpu.memory_space<semaphore_mem>>
    tpu.enqueue_indirect_dma source(%dma_start3A_268 : memref<128x128xf32, #tpu.memory_space<vmem>>) target(%dma_start3A_274 : memref<16384x128xf32, #tpu.memory_space<hbm>>) offsets(%dma_start3A_271 : memref<128xi32, #tpu.memory_space<vmem>>) semaphore(%dma_start3A_276 : memref<!tpu.dma_semaphore, #tpu.memory_space<semaphore_mem>>)
    %dma_start3A_277 = arith.constant 3 : i32
    %dma_start3A_278 = arith.constant 3 : i32
    %dma_start3A_279 = arith.constant 384 : i32
    %dma_start3A_280 = arith.constant 0 : i32
    %dma_start3A_281 = tpu.memref_slice %arg18[%dma_start3A_279, %dma_start3A_280] : memref<512x128xf32, #tpu.memory_space<vmem>> -> memref<128x128xf32, #tpu.memory_space<vmem>>
    %dma_start3A_282 = arith.constant 0 : i32
    %dma_start3A_283 = tpu.memref_slice %arg13[%dma_start3A_277, %dma_start3A_282] : memref<4x128xi32, #tpu.memory_space<vmem>> -> memref<1x128xi32, #tpu.memory_space<vmem>>
    %dma_start3A_284 = tpu.memref_squeeze %dma_start3A_283 : memref<1x128xi32, #tpu.memory_space<vmem>> -> memref<128xi32, #tpu.memory_space<vmem>>
    %dma_start3A_285 = arith.constant 0 : i32
    %dma_start3A_286 = arith.constant 0 : i32
    %dma_start3A_287 = tpu.memref_slice %arg11[%dma_start3A_285, %dma_start3A_286] : memref<16384x128xf32, #tpu.memory_space<hbm>> -> memref<16384x128xf32, #tpu.memory_space<hbm>>
    %dma_start3A_288 = tpu.memref_slice %arg19[%dma_start3A_278] : memref<7x!tpu.dma_semaphore, #tpu.memory_space<semaphore_mem>> -> memref<1x!tpu.dma_semaphore, #tpu.memory_space<semaphore_mem>>
    %dma_start3A_289 = tpu.memref_squeeze %dma_start3A_288 : memref<1x!tpu.dma_semaphore, #tpu.memory_space<semaphore_mem>> -> memref<!tpu.dma_semaphore, #tpu.memory_space<semaphore_mem>>
    tpu.enqueue_indirect_dma source(%dma_start3A_281 : memref<128x128xf32, #tpu.memory_space<vmem>>) target(%dma_start3A_287 : memref<16384x128xf32, #tpu.memory_space<hbm>>) offsets(%dma_start3A_284 : memref<128xi32, #tpu.memory_space<vmem>>) semaphore(%dma_start3A_289 : memref<!tpu.dma_semaphore, #tpu.memory_space<semaphore_mem>>)
    %dma_wait3A_290 = arith.constant 0 : i32
    %dma_wait3A_291 = arith.constant 0 : i32
    %dma_wait3A_292 = arith.constant 0 : i32
    %dma_wait3A_293 = arith.constant 0 : i32
    %dma_wait3A_294 = tpu.memref_slice %arg18[%dma_wait3A_292, %dma_wait3A_293] : memref<512x128xf32, #tpu.memory_space<vmem>> -> memref<128x128xf32, #tpu.memory_space<vmem>>
    %dma_wait3A_295 = arith.constant 0 : i32
    %dma_wait3A_296 = tpu.memref_slice %arg13[%dma_wait3A_290, %dma_wait3A_295] : memref<4x128xi32, #tpu.memory_space<vmem>> -> memref<1x128xi32, #tpu.memory_space<vmem>>
    %dma_wait3A_297 = tpu.memref_squeeze %dma_wait3A_296 : memref<1x128xi32, #tpu.memory_space<vmem>> -> memref<128xi32, #tpu.memory_space<vmem>>
    %dma_wait3A_298 = arith.constant 0 : i32
    %dma_wait3A_299 = arith.constant 0 : i32
    %dma_wait3A_300 = tpu.memref_slice %arg11[%dma_wait3A_298, %dma_wait3A_299] : memref<16384x128xf32, #tpu.memory_space<hbm>> -> memref<16384x128xf32, #tpu.memory_space<hbm>>
    %dma_wait3A_301 = tpu.memref_slice %arg19[%dma_wait3A_291] : memref<7x!tpu.dma_semaphore, #tpu.memory_space<semaphore_mem>> -> memref<1x!tpu.dma_semaphore, #tpu.memory_space<semaphore_mem>>
    %dma_wait3A_302 = tpu.memref_squeeze %dma_wait3A_301 : memref<1x!tpu.dma_semaphore, #tpu.memory_space<semaphore_mem>> -> memref<!tpu.dma_semaphore, #tpu.memory_space<semaphore_mem>>
    tpu.wait_indirect_dma semaphore(%dma_wait3A_302 : memref<!tpu.dma_semaphore, #tpu.memory_space<semaphore_mem>>) src(%dma_wait3A_294 : memref<128x128xf32, #tpu.memory_space<vmem>>) dst(%dma_wait3A_300 : memref<16384x128xf32, #tpu.memory_space<hbm>>)
    %dma_wait3A_303 = arith.constant 1 : i32
    %dma_wait3A_304 = arith.constant 1 : i32
    %dma_wait3A_305 = arith.constant 128 : i32
    %dma_wait3A_306 = arith.constant 0 : i32
    %dma_wait3A_307 = tpu.memref_slice %arg18[%dma_wait3A_305, %dma_wait3A_306] : memref<512x128xf32, #tpu.memory_space<vmem>> -> memref<128x128xf32, #tpu.memory_space<vmem>>
    %dma_wait3A_308 = arith.constant 0 : i32
    %dma_wait3A_309 = tpu.memref_slice %arg13[%dma_wait3A_303, %dma_wait3A_308] : memref<4x128xi32, #tpu.memory_space<vmem>> -> memref<1x128xi32, #tpu.memory_space<vmem>>
    %dma_wait3A_310 = tpu.memref_squeeze %dma_wait3A_309 : memref<1x128xi32, #tpu.memory_space<vmem>> -> memref<128xi32, #tpu.memory_space<vmem>>
    %dma_wait3A_311 = arith.constant 0 : i32
    %dma_wait3A_312 = arith.constant 0 : i32
    %dma_wait3A_313 = tpu.memref_slice %arg11[%dma_wait3A_311, %dma_wait3A_312] : memref<16384x128xf32, #tpu.memory_space<hbm>> -> memref<16384x128xf32, #tpu.memory_space<hbm>>
    %dma_wait3A_314 = tpu.memref_slice %arg19[%dma_wait3A_304] : memref<7x!tpu.dma_semaphore, #tpu.memory_space<semaphore_mem>> -> memref<1x!tpu.dma_semaphore, #tpu.memory_space<semaphore_mem>>
    %dma_wait3A_315 = tpu.memref_squeeze %dma_wait3A_314 : memref<1x!tpu.dma_semaphore, #tpu.memory_space<semaphore_mem>> -> memref<!tpu.dma_semaphore, #tpu.memory_space<semaphore_mem>>
    tpu.wait_indirect_dma semaphore(%dma_wait3A_315 : memref<!tpu.dma_semaphore, #tpu.memory_space<semaphore_mem>>) src(%dma_wait3A_307 : memref<128x128xf32, #tpu.memory_space<vmem>>) dst(%dma_wait3A_313 : memref<16384x128xf32, #tpu.memory_space<hbm>>)
    %dma_wait3A_316 = arith.constant 2 : i32
    %dma_wait3A_317 = arith.constant 2 : i32
    %dma_wait3A_318 = arith.constant 256 : i32
    %dma_wait3A_319 = arith.constant 0 : i32
    %dma_wait3A_320 = tpu.memref_slice %arg18[%dma_wait3A_318, %dma_wait3A_319] : memref<512x128xf32, #tpu.memory_space<vmem>> -> memref<128x128xf32, #tpu.memory_space<vmem>>
    %dma_wait3A_321 = arith.constant 0 : i32
    %dma_wait3A_322 = tpu.memref_slice %arg13[%dma_wait3A_316, %dma_wait3A_321] : memref<4x128xi32, #tpu.memory_space<vmem>> -> memref<1x128xi32, #tpu.memory_space<vmem>>
    %dma_wait3A_323 = tpu.memref_squeeze %dma_wait3A_322 : memref<1x128xi32, #tpu.memory_space<vmem>> -> memref<128xi32, #tpu.memory_space<vmem>>
    %dma_wait3A_324 = arith.constant 0 : i32
    %dma_wait3A_325 = arith.constant 0 : i32
    %dma_wait3A_326 = tpu.memref_slice %arg11[%dma_wait3A_324, %dma_wait3A_325] : memref<16384x128xf32, #tpu.memory_space<hbm>> -> memref<16384x128xf32, #tpu.memory_space<hbm>>
    %dma_wait3A_327 = tpu.memref_slice %arg19[%dma_wait3A_317] : memref<7x!tpu.dma_semaphore, #tpu.memory_space<semaphore_mem>> -> memref<1x!tpu.dma_semaphore, #tpu.memory_space<semaphore_mem>>
    %dma_wait3A_328 = tpu.memref_squeeze %dma_wait3A_327 : memref<1x!tpu.dma_semaphore, #tpu.memory_space<semaphore_mem>> -> memref<!tpu.dma_semaphore, #tpu.memory_space<semaphore_mem>>
    tpu.wait_indirect_dma semaphore(%dma_wait3A_328 : memref<!tpu.dma_semaphore, #tpu.memory_space<semaphore_mem>>) src(%dma_wait3A_320 : memref<128x128xf32, #tpu.memory_space<vmem>>) dst(%dma_wait3A_326 : memref<16384x128xf32, #tpu.memory_space<hbm>>)
    %dma_wait3A_329 = arith.constant 3 : i32
    %dma_wait3A_330 = arith.constant 3 : i32
    %dma_wait3A_331 = arith.constant 384 : i32
    %dma_wait3A_332 = arith.constant 0 : i32
    %dma_wait3A_333 = tpu.memref_slice %arg18[%dma_wait3A_331, %dma_wait3A_332] : memref<512x128xf32, #tpu.memory_space<vmem>> -> memref<128x128xf32, #tpu.memory_space<vmem>>
    %dma_wait3A_334 = arith.constant 0 : i32
    %dma_wait3A_335 = tpu.memref_slice %arg13[%dma_wait3A_329, %dma_wait3A_334] : memref<4x128xi32, #tpu.memory_space<vmem>> -> memref<1x128xi32, #tpu.memory_space<vmem>>
    %dma_wait3A_336 = tpu.memref_squeeze %dma_wait3A_335 : memref<1x128xi32, #tpu.memory_space<vmem>> -> memref<128xi32, #tpu.memory_space<vmem>>
    %dma_wait3A_337 = arith.constant 0 : i32
    %dma_wait3A_338 = arith.constant 0 : i32
    %dma_wait3A_339 = tpu.memref_slice %arg11[%dma_wait3A_337, %dma_wait3A_338] : memref<16384x128xf32, #tpu.memory_space<hbm>> -> memref<16384x128xf32, #tpu.memory_space<hbm>>
    %dma_wait3A_340 = tpu.memref_slice %arg19[%dma_wait3A_330] : memref<7x!tpu.dma_semaphore, #tpu.memory_space<semaphore_mem>> -> memref<1x!tpu.dma_semaphore, #tpu.memory_space<semaphore_mem>>
    %dma_wait3A_341 = tpu.memref_squeeze %dma_wait3A_340 : memref<1x!tpu.dma_semaphore, #tpu.memory_space<semaphore_mem>> -> memref<!tpu.dma_semaphore, #tpu.memory_space<semaphore_mem>>
    tpu.wait_indirect_dma semaphore(%dma_wait3A_341 : memref<!tpu.dma_semaphore, #tpu.memory_space<semaphore_mem>>) src(%dma_wait3A_333 : memref<128x128xf32, #tpu.memory_space<vmem>>) dst(%dma_wait3A_339 : memref<16384x128xf32, #tpu.memory_space<hbm>>)
    return
  }
}

module attributes {stable_mosaic.version = 14 : i64} {
  func.func @_mlp_body(%arg0: i32, %arg1: memref<512x128xf32, #tpu.memory_space<vmem>>, %arg2: memref<512x128xf32, #tpu.memory_space<vmem>>, %arg3: memref<128x128xf32, #tpu.memory_space<vmem>>, %arg4: memref<1x128xf32, #tpu.memory_space<vmem>>, %arg5: memref<128x64xf32, #tpu.memory_space<vmem>>, %arg6: memref<1x64xf32, #tpu.memory_space<vmem>>, %arg7: memref<64x32xf32, #tpu.memory_space<vmem>>, %arg8: memref<1x32xf32, #tpu.memory_space<vmem>>, %arg9: memref<32x1xf32, #tpu.memory_space<vmem>>, %arg10: memref<1x1xf32, #tpu.memory_space<vmem>>, %arg11: memref<512xf32, #tpu.memory_space<vmem>>) attributes {dimension_semantics = [#tpu.dimension_semantics<arbitrary>], iteration_bounds = array<i64: 32>, scalar_prefetch = 0 : i64, scratch_operands = 0 : i64, tpu.core_type = #tpu.core_type<tc>, window_params = [{transform_indices = @transform_0, window_bounds = array<i64: 512, 128>}, {transform_indices = @transform_1, window_bounds = array<i64: 512, 128>}, {pipeline_mode = #tpu.pipeline_mode<synchronous>, transform_indices = @transform_2, window_bounds = array<i64: 128, 128>}, {pipeline_mode = #tpu.pipeline_mode<synchronous>, transform_indices = @transform_3, window_bounds = array<i64: 1, 128>}, {pipeline_mode = #tpu.pipeline_mode<synchronous>, transform_indices = @transform_4, window_bounds = array<i64: 128, 64>}, {pipeline_mode = #tpu.pipeline_mode<synchronous>, transform_indices = @transform_5, window_bounds = array<i64: 1, 64>}, {pipeline_mode = #tpu.pipeline_mode<synchronous>, transform_indices = @transform_6, window_bounds = array<i64: 64, 32>}, {pipeline_mode = #tpu.pipeline_mode<synchronous>, transform_indices = @transform_7, window_bounds = array<i64: 1, 32>}, {pipeline_mode = #tpu.pipeline_mode<synchronous>, transform_indices = @transform_8, window_bounds = array<i64: 32, 1>}, {pipeline_mode = #tpu.pipeline_mode<synchronous>, transform_indices = @transform_9, window_bounds = array<i64: 1, 1>}, {transform_indices = @transform_10, window_bounds = array<i64: 512>}]} {
    %get3A = arith.constant 0 : index
    %get3A_0 = arith.constant 0 : index
    %get3A_1 = vector.load %arg1[%get3A, %get3A_0] : memref<512x128xf32, #tpu.memory_space<vmem>>, vector<512x128xf32>
    %get3A_2 = arith.constant 0 : index
    %get3A_3 = arith.constant 0 : index
    %get3A_4 = vector.load %arg2[%get3A_2, %get3A_3] : memref<512x128xf32, #tpu.memory_space<vmem>>, vector<512x128xf32>
    %slice3A = vector.extract_strided_slice %get3A_1 {offsets = [0, 0], sizes = [512, 64], strides = [1, 1]} : vector<512x128xf32> to vector<512x64xf32>
    %get3A_5 = arith.constant 0 : index
    %get3A_6 = arith.constant 0 : index
    %get3A_7 = vector.load %arg3[%get3A_5, %get3A_6] : memref<128x128xf32, #tpu.memory_space<vmem>>, vector<64x128xf32>
    %dot_general3A = arith.constant dense<0.000000e+00> : vector<512x128xf32>
    %dot_general3A_8 = tpu.matmul %slice3A, %get3A_7, %dot_general3A {dimension_numbers = #tpu.dot_dimension_numbers<[1], [0], [0], [1], [0, 0, 1, 1], [], []>, transpose_lhs_hint = false} : vector<512x64xf32>, vector<64x128xf32>, vector<512x128xf32> -> vector<512x128xf32>
    %slice3A_9 = vector.extract_strided_slice %get3A_4 {offsets = [0, 0], sizes = [512, 64], strides = [1, 1]} : vector<512x128xf32> to vector<512x64xf32>
    %get3A_10 = arith.constant 64 : index
    %get3A_11 = arith.constant 0 : index
    %get3A_12 = vector.load %arg3[%get3A_10, %get3A_11] : memref<128x128xf32, #tpu.memory_space<vmem>>, vector<64x128xf32>
    %dot_general3A_13 = arith.constant dense<0.000000e+00> : vector<512x128xf32>
    %dot_general3A_14 = tpu.matmul %slice3A_9, %get3A_12, %dot_general3A_13 {dimension_numbers = #tpu.dot_dimension_numbers<[1], [0], [0], [1], [0, 0, 1, 1], [], []>, transpose_lhs_hint = false} : vector<512x64xf32>, vector<64x128xf32>, vector<512x128xf32> -> vector<512x128xf32>
    %add3A = arith.addf %dot_general3A_8, %dot_general3A_14 : vector<512x128xf32>
    %get3A_15 = arith.constant 0 : index
    %get3A_16 = arith.constant 0 : index
    %get3A_17 = vector.load %arg4[%get3A_15, %get3A_16] : memref<1x128xf32, #tpu.memory_space<vmem>>, vector<1x128xf32>
    %add3A_18 = vector.broadcast %get3A_17 : vector<1x128xf32> to vector<512x128xf32>
    %add3A_19 = arith.addf %add3A, %add3A_18 : vector<512x128xf32>
    %max3A = arith.constant 0.000000e+00 : f32
    %max3A_20 = vector.broadcast %max3A : f32 to vector<512x128xf32>
    %max3A_21 = arith.maximumf %add3A_19, %max3A_20 : vector<512x128xf32>
    %get3A_22 = arith.constant 0 : index
    %get3A_23 = arith.constant 0 : index
    %get3A_24 = vector.load %arg5[%get3A_22, %get3A_23] : memref<128x64xf32, #tpu.memory_space<vmem>>, vector<128x64xf32>
    %dot_general3A_25 = arith.constant dense<0.000000e+00> : vector<512x64xf32>
    %dot_general3A_26 = tpu.matmul %max3A_21, %get3A_24, %dot_general3A_25 {dimension_numbers = #tpu.dot_dimension_numbers<[1], [0], [0], [1], [0, 0, 1, 1], [], []>, transpose_lhs_hint = false} : vector<512x128xf32>, vector<128x64xf32>, vector<512x64xf32> -> vector<512x64xf32>
    %get3A_27 = arith.constant 0 : index
    %get3A_28 = arith.constant 0 : index
    %get3A_29 = vector.load %arg6[%get3A_27, %get3A_28] : memref<1x64xf32, #tpu.memory_space<vmem>>, vector<1x64xf32>
    %add3A_30 = vector.broadcast %get3A_29 : vector<1x64xf32> to vector<512x64xf32>
    %add3A_31 = arith.addf %dot_general3A_26, %add3A_30 : vector<512x64xf32>
    %max3A_32 = arith.constant 0.000000e+00 : f32
    %max3A_33 = vector.broadcast %max3A_32 : f32 to vector<512x64xf32>
    %max3A_34 = arith.maximumf %add3A_31, %max3A_33 : vector<512x64xf32>
    %get3A_35 = arith.constant 0 : index
    %get3A_36 = arith.constant 0 : index
    %get3A_37 = vector.load %arg7[%get3A_35, %get3A_36] : memref<64x32xf32, #tpu.memory_space<vmem>>, vector<64x32xf32>
    %dot_general3A_38 = arith.constant dense<0.000000e+00> : vector<512x32xf32>
    %dot_general3A_39 = tpu.matmul %max3A_34, %get3A_37, %dot_general3A_38 {dimension_numbers = #tpu.dot_dimension_numbers<[1], [0], [0], [1], [0, 0, 1, 1], [], []>, transpose_lhs_hint = false} : vector<512x64xf32>, vector<64x32xf32>, vector<512x32xf32> -> vector<512x32xf32>
    %get3A_40 = arith.constant 0 : index
    %get3A_41 = arith.constant 0 : index
    %get3A_42 = vector.load %arg8[%get3A_40, %get3A_41] : memref<1x32xf32, #tpu.memory_space<vmem>>, vector<1x32xf32>
    %add3A_43 = vector.broadcast %get3A_42 : vector<1x32xf32> to vector<512x32xf32>
    %add3A_44 = arith.addf %dot_general3A_39, %add3A_43 : vector<512x32xf32>
    %max3A_45 = arith.constant 0.000000e+00 : f32
    %max3A_46 = vector.broadcast %max3A_45 : f32 to vector<512x32xf32>
    %max3A_47 = arith.maximumf %add3A_44, %max3A_46 : vector<512x32xf32>
    %get3A_48 = arith.constant 0 : index
    %get3A_49 = arith.constant 0 : index
    %get3A_50 = vector.load %arg9[%get3A_48, %get3A_49] : memref<32x1xf32, #tpu.memory_space<vmem>>, vector<32x1xf32>
    %dot_general3A_51 = arith.constant dense<0.000000e+00> : vector<512x1xf32>
    %dot_general3A_52 = tpu.matmul %max3A_47, %get3A_50, %dot_general3A_51 {dimension_numbers = #tpu.dot_dimension_numbers<[1], [0], [0], [1], [0, 0, 1, 1], [], []>, transpose_lhs_hint = false} : vector<512x32xf32>, vector<32x1xf32>, vector<512x1xf32> -> vector<512x1xf32>
    %squeeze3A = vector.shape_cast %dot_general3A_52 : vector<512x1xf32> to vector<512xf32>
    %get3A_53 = arith.constant 0 : index
    %get3A_54 = arith.constant 0 : index
    %get3A_55 = vector.load %arg10[%get3A_53, %get3A_54] : memref<1x1xf32, #tpu.memory_space<vmem>>, vector<1x1xf32>
    %get3A_56 = vector.extract %get3A_55[0, 0] : f32 from vector<1x1xf32>
    %add3A_57 = vector.broadcast %get3A_56 : f32 to vector<512xf32>
    %add3A_58 = arith.addf %squeeze3A, %add3A_57 : vector<512xf32>
    %slice3A_59 = vector.extract_strided_slice %get3A_1 {offsets = [0, 64], sizes = [512, 1], strides = [1, 1]} : vector<512x128xf32> to vector<512x1xf32>
    %squeeze3A_60 = vector.shape_cast %slice3A_59 : vector<512x1xf32> to vector<512xf32>
    %add3A_61 = arith.addf %add3A_58, %squeeze3A_60 : vector<512xf32>
    %slice3A_62 = vector.extract_strided_slice %get3A_4 {offsets = [0, 64], sizes = [512, 1], strides = [1, 1]} : vector<512x128xf32> to vector<512x1xf32>
    %squeeze3A_63 = vector.shape_cast %slice3A_62 : vector<512x1xf32> to vector<512xf32>
    %add3A_64 = arith.addf %add3A_61, %squeeze3A_63 : vector<512xf32>
    %swap3A = arith.constant 0 : index
    %swap3A_65 = vector.load %arg11[%swap3A] : memref<512xf32, #tpu.memory_space<vmem>>, vector<512xf32>
    tpu.vector_store %arg11[%swap3A], %add3A_64 {strides = array<i32>} : memref<512xf32, #tpu.memory_space<vmem>>, vector<512xf32>,
    return
  }
  func.func @transform_0(%arg0: i32) -> (i32, i32) {
    %c0_i32 = arith.constant 0 : i32
    %c0_i32_0 = arith.constant 0 : i32
    return %arg0, %c0_i32 : i32, i32
  }
  func.func @transform_1(%arg0: i32) -> (i32, i32) {
    %c0_i32 = arith.constant 0 : i32
    %c0_i32_0 = arith.constant 0 : i32
    return %arg0, %c0_i32 : i32, i32
  }
  func.func @transform_2(%arg0: i32) -> (i32, i32) {
    %c0_i32 = arith.constant 0 : i32
    %c0_i32_0 = arith.constant 0 : i32
    %c0_i32_1 = arith.constant 0 : i32
    return %c0_i32, %c0_i32_0 : i32, i32
  }
  func.func @transform_3(%arg0: i32) -> (i32, i32) {
    %c0_i32 = arith.constant 0 : i32
    %c0_i32_0 = arith.constant 0 : i32
    %c0_i32_1 = arith.constant 0 : i32
    return %c0_i32, %c0_i32_0 : i32, i32
  }
  func.func @transform_4(%arg0: i32) -> (i32, i32) {
    %c0_i32 = arith.constant 0 : i32
    %c0_i32_0 = arith.constant 0 : i32
    %c0_i32_1 = arith.constant 0 : i32
    return %c0_i32, %c0_i32_0 : i32, i32
  }
  func.func @transform_5(%arg0: i32) -> (i32, i32) {
    %c0_i32 = arith.constant 0 : i32
    %c0_i32_0 = arith.constant 0 : i32
    %c0_i32_1 = arith.constant 0 : i32
    return %c0_i32, %c0_i32_0 : i32, i32
  }
  func.func @transform_6(%arg0: i32) -> (i32, i32) {
    %c0_i32 = arith.constant 0 : i32
    %c0_i32_0 = arith.constant 0 : i32
    %c0_i32_1 = arith.constant 0 : i32
    return %c0_i32, %c0_i32_0 : i32, i32
  }
  func.func @transform_7(%arg0: i32) -> (i32, i32) {
    %c0_i32 = arith.constant 0 : i32
    %c0_i32_0 = arith.constant 0 : i32
    %c0_i32_1 = arith.constant 0 : i32
    return %c0_i32, %c0_i32_0 : i32, i32
  }
  func.func @transform_8(%arg0: i32) -> (i32, i32) {
    %c0_i32 = arith.constant 0 : i32
    %c0_i32_0 = arith.constant 0 : i32
    %c0_i32_1 = arith.constant 0 : i32
    return %c0_i32, %c0_i32_0 : i32, i32
  }
  func.func @transform_9(%arg0: i32) -> (i32, i32) {
    %c0_i32 = arith.constant 0 : i32
    %c0_i32_0 = arith.constant 0 : i32
    %c0_i32_1 = arith.constant 0 : i32
    return %c0_i32, %c0_i32_0 : i32, i32
  }
  func.func @transform_10(%arg0: i32) -> i32 {
    %c0_i32 = arith.constant 0 : i32
    return %arg0 : i32
  }
}

</mosaic_0001>

<sc_bundles>
// kernel: kernel.4.cloned.1.call-start
scs
__scs_entry_jumppad:
0x0: {  	(pc) =	sbr.rel $0x88, $3  }
0x1: {  	(tag) =	ssettag $0x0;
	lr =	simm.s32 $0x1  }
0x2: {  	[smem:$0x3F93] =	sst lr;
	_ =	strace $0xD0000000  }
0x3: {  	_ = 	snop  }
0x4: {  	_ = 	snop  }
0x5: {  	_ = 	snop  }
0x6: {  	_ = 	snop  }
0x7: {  	_ = 	snop  }
__scs_overlays_trampoline_lowered:
0x8: {  	[smem:$0x3FA2] =	sst s0  }
0x9: {  	[smem:$0x3FA3] =	sst s1  }
0xa: {  	[smem:$0x3FA4] =	sst s2  }
0xb: {  	[smem:$0x3FA5] =	sst s3  }
0xc: {  	[smem:$0x3FA6] =	sst s4  }
0xd: {  	[smem:$0x3FA7] =	sst s5  }
0xe: {  	[smem:$0x3FA8] =	sst s6  }
0xf: {  	[smem:$0x3FA9] =	sst s7  }
0x10: {  	[smem:$0x3FAA] =	sst s8  }
0x11: {  	[smem:$0x3FAB] =	sst s9;
	s0 =	simm.s32 @!p0 $0x0  }
0x12: {  	s1 =	sld [smem:$0x3F91];
	s0 =	simm.s32 @p0 $0x1  }
0x13: {  	[smem:$0x3FAC] =	sst s0;
	s0 =	simm.s32 @!p1 $0x0  }
0x14: {  	s2 =	sld [smem:$0x3F90];
	s0 =	simm.s32 @p1 $0x1  }
0x15: {  	[smem:$0x3FAD] =	sst s0;
	s0 =	simm.s32 @!p2 $0x0  }
0x16: {  	s3 =	sld [smem:$0x3FDB];
	s0 =	simm.s32 @p2 $0x1  }
0x17: {  	s4 =	simm.s32 $0x1BF5;
	[smem:$0x3FAF] =	sst s0  }
0x18: {  	s0 =	sld [smem:$0x3F92];
	_ =	swait.ge [sflag:s4], $0x0  }
0x19: {  	s7 =	sld [smem:$0x3F93]  }
0x1a: {  	s8 =	sadd.s32 $0xFFFFE003, lr  }
0x1b: {  	s9 =	sadd.s32 $0xFFFFFEF7, lr;
	s5 =	simm.s32 $0xFFFFFFFF;
	p2 =	slt.u32 s8, $0xFFFFF086  }
0x1c: {  	p1 =	slt.u32 s9, $0xF7A;
	s5 =	simm.s32 @!p2 $0x0  }
0x1d: {  	s5 =	simm.s32 @p1 $0x1;
	p0 =	seq.s32 s7, s2  }
0x1e: {  	s7 =	smul.u32 @!p0 $0xF7A, s2;
	p2 =	seq.s32 @!p0 s5, $0x0  }
0x1f: {  	s9 =	smul.u32 $0xF7A, s1;
	s8 =	simm.s32 @!p0 $0x1BF5;
	p2 =	por !p2, p0  }
0x20: {  	[sflag:s8] =	ssyncset.s32 @!p0 $0xFFFFF086;
	s6 =	sadd.s32 @!p0 s3, s7;
	s7 =	simm.s32 @!p0 $0x108  }
0x21: {  	s3 =	sadd.s32 s3, s9;
	s6 =	sadd.s32 @!p0 $0x88, s6;
	s7 =	simm.s32 @p2 $0x1082  }
0x22: {  	[simem:s7], [sflag:s8] =	dma.local @!p0 [hbm:s6], $0xF7A  }
0x23: {  	s9 =	sor.u32 $0xD0000000, s2;
	s6 =	simm.s32 $0x108;
	_ =	swait.ge @!p0 [sflag:s8], $0x0  }
0x24: {  	s3 =	sadd.s32 $0x88, s3;
	s6 =	simm.s32 @!p1 $0x1082;
	[sflag:s4] =	ssyncset.s32 $0xFFFFF086  }
0x25: {  	[simem:s6], [sflag:s4] =	dma.local [hbm:s3], $0xF7A  }
0x26: {  	[smem:$0x3F93] =	sst s1;
	(tag) =	ssettag s2;
	_ =	strace s9  }
0x27: {  	s1 =	sld [smem:$0x3FA3]  }
0x28: {  	s2 =	sld [smem:$0x3FA4]  }
0x29: {  	s4 =	sld [smem:$0x3FA6]  }
0x2a: {  	p0 =	seq.s32 s5, $0x0;
	s5 =	sld [smem:$0x3FA7]  }
0x2b: {  	s6 =	sld [smem:$0x3FA8]  }
0x2c: {  	s7 =	sld [smem:$0x3FA9]  }
0x2d: {  	s3 =	simm.s32 $0x108;
	s8 =	sld [smem:$0x3FAA]  }
0x2e: {  	s3 =	simm.s32 @!p0 $0x1082;
	s9 =	sld [smem:$0x3FAB]  }
0x2f: {  	lr =	sadd.s32 s0, s3;
	s0 =	sld [smem:$0x3FA2]  }
0x30: {  	s3 =	sld [smem:$0x3FA5]  }
0x31: {  	[smem:$0x3FAE] =	sst s10  }
0x32: {  	s10 =	sld [smem:$0x3FAC];
	_ =	sdelay $0x3  }
0x33: {  	p0 =	seq.s32 s10, $0x1;
	s10 =	sld [smem:$0x3FAE];
	_ =	sdelay $0x3  }
0x34: {  	[smem:$0x3FAE] =	sst s10  }
0x35: {  	s10 =	sld [smem:$0x3FAD];
	_ =	sdelay $0x3  }
0x36: {  	p1 =	seq.s32 s10, $0x1;
	s10 =	sld [smem:$0x3FAE];
	_ =	sdelay $0x3  }
0x37: {  	[smem:$0x3FAE] =	sst s10  }
0x38: {  	s10 =	sld [smem:$0x3FAF]  }
0x39: {  	_ = 	snop;
	(pc) =	sbr.ind lr, $3  }
0x3a: {  	_ = 	snop  }
0x3b: {  	_ = 	snop  }
0x3c: {  	p2 =	seq.s32 s10, $0x1;
	s10 =	sld [smem:$0x3FAE]  }
0x3d: {  	_ =	shalt  }
0x3e: {  	_ =	shalt  }
0x3f: {  	_ =	shalt  }
0x40: {  	_ =	shalt  }
0x41: {  	_ =	shalt  }
0x42: {  	_ =	shalt  }
0x43: {  	_ =	shalt  }
0x44: {  	_ =	shalt  }
0x45: {  	_ =	shalt  }
0x46: {  	_ =	shalt  }
0x47: {  	_ =	shalt  }
0x48: {  	_ =	shalt  }
0x49: {  	_ =	shalt  }
0x4a: {  	_ =	shalt  }
0x4b: {  	_ =	shalt  }
0x4c: {  	_ =	shalt  }
0x4d: {  	_ =	shalt  }
0x4e: {  	_ =	shalt  }
0x4f: {  	_ =	shalt  }
0x50: {  	_ =	shalt  }
0x51: {  	_ =	shalt  }
0x52: {  	_ =	shalt  }
0x53: {  	_ =	shalt  }
0x54: {  	_ =	shalt  }
0x55: {  	_ =	shalt  }
0x56: {  	_ =	shalt  }
0x57: {  	_ =	shalt  }
0x58: {  	_ =	shalt  }
0x59: {  	_ =	shalt  }
0x5a: {  	_ =	shalt  }
0x5b: {  	_ =	shalt  }
0x5c: {  	_ =	shalt  }
0x5d: {  	_ =	shalt  }
0x5e: {  	_ =	shalt  }
0x5f: {  	_ =	shalt  }
0x60: {  	_ =	shalt  }
0x61: {  	_ =	shalt  }
0x62: {  	_ =	shalt  }
0x63: {  	_ =	shalt  }
0x64: {  	_ =	shalt  }
0x65: {  	_ =	shalt  }
0x66: {  	_ =	shalt  }
0x67: {  	_ =	shalt  }
0x68: {  	_ =	shalt  }
0x69: {  	_ =	shalt  }
0x6a: {  	_ =	shalt  }
0x6b: {  	_ =	shalt  }
0x6c: {  	_ =	shalt  }
0x6d: {  	_ =	shalt  }
0x6e: {  	_ =	shalt  }
0x6f: {  	_ =	shalt  }
0x70: {  	_ =	shalt  }
0x71: {  	_ =	shalt  }
0x72: {  	_ =	shalt  }
0x73: {  	_ =	shalt  }
0x74: {  	_ =	shalt  }
0x75: {  	_ =	shalt  }
0x76: {  	_ =	shalt  }
0x77: {  	_ =	shalt  }
0x78: {  	_ =	shalt  }
0x79: {  	_ =	shalt  }
0x7a: {  	_ =	shalt  }
0x7b: {  	_ =	shalt  }
0x7c: {  	_ =	shalt  }
0x7d: {  	_ =	shalt  }
0x7e: {  	_ =	shalt  }
0x7f: {  	_ =	shalt  }
0x80: {  	_ =	shalt  }
0x81: {  	_ =	shalt  }
0x82: {  	_ =	shalt  }
0x83: {  	_ =	shalt  }
0x84: {  	_ =	shalt  }
0x85: {  	_ =	shalt  }
0x86: {  	_ =	shalt  }
0x87: {  	_ =	shalt  }
.Lfunc_end0:
.L_simem_size_0:
called_computation_lowered:
.L_overlay_start_0:
0x88: {  	s2 =	sld [smem:$0x3FD9]  }
0x89: {  	s3 =	sld [smem:$0x3FFE];
	_ =	sdelay $0x1  }
0x8a: {  	s1 =	srdreg.scid  }
0x8b: {  	s0 =	sand.u32 $0x1, s1  }
0x8c: {  	s17 =	sshll.u32 s0, $0xA;
	s2 =	sadd.s32 s3, s2  }
0x8d: {  	s2 =	sadd.s32 s2, s17  }
0x8e: {  	[smem:$0x3FBA] =	sst s2  }
0x8f: {  	_ = 	snop  }
0x90: {  	s2 =	sld [smem:$0x3FC7]  }
0x91: {  	s18 =	sld [smem:$0x3FC6]  }
0x92: {  	s4 =	sld [smem:$0x3FC5]  }
0x93: {  	s5 =	sld [smem:$0x3FC4]  }
0x94: {  	s6 =	sld [smem:$0x3FD0];
	(tm) =	ssettm $0x1  }
0x95: {  	s7 =	sld [smem:$0x3FFB];
	_ =	sdelay $0x3  }
0x96: {  	_ =	strace s7  }
0x97: {  	s7 =	sld [smem:$0x3FFC];
	_ =	sdelay $0x3  }
0x98: {  	_ =	strace s7  }
0x99: {  	s7 =	sld [smem:$0x3FFD];
	_ =	sdelay $0x3  }
0x9a: {  	_ =	strace s7  }
0x9b: {  	_ =	strace $0x8FFFFFFF  }
0x9c: {  	s19 =	sld [smem:$0x3FDB];
	_ =	sdelay $0x1  }
0x9d: {  	s8 =	simm.s32 $_scs_section_size  }
0x9e: {  	s9 =	simm.s32 $_size__tile_overlayer_lowered;
	s10 =	simm.s32 $_tile_overlayer_lowered  }
0x9f: {  	s22 =	simm.s32 $0x1BFF;
	s21 =	sshll.u32 s10, $0x1;
	s7 =	sadd.s32 s8, s19  }
0xa0: {  	s11 =	simm.s32 $0x0;
	s20 =	sshll.u32 s9, $0x1;
	s9 =	sadd.s32 s21, s7  }
0xa1: {  	[timem:s11], [sflag:s22] =	dma.local [hbm:s9], s20  }
0xa2: {  	_ =	swait.ge [sflag:s22], s20  }
0xa3: {  	s8 =	ssub.s32 $0x0, s20;
	[sflag:s22] =	ssyncset.done $0x0  }
0xa4: {  	[sflag:s22] =	ssyncadd.s32 s8;
	_ =	sdelay $0x1  }
0xa5: {  	s23 =	simm.s32 $0x1B8B  }
0xa6: {  	_ =	swait.ge [sflag:s23], $0x1  }
0xa7: {  	[sflag:s23] =	ssyncset.done $0x0  }
0xa8: {  	s25 =	simm.s32 $0x1B8E;
	s24 =	sld [smem:$0x3FFE];
	[sflag:s23] =	ssyncadd.s32 $0xFFFFFFFF  }
0xa9: {  	s26 =	simm.s32 $execute0_lowered;
	[smem:$0x3FD2] =	sst s25  }
0xaa: {  	s9 =	sshll.u32 s26, $0x1;
	_ =	strace $0x80000046;
	[dreg:$0x1] =	wrdreg $0xFFFFFFFF  }
0xab: {  	s28 =	simm.s32 $_size_execute0_lowered;
	s7 =	sadd.s32 s7, s9;
	[dreg:$0x0] =	wrdreg $0x0  }
0xac: {  	s9 =	sshll.u32 s28, $0x1;
	[dreg:$0x2] =	wrdreg s7  }
0xad: {  	[dreg:$0x3] =	wrdreg s9  }
0xae: {  	[dreg:$0x4] =	wrdreg $0xC0  }
0xaf: {  	_ =	task [dreg:s11], $0x5FFFF  }
0xb0: {  	[dreg:$0x1] =	wrdreg $0xFFFFFFFF  }
0xb1: {  	[dreg:$0x0] =	wrdreg $0x60  }
0xb2: {  	[dreg:$0x2] =	wrdreg s6  }
0xb3: {  	[dreg:$0x3] =	wrdreg s24  }
0xb4: {  	[dreg:$0x4] =	wrdreg s4  }
0xb5: {  	[dreg:$0x5] =	wrdreg s5  }
0xb6: {  	[dreg:$0x6] =	wrdreg s2  }
0xb7: {  	[dreg:$0x7] =	wrdreg s18  }
0xb8: {  	[dreg:$0x8] =	wrdreg $0x9  }
0xb9: {  	_ =	task.clear_ibuf [dreg:s11], $0x9FFFF;
	_ =	strace $0x90000046  }
0xba: {  	s29 =	simm.s32 $0x9;
	_ =	strace $0x80000048  }
0xbb: {  	_ =	swait.ge [sflag:s29], $0x1  }
0xbc: {  	[sflag:s29] =	ssyncadd.s32 $0xFFFFFFFF  }
0xbd: {  	_ =	strace $0x90000048  }
0xbe: {  	_ =	sfence  }
0xbf: {  	s30 =	sld [smem:$0x0];
	_ =	sdelay $0x2  }
0xc0: {  	s31 =	sshll.u32 s1, $0xD;
	s1 =	sshrl.u32 s1, $0x2  }
0xc1: {  	s3 =	sand.u32 $0x4000, s31;
	s1 =	sadd.s32 s1, s30  }
0xc2: {  	s0 =	sor.u32 s3, s0;
	s1 =	sshll.u32 s1, $0x11  }
0xc3: {  	s0 =	sor.u32 s1, s0  }
0xc4: {  	s0 =	sadd.s32 $0x8F2B, s0  }
0xc5: {  	[sflag:s0] =	ssyncadd.remote.s32 $0x1  }
0xc6: {  	_ =	sfence.sel $0xFFFF  }
0xc7: {  	[dreg:$0x0] =	wrdreg $0xFFFFFFFF;
	(pc) =	sbr.abs _section_cstart, $3  }
0xc8: {  	[dreg:$0x1] =	wrdreg $0xFFFFFFFF  }
0xc9: {  	_ =	task.clear_ibuf [dreg:s11], $0x2FFFF;
	_ =	strace $0x9FFFFFFF  }
0xca: {  	(tm) =	ssettm $0x7FFFFFFF  }
0xcb: {  	_ =	shalt  }
tec
execute0_lowered:
.L_overlay_start_1:
0x0: {  	(tag) =	ssettag $0x1  }
0x1: {  	s0 =	rddreg [dreg:$0x0]  }
0x2: {  	s6 =	rddreg [dreg:$0x1]  }
0x3: {  	s1 =	rddreg [dreg:$0x2]  }
0x4: {  	s2 =	rddreg [dreg:$0x3]  }
0x5: {  	s3 =	rddreg [dreg:$0x4]  }
0x6: {  	s4 =	rddreg [dreg:$0x5];
	s5 =	simm.s32 $0x0  }
0x7: {  	s7 =	srdreg.scid;
	s12 =	stileid.u32;
	s20 =	simm.s32 $0x8  }
0x8: {  	[smem:$0x7FF] =	sst s5;
	s9 =	sadd.s32 $0x1000, s6;
	s8 =	sand.u32 $0x1, s7  }
0x9: {  	s7 =	sadd.s32 $0x1800, s6;
	s12 =	sshll.u32 s12, $0x7;
	s13 =	sshll.u32 s8, $0x6  }
0xa: {  	_ =	strace $0x80000047;
	s10 =	ssub.s32 $0x2, s8;
	s12 =	sor.u32 s13, s12  }
0xb: {  	s8 =	sadd.s32 $0x41800, s6;
	s11 =	sshrl.u32 s10, $0x1;
	s0 =	sadd.s32 s0, s12  }
0xc: {  	s11 =	ssub.s32 s10, s11;
	s22 =	sadd.s32 s6, s12;
	[dreg:$0x7] =	wrdreg s0  }
0xd: {  	s23 =	sor.u32 $0x10, s12;
	s28 =	sadd.s32 s9, s12;
	[dreg:$0x8] =	wrdreg s22  }
0xe: {  	s25 =	sor.u32 $0x20, s12;
	s24 =	sadd.s32 s6, s23;
	[dreg:$0xd] =	wrdreg s28  }
0xf: {  	s14 =	sor.u32 $0x30, s12;
	s15 =	sadd.s32 s6, s25;
	[dreg:$0x9] =	wrdreg s24  }
0x10: {  	s12 =	simm.s32 $0x200;
	s6 =	sadd.s32 s6, s14;
	[dreg:$0xa] =	wrdreg s15  }
0x11: {  	s26 =	sadd.s32 $0x800, s22;
	s0 =	sadd.s32 s9, s23;
	[dreg:$0xb] =	wrdreg s6  }
0x12: {  	s29 =	sadd.s32 s9, s25;
	s30 =	sadd.s32 s9, s14;
	[dreg:$0xc] =	wrdreg s26  }
.Ltmp0:
0x13: {  	s31 =	smax.u32 s11, $0x1;
	[dreg:$0xe] =	wrdreg s0;
	(pc) =	sbr.rel .LBB2_1-.Ltmp0, $4  }
0x14: {  	v0 =	vlaneseq.u32;
	s22 =	simm.s32 $0x280;
	s23 =	simm.s32 $0x300;
	[dreg:$0xf] =	wrdreg s29  }
0x15: {  	v0 =	vmul.u32 $0x80, v0;
	s25 =	simm.s32 $0x1;
	s9 =	simm.s32 $0x4;
	[dreg:$0x10] =	wrdreg s30  }
0x16: {  	s11 =	simm.s32 $0x0;
	[dreg:$0x11] =	wrdreg s31;
	s24 =	simm.s32 $0x380  }
0x17: {  	v1 =	vor.u32 $0x800, v0;
	v2 =	vor.u32 $0x1000, v0;
	v3 =	vor.u32 $0x1800, v0;
	s26 =	simm.s32 $0x80;
	s0 =	simm.s32 $0x2;
	s6 =	simm.s32 $0x3  }
.LBB2_21:
0x18: {  	s12 =	simm.s32 $0x200;
	s10 =	simm.s32 $0xE780  }
0x19: {  	[hbm4b:s8+s26] =	stream.indirect.scatter [tilespmem:s10], [sflag:$0x1], $0x80, s12, s26, $0xb8;
	[tilespmem:$0x1E780] =	vst v63  }
0x1a: {  	s28 =	simm.s32 $0x12780  }
0x1b: {  	[hbm4b:s8+s26] =	stream.indirect.scatter [tilespmem:s28], [sflag:$0x2], $0x80, s22, s26, $0xb8;
	[tilespmem:$0x1E780] =	vst v63  }
0x1c: {  	s29 =	simm.s32 $0x16780  }
0x1d: {  	[hbm4b:s8+s26] =	stream.indirect.scatter [tilespmem:s29], [sflag:$0x3], $0x80, s23, s26, $0xb8;
	[tilespmem:$0x1E780] =	vst v63  }
0x1e: {  	s30 =	simm.s32 $0x1A780  }
0x1f: {  	[hbm4b:s8+s26] =	stream.indirect.scatter [tilespmem:s30], [sflag:$0x4], $0x80, s24, s26, $0xb8;
	[tilespmem:$0x1E780] =	vst v63  }
0x20: {  	_ =	swait.ge [sflag:s25], $0x4000  }
0x21: {  	[sflag:s25] =	ssyncset.done $0x0  }
0x22: {  	[sflag:s25] =	ssyncadd.s32 $0xFFFFC000  }
0x23: {  	_ =	swait.ge [sflag:s0], $0x4000  }
0x24: {  	[sflag:s0] =	ssyncset.done $0x0  }
0x25: {  	[sflag:s0] =	ssyncadd.s32 $0xFFFFC000  }
0x26: {  	_ =	swait.ge [sflag:s6], $0x4000  }
0x27: {  	[sflag:s6] =	ssyncset.done $0x0  }
0x28: {  	[sflag:s6] =	ssyncadd.s32 $0xFFFFC000  }
0x29: {  	_ =	swait.ge [sflag:s9], $0x4000  }
0x2a: {  	s11 =	sadd.s32 $0x1, s11;
	s31 =	rddreg [dreg:$0x11]  }
0x2b: {  	p0 =	sne.s32 s11, s31  }
.Ltmp1:
0x2c: {  	_ = 	snop;
	(pc) =	sbr.rel @!p0 .LBB2_22-.Ltmp1, $3  }
0x2d: {  	_ =	sdelay $0x1  }
0x2e: {  	[sflag:s9] =	ssyncset.done $0x0  }
0x2f: {  	[sflag:s9] =	ssyncadd.s32 $0xFFFFC000  }
.LBB2_1:
0x30: {  	s10 =	rddreg [dreg:$0x7]  }
0x31: {  	[tilespmem:s5], [sflag:$0x8] =	stream.linear.gather [hbm4b:s10+s5], $0x200, $0x38;
	[tilespmem:$0x1E780] =	vst v63  }
0x32: {  	_ =	swait.ge [sflag:s20], $0x200  }
0x33: {  	[sflag:s20] =	ssyncset.done $0x0  }
0x34: {  	s19 =	rddreg [dreg:$0x8];
	[sflag:s20] =	ssyncadd.s32 $0xFFFFFE00  }
0x35: {  	[tilespmem:s12], [sflag:$0x8] =	stream.linear.gather [hbm4b:s19+s5], $0x80, $0x38;
	[tilespmem:$0x1E780] =	vst v63  }
0x36: {  	_ =	swait.ge [sflag:s20], $0x80  }
0x37: {  	[sflag:s20] =	ssyncset.done $0x0  }
0x38: {  	s21 =	rddreg [dreg:$0x9];
	[sflag:s20] =	ssyncadd.s32 $0xFFFFFF80  }
0x39: {  	[tilespmem:s22], [sflag:$0x8] =	stream.linear.gather [hbm4b:s21+s5], $0x80, $0x38;
	[tilespmem:$0x1E780] =	vst v63  }
0x3a: {  	_ =	swait.ge [sflag:s20], $0x80  }
0x3b: {  	[sflag:s20] =	ssyncset.done $0x0  }
0x3c: {  	s30 =	rddreg [dreg:$0xa];
	[sflag:s20] =	ssyncadd.s32 $0xFFFFFF80  }
0x3d: {  	[tilespmem:s23], [sflag:$0x8] =	stream.linear.gather [hbm4b:s30+s5], $0x80, $0x38;
	[tilespmem:$0x1E780] =	vst v63  }
0x3e: {  	_ =	swait.ge [sflag:s20], $0x80  }
0x3f: {  	[sflag:s20] =	ssyncset.done $0x0  }
0x40: {  	s31 =	rddreg [dreg:$0xb];
	[sflag:s20] =	ssyncadd.s32 $0xFFFFFF80  }
0x41: {  	[tilespmem:s24], [sflag:$0x8] =	stream.linear.gather [hbm4b:s31+s5], $0x80, $0x38;
	[tilespmem:$0x1E780] =	vst v63  }
0x42: {  	_ =	swait.ge [sflag:s20], $0x80  }
0x43: {  	[sflag:s20] =	ssyncset.done $0x0  }
0x44: {  	s12 =	simm.s32 $0x0;
	[sflag:s20] =	ssyncadd.s32 $0xFFFFFF80  }
0x45: {  	v5 =	vld [tilespmem:s12+$0x0];
	_ =	sdelay $0x4  }
0x46: {  	(v2sf) =	vpush v5, $0x0;
	_ =	sdelay $0x1  }
0x47: {  	(v2sf) =	vpush v5, $0x1  }
0x48: {  	(v2sf) =	vpush v5, $0x2  }
0x49: {  	(v2sf) =	vpush v5, $0x3  }
0x4a: {  	(v2sf) =	vpush v5, $0x4  }
0x4b: {  	(v2sf) =	vpush v5, $0x5  }
0x4c: {  	(v2sf) =	vpush v5, $0x6  }
0x4d: {  	(v2sf) =	vpush v5, $0x7  }
0x4e: {  	(v2sf) =	vpush v5, $0x8  }
0x4f: {  	(v2sf) =	vpush v5, $0x9  }
0x50: {  	(v2sf) =	vpush v5, $0xA  }
0x51: {  	s28 =	simm.s32 $0x10;
	(v2sf) =	vpush v5, $0xB  }
0x52: {  	v4 =	vld [tilespmem:s28+$0x0];
	(v2sf) =	vpush v5, $0xC  }
0x53: {  	(v2sf) =	vpush v5, $0xD  }
0x54: {  	(v2sf) =	vpush v5, $0xE;
	s13 =	spop (v2sf)  }
0x55: {  	(v2sf) =	vpush v5, $0xF;
	[smem:$0x200] =	sst s13  }
0x56: {  	s13 =	spop (v2sf)  }
0x57: {  	(v2sf) =	vpush v4, $0x0;
	[smem:$0x201] =	sst s13  }
0x58: {  	s13 =	spop (v2sf)  }
0x59: {  	(v2sf) =	vpush v4, $0x1;
	[smem:$0x202] =	sst s13  }
0x5a: {  	s13 =	spop (v2sf)  }
0x5b: {  	(v2sf) =	vpush v4, $0x2;
	[smem:$0x203] =	sst s13  }
0x5c: {  	s13 =	spop (v2sf)  }
0x5d: {  	(v2sf) =	vpush v4, $0x3;
	[smem:$0x204] =	sst s13  }
0x5e: {  	s13 =	spop (v2sf)  }
0x5f: {  	(v2sf) =	vpush v4, $0x4;
	[smem:$0x205] =	sst s13  }
0x60: {  	s13 =	spop (v2sf)  }
0x61: {  	(v2sf) =	vpush v4, $0x5;
	[smem:$0x206] =	sst s13  }
0x62: {  	s13 =	spop (v2sf)  }
0x63: {  	(v2sf) =	vpush v4, $0x6;
	[smem:$0x207] =	sst s13  }
0x64: {  	s13 =	spop (v2sf)  }
0x65: {  	(v2sf) =	vpush v4, $0x7;
	[smem:$0x208] =	sst s13  }
0x66: {  	s13 =	spop (v2sf)  }
0x67: {  	(v2sf) =	vpush v4, $0x8;
	[smem:$0x209] =	sst s13  }
0x68: {  	s13 =	spop (v2sf)  }
0x69: {  	(v2sf) =	vpush v4, $0x9;
	[smem:$0x20A] =	sst s13  }
0x6a: {  	s13 =	spop (v2sf)  }
0x6b: {  	(v2sf) =	vpush v4, $0xA;
	[smem:$0x20B] =	sst s13  }
0x6c: {  	s13 =	spop (v2sf)  }
0x6d: {  	(v2sf) =	vpush v4, $0xB;
	[smem:$0x20C] =	sst s13  }
0x6e: {  	s29 =	simm.s32 $0x20;
	s13 =	spop (v2sf)  }
0x6f: {  	v5 =	vld [tilespmem:s29+$0x0];
	(v2sf) =	vpush v4, $0xC;
	[smem:$0x20D] =	sst s13  }
0x70: {  	s13 =	spop (v2sf)  }
0x71: {  	(v2sf) =	vpush v4, $0xD;
	[smem:$0x20E] =	sst s13  }
0x72: {  	s13 =	simm.s32 $0xC0;
	s14 =	spop (v2sf)  }
.LBB2_2:
0x73: {  	p0 =	sne.s32 s13, $0x7C0;
	[smem:s12+$0x20F] =	sst s14;
	s14 =	smov.u32 s13  }
0x74: {  	(v2sf) =	vpush v4, $0xE;
	s13 =	sadd.s32 $0x40, s13;
	s12 =	smov.u32 s28;
	s28 =	smov.u32 s29  }
0x75: {  	s15 =	spop (v2sf);
	(v2sf) =	vpush v4, $0xF  }
0x76: {  	[smem:s12+$0x200] =	sst s15;
	s15 =	spop (v2sf)  }
0x77: {  	(v2sf) =	vpush v5, $0x0;
	[smem:s12+$0x201] =	sst s15;
	s15 =	spop (v2sf);
	v4 =	vmov v5  }
0x78: {  	(v2sf) =	vpush v4, $0x1;
	[smem:s12+$0x202] =	sst s15;
	s15 =	spop (v2sf)  }
0x79: {  	(v2sf) =	vpush v4, $0x2;
	[smem:s12+$0x203] =	sst s15;
	s15 =	spop (v2sf)  }
0x7a: {  	(v2sf) =	vpush v4, $0x3;
	[smem:s12+$0x204] =	sst s15;
	s15 =	spop (v2sf)  }
0x7b: {  	(v2sf) =	vpush v4, $0x4;
	[smem:s12+$0x205] =	sst s15;
	s15 =	spop (v2sf)  }
0x7c: {  	(v2sf) =	vpush v4, $0x5;
	[smem:s12+$0x206] =	sst s15;
	s15 =	spop (v2sf)  }
0x7d: {  	(v2sf) =	vpush v4, $0x6;
	[smem:s12+$0x207] =	sst s15;
	s15 =	spop (v2sf)  }
0x7e: {  	(v2sf) =	vpush v4, $0x7;
	[smem:s12+$0x208] =	sst s15;
	s15 =	spop (v2sf)  }
0x7f: {  	(v2sf) =	vpush v4, $0x8;
	[smem:s12+$0x209] =	sst s15;
	s15 =	spop (v2sf)  }
0x80: {  	[smem:s12+$0x20A] =	sst s15  }
.Ltmp2:
0x81: {  	(v2sf) =	vpush v4, $0x9;
	s15 =	spop (v2sf);
	(pc) =	sbr.rel @p0 .LBB2_2-.Ltmp2, $4  }
0x82: {  	(v2sf) =	vpush v4, $0xA;
	[smem:s12+$0x20B] =	sst s15;
	s15 =	spop (v2sf)  }
0x83: {  	s29 =	sshra.s32 s14, $0x2;
	(v2sf) =	vpush v4, $0xB;
	[smem:s12+$0x20C] =	sst s15;
	s14 =	spop (v2sf)  }
0x84: {  	v5 =	vld [tilespmem:s29+$0x0];
	(v2sf) =	vpush v4, $0xC;
	[smem:s12+$0x20D] =	sst s14;
	s14 =	spop (v2sf)  }
0x85: {  	(v2sf) =	vpush v4, $0xD;
	[smem:s12+$0x20E] =	sst s14;
	s14 =	spop (v2sf)  }
0x86: {  	_ = 	snop  }
0x87: {  	(v2sf) =	vpush v4, $0xE  }
0x88: {  	[smem:s12+$0x20F] =	sst s14;
	s13 =	spop (v2sf);
	(v2sf) =	vpush v4, $0xF  }
0x89: {  	[smem:s28+$0x200] =	sst s13;
	s14 =	spop (v2sf);
	(v2sf) =	vpush v5, $0x0  }
0x8a: {  	[smem:s28+$0x201] =	sst s14;
	s15 =	spop (v2sf);
	(v2sf) =	vpush v5, $0x1  }
0x8b: {  	[smem:s28+$0x202] =	sst s15;
	s16 =	spop (v2sf);
	(v2sf) =	vpush v5, $0x2  }
0x8c: {  	[smem:s28+$0x203] =	sst s16;
	s17 =	spop (v2sf);
	(v2sf) =	vpush v5, $0x3  }
0x8d: {  	[smem:s28+$0x204] =	sst s17;
	s18 =	spop (v2sf);
	(v2sf) =	vpush v5, $0x4  }
0x8e: {  	[smem:s28+$0x205] =	sst s18;
	s19 =	spop (v2sf);
	(v2sf) =	vpush v5, $0x5  }
0x8f: {  	[smem:s28+$0x206] =	sst s19;
	s21 =	spop (v2sf);
	(v2sf) =	vpush v5, $0x6  }
0x90: {  	[smem:s28+$0x207] =	sst s21;
	s30 =	spop (v2sf);
	(v2sf) =	vpush v5, $0x7  }
0x91: {  	[smem:s28+$0x208] =	sst s30;
	s31 =	spop (v2sf);
	(v2sf) =	vpush v5, $0x8  }
0x92: {  	[smem:s28+$0x209] =	sst s31;
	s10 =	spop (v2sf);
	(v2sf) =	vpush v5, $0x9  }
0x93: {  	[smem:s28+$0x20A] =	sst s10;
	s13 =	spop (v2sf);
	(v2sf) =	vpush v5, $0xA  }
0x94: {  	[smem:s28+$0x20B] =	sst s13;
	s14 =	spop (v2sf);
	(v2sf) =	vpush v5, $0xB  }
0x95: {  	[smem:s28+$0x20C] =	sst s14;
	s15 =	spop (v2sf);
	(v2sf) =	vpush v5, $0xC  }
0x96: {  	[smem:s28+$0x20D] =	sst s15;
	s16 =	spop (v2sf);
	(v2sf) =	vpush v5, $0xD  }
0x97: {  	[smem:s28+$0x20E] =	sst s16;
	s17 =	spop (v2sf);
	(v2sf) =	vpush v5, $0xE  }
0x98: {  	[smem:s28+$0x20F] =	sst s17;
	s18 =	spop (v2sf);
	(v2sf) =	vpush v5, $0xF  }
0x99: {  	[smem:s29+$0x200] =	sst s18;
	s19 =	spop (v2sf)  }
0x9a: {  	[smem:s29+$0x201] =	sst s19;
	s21 =	spop (v2sf)  }
0x9b: {  	[smem:s29+$0x202] =	sst s21;
	s30 =	spop (v2sf)  }
0x9c: {  	[smem:s29+$0x203] =	sst s30;
	s31 =	spop (v2sf)  }
0x9d: {  	[smem:s29+$0x204] =	sst s31;
	s10 =	spop (v2sf)  }
0x9e: {  	[smem:s29+$0x205] =	sst s10;
	s13 =	spop (v2sf)  }
0x9f: {  	[smem:s29+$0x206] =	sst s13;
	s14 =	spop (v2sf)  }
0xa0: {  	[smem:s29+$0x207] =	sst s14;
	s15 =	spop (v2sf)  }
0xa1: {  	[smem:s29+$0x208] =	sst s15;
	s16 =	spop (v2sf)  }
0xa2: {  	[smem:s29+$0x209] =	sst s16;
	s17 =	spop (v2sf)  }
0xa3: {  	[smem:s29+$0x20A] =	sst s17;
	s18 =	spop (v2sf)  }
0xa4: {  	[smem:s29+$0x20B] =	sst s18;
	s19 =	spop (v2sf)  }
0xa5: {  	[smem:s29+$0x20C] =	sst s19;
	s21 =	spop (v2sf)  }
0xa6: {  	[smem:s29+$0x20D] =	sst s21;
	s30 =	spop (v2sf)  }
0xa7: {  	[smem:s29+$0x20E] =	sst s30;
	s31 =	spop (v2sf)  }
0xa8: {  	[smem:s29+$0x20F] =	sst s31  }
0xa9: {  	s12 =	sld [smem:$0x200];
	_ =	sdelay $0x2  }
0xaa: {  	s15 =	sshrl.u32 s12, $0x7  }
0xab: {  	[smem:$0x0] =	sst s15  }
0xac: {  	s13 =	sld [smem:$0x201];
	_ =	sdelay $0x2  }
0xad: {  	s28 =	simm.s32 $0x2;
	s12 =	simm.s32 $0x1;
	s13 =	sshrl.u32 s13, $0x7  }
0xae: {  	p0 =	seq.s32 s13, s15;
	p1 =	sne.s32 s13, s15;
	s15 =	simm.s32 $0x1  }
0xaf: {  	s14 =	simm.s32 $0xC;
	s15 =	simm.s32 @!p1 $0x0;
	[smem:s12] =	sst @!p0 s13  }
.LBB2_4:
0xb0: {  	s12 =	sadd.s32 s15, s12;
	s15 =	smov.u32 s14;
	s14 =	sadd.s32 $0x4, s14  }
0xb1: {  	s28 =	sld [smem:s28+$0x200];
	p0 =	sne.s32 s14, $0x800  }
.Ltmp3:
0xb2: {  	(pc) =	sbr.rel @p0 .LBB2_4-.Ltmp3, $4  }
0xb3: {  	_ = 	snop  }
0xb4: {  	s29 =	sshrl.u32 s28, $0x7;
	s28 =	sshra.s32 s15, $0x2;
	s15 =	simm.s32 $0x1  }
0xb5: {  	p1 =	seq.s32 s29, s13;
	p2 =	sne.s32 s29, s13;
	s13 =	smov.u32 s29  }
0xb6: {  	s15 =	simm.s32 @!p2 $0x0;
	[smem:s12] =	sst @!p1 s29  }
0xb7: {  	s14 =	sld [smem:s28+$0x200];
	_ =	sdelay $0x2  }
0xb8: {  	s14 =	sshrl.u32 s14, $0x7  }
0xb9: {  	s28 =	simm.s32 $0x1;
	p0 =	sne.s32 s14, s13  }
0xba: {  	s12 =	sadd.s32 s15, s12;
	s28 =	simm.s32 @!p0 $0x0  }
0xbb: {  	p0 =	seq.s32 s14, s13;
	s28 =	sadd.s32 s28, s12  }
0xbc: {  	[smem:s12] =	sst @!p0 s14;
	p1 =	slt.s32 s28, $0x1  }
0xbd: {  	s12 =	sld @!p1 [smem:$0x0];
	_ =	sdelay $0x2  }
0xbe: {  	s14 =	simm.s32 @!p1 $0x7A1400;
	s13 =	sshll.u32 @!p1 s12, $0x7  }
0xbf: {  	s15 =	simm.s32 @!p1 $0x400;
	p0 =	seq.s32 @!p1 s28, $0x1;
	s13 =	sand.u32 @!p1 $0x1FFFFF80, s13  }
0xc0: {  	p0 =	por p1, p0;
	s12 =	sshll.u32 @!p1 s12, $0x4;
	s13 =	sadd.s32 @!p1 s1, s13  }
0xc1: {  	[tilespmem:s15], [sflag:$0x1] =	stream.strided.gather @!p1 [hbm4b:s13+s15], $0x2000, s14, s15, $0x38;
	[tilespmem:$0x1E780] =	vst v63  }
0xc2: {  	s12 =	sand.u32 @!p1 $0x1FFFFFF0, s12;
	s13 =	sld @!p0 [smem:$0x1]  }
0xc3: {  	s12 =	sadd.s32 @!p1 s3, s12;
	s14 =	simm.s32 @!p1 $0x0;
	s15 =	simm.s32 @!p1 $0xE400  }
0xc4: {  	[tilespmem:s15], [sflag:$0x1] =	stream.linear.gather @!p1 [hbm4b:s12+s14], $0x80, $0x38;
	[tilespmem:$0x1E780] =	vst v63  }
0xc5: {  	s12 =	sshll.u32 @!p0 s13, $0x7  }
0xc6: {  	s29 =	simm.s32 @!p0 $0x2400;
	s14 =	simm.s32 @!p0 $0x400;
	s12 =	sand.u32 @!p0 $0x1FFFFF80, s12  }
0xc7: {  	s15 =	simm.s32 @!p0 $0x7A1400;
	p1 =	slt.u32 @!p0 s28, $0x3;
	s12 =	sadd.s32 @!p0 s1, s12  }
0xc8: {  	[tilespmem:s29], [sflag:$0x2] =	stream.strided.gather @!p0 [hbm4b:s12+s14], $0x2000, s15, s14, $0x38;
	[tilespmem:$0x1E780] =	vst v63  }
0xc9: {  	p1 =	por p0, p1;
	s12 =	sshll.u32 @!p0 s13, $0x4  }
0xca: {  	s13 =	sld @!p1 [smem:$0x2];
	s12 =	sand.u32 @!p0 $0x1FFFFFF0, s12  }
0xcb: {  	s14 =	simm.s32 @!p0 $0x0;
	s15 =	simm.s32 @!p0 $0xE480;
	s12 =	sadd.s32 @!p0 s3, s12  }
0xcc: {  	[tilespmem:s15], [sflag:$0x2] =	stream.linear.gather @!p0 [hbm4b:s12+s14], $0x80, $0x38;
	[tilespmem:$0x1E780] =	vst v63  }
0xcd: {  	s29 =	simm.s32 @!p1 $0x4400;
	s12 =	sshll.u32 @!p1 s13, $0x7  }
0xce: {  	s14 =	simm.s32 @!p1 $0x400;
	p0 =	seq.s32 @!p1 s28, $0x3;
	s12 =	sand.u32 @!p1 $0x1FFFFF80, s12  }
0xcf: {  	s15 =	simm.s32 @!p1 $0x7A1400;
	p0 =	por p1, p0;
	s12 =	sadd.s32 @!p1 s1, s12  }
0xd0: {  	[tilespmem:s29], [sflag:$0x3] =	stream.strided.gather @!p1 [hbm4b:s12+s14], $0x2000, s15, s14, $0x38;
	[tilespmem:$0x1E780] =	vst v63  }
.Ltmp4:
0xd1: {  	_ = 	snop;
	(pc) =	sbr.rel @p0 .LBB2_7-.Ltmp4, $4  }
0xd2: {  	s12 =	sshll.u32 @!p1 s13, $0x4  }
0xd3: {  	s12 =	sand.u32 @!p1 $0x1FFFFFF0, s12  }
0xd4: {  	s13 =	simm.s32 @!p1 $0x0;
	s14 =	simm.s32 @!p1 $0xE500;
	s12 =	sadd.s32 @!p1 s3, s12  }
0xd5: {  	[tilespmem:s14], [sflag:$0x3] =	stream.linear.gather @!p1 [hbm4b:s12+s13], $0x80, $0x38;
	[tilespmem:$0x1E780] =	vst v63  }
0xd6: {  	s12 =	sld [smem:$0x3];
	_ =	sdelay $0x2  }
0xd7: {  	s14 =	simm.s32 $0x7A1400;
	s13 =	sshll.u32 s12, $0x7  }
0xd8: {  	s10 =	simm.s32 $0x400;
	s15 =	simm.s32 $0x6400;
	s13 =	sand.u32 $0x1FFFFF80, s13  }
0xd9: {  	p0 =	slt.u32 s28, $0x5;
	s12 =	sshll.u32 s12, $0x4;
	s13 =	sadd.s32 s1, s13  }
0xda: {  	[tilespmem:s15], [sflag:$0x4] =	stream.strided.gather [hbm4b:s13+s10], $0x2000, s14, s10, $0x38;
	[tilespmem:$0x1E780] =	vst v63  }
0xdb: {  	s12 =	sand.u32 $0x1FFFFFF0, s12;
	s13 =	sld @!p0 [smem:$0x4]  }
0xdc: {  	s31 =	simm.s32 $0xE580;
	s12 =	sadd.s32 s3, s12  }
0xdd: {  	[tilespmem:s31], [sflag:$0x4] =	stream.linear.gather [hbm4b:s12+s5], $0x80, $0x38;
	[tilespmem:$0x1E780] =	vst v63  }
0xde: {  	s12 =	sshll.u32 @!p0 s13, $0x7  }
0xdf: {  	s29 =	simm.s32 @!p0 $0x8400;
	p2 =	seq.s32 @!p0 s28, $0x5;
	s12 =	sand.u32 @!p0 $0x1FFFFF80, s12  }
0xe0: {  	s14 =	simm.s32 @!p0 $0x400;
	s15 =	simm.s32 @!p0 $0x7A1400;
	s12 =	sadd.s32 @!p0 s1, s12  }
0xe1: {  	[tilespmem:s29], [sflag:$0x5] =	stream.strided.gather @!p0 [hbm4b:s12+s14], $0x2000, s15, s14, $0x38;
	[tilespmem:$0x1E780] =	vst v63  }
0xe2: {  	p1 =	por p2, p0;
	s12 =	sshll.u32 @!p0 s13, $0x4  }
0xe3: {  	s13 =	sld @!p1 [smem:$0x5];
	s12 =	sand.u32 @!p0 $0x1FFFFFF0, s12  }
0xe4: {  	s14 =	simm.s32 @!p0 $0x0;
	s15 =	simm.s32 @!p0 $0xE600;
	s12 =	sadd.s32 @!p0 s3, s12  }
0xe5: {  	[tilespmem:s15], [sflag:$0x5] =	stream.linear.gather @!p0 [hbm4b:s12+s14], $0x80, $0x38;
	[tilespmem:$0x1E780] =	vst v63  }
0xe6: {  	p3 =	slt.u32 @!p1 s28, $0x7;
	s12 =	sshll.u32 @!p1 s13, $0x7  }
0xe7: {  	p2 =	por @!p0 p3, p2;
	s29 =	simm.s32 @!p1 $0xA400;
	s12 =	sand.u32 @!p1 $0x1FFFFF80, s12  }
0xe8: {  	s14 =	simm.s32 @!p1 $0x400;
	s15 =	simm.s32 @!p1 $0x7A1400;
	s12 =	sadd.s32 @!p1 s1, s12  }
0xe9: {  	[tilespmem:s29], [sflag:$0x6] =	stream.strided.gather @!p1 [hbm4b:s12+s14], $0x2000, s15, s14, $0x38;
	[tilespmem:$0x1E780] =	vst v63  }
0xea: {  	p0 =	por p2, p0;
	s12 =	sshll.u32 @!p1 s13, $0x4  }
0xeb: {  	s13 =	sld @!p0 [smem:$0x6];
	s12 =	sand.u32 @!p1 $0x1FFFFFF0, s12  }
0xec: {  	s14 =	simm.s32 @!p1 $0x0;
	s15 =	simm.s32 @!p1 $0xE680;
	s12 =	sadd.s32 @!p1 s3, s12  }
0xed: {  	[tilespmem:s15], [sflag:$0x6] =	stream.linear.gather @!p1 [hbm4b:s12+s14], $0x80, $0x38;
	[tilespmem:$0x1E780] =	vst v63  }
0xee: {  	s12 =	sshll.u32 @!p0 s13, $0x7  }
0xef: {  	s29 =	simm.s32 @!p0 $0xC400;
	s12 =	sand.u32 @!p0 $0x1FFFFF80, s12  }
0xf0: {  	s14 =	simm.s32 @!p0 $0x400;
	s15 =	simm.s32 @!p0 $0x7A1400;
	s12 =	sadd.s32 @!p0 s1, s12  }
0xf1: {  	[tilespmem:s29], [sflag:$0x7] =	stream.strided.gather @!p0 [hbm4b:s12+s14], $0x2000, s15, s14, $0x38;
	[tilespmem:$0x1E780] =	vst v63  }
0xf2: {  	s12 =	sshll.u32 @!p0 s13, $0x4  }
0xf3: {  	s12 =	sand.u32 @!p0 $0x1FFFFFF0, s12  }
0xf4: {  	s13 =	simm.s32 @!p0 $0x0;
	s14 =	simm.s32 @!p0 $0xE700;
	s12 =	sadd.s32 @!p0 s3, s12  }
0xf5: {  	[tilespmem:s14], [sflag:$0x7] =	stream.linear.gather @!p0 [hbm4b:s12+s13], $0x80, $0x38;
	[tilespmem:$0x1E780] =	vst v63  }
.LBB2_7:
.Ltmp5:
0xf6: {  	(pc) =	sbr.rel .LBB2_8-.Ltmp5, $3  }
0xf7: {  	_ =	sdelay $0x1  }
0xf8: {  	s29 =	simm.s32 $0xFFFFFFFF  }
0xf9: {  	s12 =	simm.s32 $0x0;
	s13 =	simm.s32 $0xE7A0;
	s30 =	simm.s32 $0xFFFFFFFF  }
.LBB2_10:
0xfa: {  	s10 =	sand.u32 $0x7F, s14  }
0xfb: {  	v4 =	vor.u32 s10, v0;
	_ =	sdelay $0x1  }
0xfc: {  	s21 =	sshll.u32 s15, $0xF  }
0xfd: {  	s14 =	sshra.s32 s21, $0x2  }
0xfe: {  	s14 =	sor.u32 $0x400, s14  }
0xff: {  	v4 =	vld.idx.msk [tilespmem:v4+s14+$0x0], $0xffff  }
0x100: {  	v5 =	vor.u32 s10, v1;
	_ =	sdelay $0x3  }
0x101: {  	[tilespmem:s13+$0xFFFFFFE0] =	vst v4  }
0x102: {  	v4 =	vld.idx.msk [tilespmem:v5+s14+$0x0], $0xffff  }
0x103: {  	v5 =	vor.u32 s10, v2;
	_ =	sdelay $0x3  }
0x104: {  	[tilespmem:s13+$0xFFFFFFF0] =	vst v4  }
0x105: {  	v4 =	vld.idx.msk [tilespmem:v5+s14+$0x0], $0xffff  }
0x106: {  	v5 =	vor.u32 s10, v3;
	_ =	sdelay $0x3  }
0x107: {  	[tilespmem:s13+$0x0] =	vst v4  }
0x108: {  	v4 =	vld.idx.msk [tilespmem:v5+s14+$0x0], $0xffff  }
0x109: {  	v5 =	vmov s10;
	_ =	sdelay $0x2  }
0x10a: {  	s31 =	sshll.u32 s15, $0x9  }
0x10b: {  	s12 =	sadd.s32 $0x4, s12;
	s10 =	sshra.s32 s31, $0x2;
	[tilespmem:s13+$0x10] =	vst v4  }
0x10c: {  	p0 =	sne.s32 s12, $0x800;
	v4 =	vld.idx.msk [tilespmem:v5+s10+$0xE400], $0xffff  }
.Ltmp6:
0x10d: {  	_ = 	snop;
	(pc) =	sbr.rel @!p0 .LBB2_11-.Ltmp6, $2  }
0x10e: {  	_ =	sdelay $0x2  }
0x10f: {  	[tilespmem:s13+$0x20] =	vst v4;
	s13 =	sadd.s32 $0x80, s13  }
.LBB2_8:
0x110: {  	s14 =	sshra.s32 s12, $0x2  }
0x111: {  	s14 =	sld [smem:s14+$0x200];
	_ =	sdelay $0x2  }
0x112: {  	s15 =	smov.u32 s29;
	s29 =	sshrl.u32 s14, $0x7  }
0x113: {  	p0 =	seq.s32 s12, $0x0;
	p1 =	sne.s32 s29, s15  }
0x114: {  	s15 =	simm.s32 $0x1;
	p0 =	por p0, p1  }
0x115: {  	s15 =	simm.s32 @!p0 $0x0  }
0x116: {  	s30 =	sadd.s32 s15, s30  }
0x117: {  	s15 =	smulhi.u32 $0x92492493, s30;
	s31 =	sshra.s32 s30, $0x1F  }
0x118: {  	s31 =	smul.u32 $0x92492493, s31  }
0x119: {  	s15 =	ssub.s32 s15, s30  }
0x11a: {  	s15 =	sadd.s32 s31, s15  }
0x11b: {  	s15 =	sadd.s32 s30, s15  }
0x11c: {  	s21 =	sshrl.u32 s15, $0x1F;
	s15 =	sshra.s32 s15, $0x2  }
0x11d: {  	s15 =	sadd.s32 s21, s15  }
0x11e: {  	s15 =	smul.u32 $0x7, s15  }
.Ltmp7:
0x11f: {  	_ = 	snop;
	(pc) =	sbr.rel @!p0 .LBB2_10-.Ltmp7, $4  }
0x120: {  	_ = 	snop  }
0x121: {  	s15 =	ssub.s32 s30, s15  }
0x122: {  	p1 =	slt.s32 s15, $0x0;
	s31 =	sadd.s32 $0x7, s15  }
0x123: {  	s15 =	smov.u32 @p1 s31  }
0x124: {  	p1 =	slt.s32 s30, $0x1;
	s31 =	sadd.s32 $0x6, s30  }
0x125: {  	p2 =	sge.s32 @!p1 s31, s28  }
0x126: {  	p0 =	por p2, p1  }
0x127: {  	s16 =	smulhi.u32 @!p0 $0x92492493, s31;
	s17 =	sshra.s32 @!p0 s31, $0x1F  }
0x128: {  	s17 =	smul.u32 @!p0 $0x92492493, s17  }
0x129: {  	s16 =	ssub.s32 @!p0 s16, s31  }
0x12a: {  	s16 =	sadd.s32 @!p0 s17, s16  }
0x12b: {  	s16 =	sadd.s32 @!p0 s31, s16  }
0x12c: {  	s17 =	sshrl.u32 @!p0 s16, $0x1F;
	s16 =	sshra.s32 @!p0 s16, $0x2  }
0x12d: {  	s16 =	sadd.s32 @!p0 s17, s16  }
0x12e: {  	s16 =	smul.u32 @!p0 $0x7, s16;
	_ =	sdelay $0x1  }
0x12f: {  	s16 =	ssub.s32 @!p0 s31, s16  }
0x130: {  	p3 =	slt.s32 @!p0 s16, $0x0  }
0x131: {  	s17 =	sld @!p0 [smem:s31+$0x0];
	p2 =	por @!p1 !p3, p2  }
0x132: {  	s31 =	sadd.s32 @!p0 $0x7, s16;
	p1 =	por !p2, p1  }
0x133: {  	s16 =	smov.u32 @p1 s31  }
0x134: {  	s10 =	simm.s32 @!p0 $0x400;
	s18 =	sshll.u32 @!p0 s17, $0x7;
	s31 =	sshll.u32 @!p0 s16, $0xF  }
0x135: {  	s21 =	simm.s32 @!p0 $0x7A1400;
	s18 =	sand.u32 @!p0 $0x1FFFFF80, s18;
	s31 =	sshra.s32 @!p0 s31, $0x2  }
0x136: {  	s18 =	sadd.s32 @!p0 s1, s18;
	s19 =	sadd.s32 @!p0 $0x1, s16;
	s31 =	sor.u32 @!p0 $0x400, s31  }
0x137: {  	[tilespmem:s31], [sflag:s19] =	stream.strided.gather @!p0 [hbm4b:s18+s10], $0x2000, s21, s10, $0x38;
	[tilespmem:$0x1E780] =	vst v63  }
0x138: {  	s10 =	sshll.u32 @!p0 s16, $0x9;
	s16 =	sshll.u32 @!p0 s17, $0x4  }
0x139: {  	s17 =	simm.s32 @!p0 $0x0;
	s10 =	sshra.s32 @!p0 s10, $0x2;
	s16 =	sand.u32 @!p0 $0x1FFFFFF0, s16  }
0x13a: {  	s31 =	sadd.s32 $0x1, s15;
	s10 =	sadd.s32 @!p0 $0xE400, s10;
	s16 =	sadd.s32 @!p0 s3, s16  }
0x13b: {  	[tilespmem:s10], [sflag:s19] =	stream.linear.gather @!p0 [hbm4b:s16+s17], $0x80, $0x38;
	[tilespmem:$0x1E780] =	vst v63  }
0x13c: {  	_ =	swait.ge [sflag:s31], $0x2000  }
.Ltmp8:
0x13d: {  	[sflag:s31] =	ssyncset.done $0x0;
	(pc) =	sbr.rel .LBB2_10-.Ltmp8, $4  }
0x13e: {  	[sflag:s31] =	ssyncadd.s32 $0xFFFFE000  }
0x13f: {  	_ =	swait.ge [sflag:s31], $0x80  }
0x140: {  	[sflag:s31] =	ssyncset.done $0x0  }
0x141: {  	[sflag:s31] =	ssyncadd.s32 $0xFFFFFF80  }
.LBB2_11:
0x142: {  	s13 =	simm.s32 $0x200;
	s10 =	simm.s32 $0xE780  }
0x143: {  	[hbm4b:s7+s26] =	stream.indirect.scatter [tilespmem:s10], [sflag:$0x1], $0x80, s13, s26, $0xb8;
	[tilespmem:$0x1E780] =	vst v63  }
0x144: {  	s14 =	simm.s32 $0x12780  }
0x145: {  	[hbm4b:s7+s26] =	stream.indirect.scatter [tilespmem:s14], [sflag:$0x2], $0x80, s22, s26, $0xb8;
	[tilespmem:$0x1E780] =	vst v63  }
0x146: {  	s15 =	simm.s32 $0x16780  }
0x147: {  	[hbm4b:s7+s26] =	stream.indirect.scatter [tilespmem:s15], [sflag:$0x3], $0x80, s23, s26, $0xb8;
	[tilespmem:$0x1E780] =	vst v63  }
0x148: {  	s16 =	simm.s32 $0x1A780  }
0x149: {  	[hbm4b:s7+s26] =	stream.indirect.scatter [tilespmem:s16], [sflag:$0x4], $0x80, s24, s26, $0xb8;
	[tilespmem:$0x1E780] =	vst v63  }
0x14a: {  	_ =	swait.ge [sflag:s25], $0x4000  }
0x14b: {  	[sflag:s25] =	ssyncset.done $0x0  }
0x14c: {  	[sflag:s25] =	ssyncadd.s32 $0xFFFFC000  }
0x14d: {  	_ =	swait.ge [sflag:s0], $0x4000  }
0x14e: {  	[sflag:s0] =	ssyncset.done $0x0  }
0x14f: {  	[sflag:s0] =	ssyncadd.s32 $0xFFFFC000  }
0x150: {  	_ =	swait.ge [sflag:s6], $0x4000  }
0x151: {  	[sflag:s6] =	ssyncset.done $0x0  }
0x152: {  	[sflag:s6] =	ssyncadd.s32 $0xFFFFC000  }
0x153: {  	_ =	swait.ge [sflag:s9], $0x4000  }
0x154: {  	[sflag:s9] =	ssyncset.done $0x0  }
0x155: {  	s17 =	simm.s32 $0x0;
	s12 =	rddreg [dreg:$0xc];
	[sflag:s9] =	ssyncadd.s32 $0xFFFFC000  }
0x156: {  	[tilespmem:s17], [sflag:$0x8] =	stream.linear.gather [hbm4b:s12+s17], $0x200, $0x38;
	[tilespmem:$0x1E780] =	vst v63  }
0x157: {  	_ =	swait.ge [sflag:s20], $0x200  }
0x158: {  	[sflag:s20] =	ssyncset.done $0x0  }
0x159: {  	s18 =	rddreg [dreg:$0xd];
	[sflag:s20] =	ssyncadd.s32 $0xFFFFFE00  }
0x15a: {  	[tilespmem:s13], [sflag:$0x8] =	stream.linear.gather [hbm4b:s18+s17], $0x80, $0x38;
	[tilespmem:$0x1E780] =	vst v63  }
0x15b: {  	_ =	swait.ge [sflag:s20], $0x80  }
0x15c: {  	[sflag:s20] =	ssyncset.done $0x0  }
0x15d: {  	s19 =	rddreg [dreg:$0xe];
	[sflag:s20] =	ssyncadd.s32 $0xFFFFFF80  }
0x15e: {  	[tilespmem:s22], [sflag:$0x8] =	stream.linear.gather [hbm4b:s19+s17], $0x80, $0x38;
	[tilespmem:$0x1E780] =	vst v63  }
0x15f: {  	_ =	swait.ge [sflag:s20], $0x80  }
0x160: {  	[sflag:s20] =	ssyncset.done $0x0  }
0x161: {  	s21 =	rddreg [dreg:$0xf];
	[sflag:s20] =	ssyncadd.s32 $0xFFFFFF80  }
0x162: {  	[tilespmem:s23], [sflag:$0x8] =	stream.linear.gather [hbm4b:s21+s17], $0x80, $0x38;
	[tilespmem:$0x1E780] =	vst v63  }
0x163: {  	_ =	swait.ge [sflag:s20], $0x80  }
0x164: {  	[sflag:s20] =	ssyncset.done $0x0  }
0x165: {  	s30 =	rddreg [dreg:$0x10];
	[sflag:s20] =	ssyncadd.s32 $0xFFFFFF80  }
0x166: {  	[tilespmem:s24], [sflag:$0x8] =	stream.linear.gather [hbm4b:s30+s17], $0x80, $0x38;
	[tilespmem:$0x1E780] =	vst v63  }
0x167: {  	_ =	swait.ge [sflag:s20], $0x80  }
0x168: {  	[sflag:s20] =	ssyncset.done $0x0  }
0x169: {  	s12 =	simm.s32 $0x0;
	[sflag:s20] =	ssyncadd.s32 $0xFFFFFF80  }
0x16a: {  	v5 =	vld [tilespmem:s12+$0x0];
	_ =	sdelay $0x4  }
0x16b: {  	(v2sf) =	vpush v5, $0x0;
	_ =	sdelay $0x1  }
0x16c: {  	(v2sf) =	vpush v5, $0x1  }
0x16d: {  	(v2sf) =	vpush v5, $0x2  }
0x16e: {  	(v2sf) =	vpush v5, $0x3  }
0x16f: {  	(v2sf) =	vpush v5, $0x4  }
0x170: {  	(v2sf) =	vpush v5, $0x5  }
0x171: {  	(v2sf) =	vpush v5, $0x6  }
0x172: {  	(v2sf) =	vpush v5, $0x7  }
0x173: {  	(v2sf) =	vpush v5, $0x8  }
0x174: {  	(v2sf) =	vpush v5, $0x9  }
0x175: {  	(v2sf) =	vpush v5, $0xA  }
0x176: {  	s28 =	simm.s32 $0x10;
	(v2sf) =	vpush v5, $0xB  }
0x177: {  	v4 =	vld [tilespmem:s28+$0x0];
	(v2sf) =	vpush v5, $0xC  }
0x178: {  	(v2sf) =	vpush v5, $0xD  }
0x179: {  	(v2sf) =	vpush v5, $0xE;
	s31 =	spop (v2sf)  }
0x17a: {  	(v2sf) =	vpush v5, $0xF;
	[smem:$0x200] =	sst s31  }
0x17b: {  	s10 =	spop (v2sf)  }
0x17c: {  	(v2sf) =	vpush v4, $0x0;
	[smem:$0x201] =	sst s10  }
0x17d: {  	s10 =	spop (v2sf)  }
0x17e: {  	(v2sf) =	vpush v4, $0x1;
	[smem:$0x202] =	sst s10  }
0x17f: {  	s10 =	spop (v2sf)  }
0x180: {  	(v2sf) =	vpush v4, $0x2;
	[smem:$0x203] =	sst s10  }
0x181: {  	s10 =	spop (v2sf)  }
0x182: {  	(v2sf) =	vpush v4, $0x3;
	[smem:$0x204] =	sst s10  }
0x183: {  	s10 =	spop (v2sf)  }
0x184: {  	(v2sf) =	vpush v4, $0x4;
	[smem:$0x205] =	sst s10  }
0x185: {  	s10 =	spop (v2sf)  }
0x186: {  	(v2sf) =	vpush v4, $0x5;
	[smem:$0x206] =	sst s10  }
0x187: {  	s10 =	spop (v2sf)  }
0x188: {  	(v2sf) =	vpush v4, $0x6;
	[smem:$0x207] =	sst s10  }
0x189: {  	s10 =	spop (v2sf)  }
0x18a: {  	(v2sf) =	vpush v4, $0x7;
	[smem:$0x208] =	sst s10  }
0x18b: {  	s10 =	spop (v2sf)  }
0x18c: {  	(v2sf) =	vpush v4, $0x8;
	[smem:$0x209] =	sst s10  }
0x18d: {  	s10 =	spop (v2sf)  }
0x18e: {  	(v2sf) =	vpush v4, $0x9;
	[smem:$0x20A] =	sst s10  }
0x18f: {  	s10 =	spop (v2sf)  }
0x190: {  	(v2sf) =	vpush v4, $0xA;
	[smem:$0x20B] =	sst s10  }
0x191: {  	s10 =	spop (v2sf)  }
0x192: {  	(v2sf) =	vpush v4, $0xB;
	[smem:$0x20C] =	sst s10  }
0x193: {  	s29 =	simm.s32 $0x20;
	s10 =	spop (v2sf)  }
0x194: {  	v5 =	vld [tilespmem:s29+$0x0];
	(v2sf) =	vpush v4, $0xC;
	[smem:$0x20D] =	sst s10  }
0x195: {  	s10 =	spop (v2sf)  }
0x196: {  	(v2sf) =	vpush v4, $0xD;
	[smem:$0x20E] =	sst s10  }
0x197: {  	s13 =	simm.s32 $0xC0;
	s14 =	spop (v2sf)  }
.LBB2_12:
0x198: {  	p0 =	sne.s32 s13, $0x7C0;
	[smem:s12+$0x20F] =	sst s14;
	s10 =	smov.u32 s13  }
0x199: {  	(v2sf) =	vpush v4, $0xE;
	s13 =	sadd.s32 $0x40, s13;
	s12 =	smov.u32 s28;
	s28 =	smov.u32 s29  }
0x19a: {  	s14 =	spop (v2sf);
	(v2sf) =	vpush v4, $0xF  }
0x19b: {  	[smem:s12+$0x200] =	sst s14;
	s14 =	spop (v2sf)  }
0x19c: {  	(v2sf) =	vpush v5, $0x0;
	[smem:s12+$0x201] =	sst s14;
	s14 =	spop (v2sf);
	v4 =	vmov v5  }
0x19d: {  	(v2sf) =	vpush v4, $0x1;
	[smem:s12+$0x202] =	sst s14;
	s14 =	spop (v2sf)  }
0x19e: {  	(v2sf) =	vpush v4, $0x2;
	[smem:s12+$0x203] =	sst s14;
	s14 =	spop (v2sf)  }
0x19f: {  	(v2sf) =	vpush v4, $0x3;
	[smem:s12+$0x204] =	sst s14;
	s14 =	spop (v2sf)  }
0x1a0: {  	(v2sf) =	vpush v4, $0x4;
	[smem:s12+$0x205] =	sst s14;
	s14 =	spop (v2sf)  }
0x1a1: {  	(v2sf) =	vpush v4, $0x5;
	[smem:s12+$0x206] =	sst s14;
	s14 =	spop (v2sf)  }
0x1a2: {  	(v2sf) =	vpush v4, $0x6;
	[smem:s12+$0x207] =	sst s14;
	s14 =	spop (v2sf)  }
0x1a3: {  	(v2sf) =	vpush v4, $0x7;
	[smem:s12+$0x208] =	sst s14;
	s14 =	spop (v2sf)  }
0x1a4: {  	(v2sf) =	vpush v4, $0x8;
	[smem:s12+$0x209] =	sst s14;
	s14 =	spop (v2sf)  }
0x1a5: {  	[smem:s12+$0x20A] =	sst s14  }
.Ltmp9:
0x1a6: {  	(v2sf) =	vpush v4, $0x9;
	s14 =	spop (v2sf);
	(pc) =	sbr.rel @p0 .LBB2_12-.Ltmp9, $4  }
0x1a7: {  	(v2sf) =	vpush v4, $0xA;
	[smem:s12+$0x20B] =	sst s14;
	s14 =	spop (v2sf)  }
0x1a8: {  	s29 =	sshra.s32 s10, $0x2;
	(v2sf) =	vpush v4, $0xB;
	[smem:s12+$0x20C] =	sst s14;
	s10 =	spop (v2sf)  }
0x1a9: {  	v5 =	vld [tilespmem:s29+$0x0];
	(v2sf) =	vpush v4, $0xC;
	[smem:s12+$0x20D] =	sst s10;
	s10 =	spop (v2sf)  }
0x1aa: {  	(v2sf) =	vpush v4, $0xD;
	[smem:s12+$0x20E] =	sst s10;
	s14 =	spop (v2sf)  }
0x1ab: {  	_ = 	snop  }
0x1ac: {  	(v2sf) =	vpush v4, $0xE  }
0x1ad: {  	[smem:s12+$0x20F] =	sst s14;
	s10 =	spop (v2sf);
	(v2sf) =	vpush v4, $0xF  }
0x1ae: {  	[smem:s28+$0x200] =	sst s10;
	s14 =	spop (v2sf);
	(v2sf) =	vpush v5, $0x0  }
0x1af: {  	[smem:s28+$0x201] =	sst s14;
	s15 =	spop (v2sf);
	(v2sf) =	vpush v5, $0x1  }
0x1b0: {  	[smem:s28+$0x202] =	sst s15;
	s16 =	spop (v2sf);
	(v2sf) =	vpush v5, $0x2  }
0x1b1: {  	[smem:s28+$0x203] =	sst s16;
	s17 =	spop (v2sf);
	(v2sf) =	vpush v5, $0x3  }
0x1b2: {  	[smem:s28+$0x204] =	sst s17;
	s18 =	spop (v2sf);
	(v2sf) =	vpush v5, $0x4  }
0x1b3: {  	[smem:s28+$0x205] =	sst s18;
	s19 =	spop (v2sf);
	(v2sf) =	vpush v5, $0x5  }
0x1b4: {  	[smem:s28+$0x206] =	sst s19;
	s21 =	spop (v2sf);
	(v2sf) =	vpush v5, $0x6  }
0x1b5: {  	[smem:s28+$0x207] =	sst s21;
	s30 =	spop (v2sf);
	(v2sf) =	vpush v5, $0x7  }
0x1b6: {  	[smem:s28+$0x208] =	sst s30;
	s31 =	spop (v2sf);
	(v2sf) =	vpush v5, $0x8  }
0x1b7: {  	[smem:s28+$0x209] =	sst s31;
	s12 =	spop (v2sf);
	(v2sf) =	vpush v5, $0x9  }
0x1b8: {  	[smem:s28+$0x20A] =	sst s12;
	s13 =	spop (v2sf);
	(v2sf) =	vpush v5, $0xA  }
0x1b9: {  	[smem:s28+$0x20B] =	sst s13;
	s14 =	spop (v2sf);
	(v2sf) =	vpush v5, $0xB  }
0x1ba: {  	[smem:s28+$0x20C] =	sst s14;
	s15 =	spop (v2sf);
	(v2sf) =	vpush v5, $0xC  }
0x1bb: {  	[smem:s28+$0x20D] =	sst s15;
	s16 =	spop (v2sf);
	(v2sf) =	vpush v5, $0xD  }
0x1bc: {  	[smem:s28+$0x20E] =	sst s16;
	s17 =	spop (v2sf);
	(v2sf) =	vpush v5, $0xE  }
0x1bd: {  	[smem:s28+$0x20F] =	sst s17;
	s18 =	spop (v2sf);
	(v2sf) =	vpush v5, $0xF  }
0x1be: {  	[smem:s29+$0x200] =	sst s18;
	s19 =	spop (v2sf)  }
0x1bf: {  	[smem:s29+$0x201] =	sst s19;
	s21 =	spop (v2sf)  }
0x1c0: {  	[smem:s29+$0x202] =	sst s21;
	s30 =	spop (v2sf)  }
0x1c1: {  	[smem:s29+$0x203] =	sst s30;
	s31 =	spop (v2sf)  }
0x1c2: {  	[smem:s29+$0x204] =	sst s31;
	s12 =	spop (v2sf)  }
0x1c3: {  	[smem:s29+$0x205] =	sst s12;
	s13 =	spop (v2sf)  }
0x1c4: {  	[smem:s29+$0x206] =	sst s13;
	s14 =	spop (v2sf)  }
0x1c5: {  	[smem:s29+$0x207] =	sst s14;
	s15 =	spop (v2sf)  }
0x1c6: {  	[smem:s29+$0x208] =	sst s15;
	s16 =	spop (v2sf)  }
0x1c7: {  	[smem:s29+$0x209] =	sst s16;
	s17 =	spop (v2sf)  }
0x1c8: {  	[smem:s29+$0x20A] =	sst s17;
	s18 =	spop (v2sf)  }
0x1c9: {  	[smem:s29+$0x20B] =	sst s18;
	s19 =	spop (v2sf)  }
0x1ca: {  	[smem:s29+$0x20C] =	sst s19;
	s21 =	spop (v2sf)  }
0x1cb: {  	[smem:s29+$0x20D] =	sst s21;
	s30 =	spop (v2sf)  }
0x1cc: {  	[smem:s29+$0x20E] =	sst s30;
	s31 =	spop (v2sf)  }
0x1cd: {  	[smem:s29+$0x20F] =	sst s31  }
0x1ce: {  	s10 =	sld [smem:$0x200];
	_ =	sdelay $0x2  }
0x1cf: {  	s10 =	sshrl.u32 s10, $0x7  }
0x1d0: {  	[smem:$0x0] =	sst s10  }
0x1d1: {  	s13 =	sld [smem:$0x201];
	_ =	sdelay $0x2  }
0x1d2: {  	s28 =	simm.s32 $0x2;
	s12 =	simm.s32 $0x1;
	s13 =	sshrl.u32 s13, $0x7  }
0x1d3: {  	s15 =	simm.s32 $0x1;
	p0 =	seq.s32 s13, s10;
	p1 =	sne.s32 s13, s10  }
0x1d4: {  	s14 =	simm.s32 $0xC;
	s15 =	simm.s32 @!p1 $0x0;
	[smem:s12] =	sst @!p0 s13  }
.LBB2_14:
0x1d5: {  	s12 =	sadd.s32 s15, s12;
	s15 =	smov.u32 s14;
	s14 =	sadd.s32 $0x4, s14  }
0x1d6: {  	s10 =	sld [smem:s28+$0x200];
	p0 =	sne.s32 s14, $0x800  }
.Ltmp10:
0x1d7: {  	(pc) =	sbr.rel @p0 .LBB2_14-.Ltmp10, $4  }
0x1d8: {  	_ = 	snop  }
0x1d9: {  	s28 =	sshra.s32 s15, $0x2;
	s15 =	simm.s32 $0x1;
	s10 =	sshrl.u32 s10, $0x7  }
0x1da: {  	p1 =	seq.s32 s10, s13;
	p2 =	sne.s32 s10, s13;
	s13 =	smov.u32 s10  }
0x1db: {  	s15 =	simm.s32 @!p2 $0x0;
	[smem:s12] =	sst @!p1 s10  }
0x1dc: {  	s10 =	sld [smem:s28+$0x200];
	_ =	sdelay $0x2  }
0x1dd: {  	s10 =	sshrl.u32 s10, $0x7  }
0x1de: {  	s14 =	simm.s32 $0x1;
	p0 =	sne.s32 s10, s13  }
0x1df: {  	s12 =	sadd.s32 s15, s12;
	s14 =	simm.s32 @!p0 $0x0  }
0x1e0: {  	p0 =	seq.s32 s10, s13;
	s28 =	sadd.s32 s14, s12  }
0x1e1: {  	[smem:s12] =	sst @!p0 s10;
	p1 =	slt.s32 s28, $0x1  }
0x1e2: {  	s10 =	sld @!p1 [smem:$0x0];
	_ =	sdelay $0x2  }
0x1e3: {  	s13 =	simm.s32 @!p1 $0x7A1400;
	s12 =	sshll.u32 @!p1 s10, $0x7  }
0x1e4: {  	s14 =	simm.s32 @!p1 $0x400;
	p0 =	seq.s32 @!p1 s28, $0x1;
	s12 =	sand.u32 @!p1 $0x1FFFFF80, s12  }
0x1e5: {  	p0 =	por p1, p0;
	s10 =	sshll.u32 @!p1 s10, $0x4;
	s12 =	sadd.s32 @!p1 s2, s12  }
0x1e6: {  	[tilespmem:s14], [sflag:$0x1] =	stream.strided.gather @!p1 [hbm4b:s12+s14], $0x2000, s13, s14, $0x38;
	[tilespmem:$0x1E780] =	vst v63  }
0x1e7: {  	s10 =	sand.u32 @!p1 $0x1FFFFFF0, s10;
	s12 =	sld @!p0 [smem:$0x1]  }
0x1e8: {  	s10 =	sadd.s32 @!p1 s4, s10;
	s13 =	simm.s32 @!p1 $0x0;
	s14 =	simm.s32 @!p1 $0xE400  }
0x1e9: {  	[tilespmem:s14], [sflag:$0x1] =	stream.linear.gather @!p1 [hbm4b:s10+s13], $0x80, $0x38;
	[tilespmem:$0x1E780] =	vst v63  }
0x1ea: {  	s10 =	sshll.u32 @!p0 s12, $0x7  }
0x1eb: {  	s15 =	simm.s32 @!p0 $0x2400;
	s13 =	simm.s32 @!p0 $0x400;
	s10 =	sand.u32 @!p0 $0x1FFFFF80, s10  }
0x1ec: {  	s14 =	simm.s32 @!p0 $0x7A1400;
	p1 =	slt.u32 @!p0 s28, $0x3;
	s10 =	sadd.s32 @!p0 s2, s10  }
0x1ed: {  	[tilespmem:s15], [sflag:$0x2] =	stream.strided.gather @!p0 [hbm4b:s10+s13], $0x2000, s14, s13, $0x38;
	[tilespmem:$0x1E780] =	vst v63  }
0x1ee: {  	p1 =	por p0, p1;
	s10 =	sshll.u32 @!p0 s12, $0x4  }
0x1ef: {  	s12 =	sld @!p1 [smem:$0x2];
	s10 =	sand.u32 @!p0 $0x1FFFFFF0, s10  }
0x1f0: {  	s13 =	simm.s32 @!p0 $0x0;
	s14 =	simm.s32 @!p0 $0xE480;
	s10 =	sadd.s32 @!p0 s4, s10  }
0x1f1: {  	[tilespmem:s14], [sflag:$0x2] =	stream.linear.gather @!p0 [hbm4b:s10+s13], $0x80, $0x38;
	[tilespmem:$0x1E780] =	vst v63  }
0x1f2: {  	s15 =	simm.s32 @!p1 $0x4400;
	s10 =	sshll.u32 @!p1 s12, $0x7  }
0x1f3: {  	s13 =	simm.s32 @!p1 $0x400;
	p0 =	seq.s32 @!p1 s28, $0x3;
	s10 =	sand.u32 @!p1 $0x1FFFFF80, s10  }
0x1f4: {  	s14 =	simm.s32 @!p1 $0x7A1400;
	p0 =	por p1, p0;
	s10 =	sadd.s32 @!p1 s2, s10  }
0x1f5: {  	[tilespmem:s15], [sflag:$0x3] =	stream.strided.gather @!p1 [hbm4b:s10+s13], $0x2000, s14, s13, $0x38;
	[tilespmem:$0x1E780] =	vst v63  }
.Ltmp11:
0x1f6: {  	_ = 	snop;
	(pc) =	sbr.rel @p0 .LBB2_17-.Ltmp11, $4  }
0x1f7: {  	s10 =	sshll.u32 @!p1 s12, $0x4  }
0x1f8: {  	s10 =	sand.u32 @!p1 $0x1FFFFFF0, s10  }
0x1f9: {  	s12 =	simm.s32 @!p1 $0x0;
	s13 =	simm.s32 @!p1 $0xE500;
	s10 =	sadd.s32 @!p1 s4, s10  }
0x1fa: {  	[tilespmem:s13], [sflag:$0x3] =	stream.linear.gather @!p1 [hbm4b:s10+s12], $0x80, $0x38;
	[tilespmem:$0x1E780] =	vst v63  }
0x1fb: {  	s10 =	sld [smem:$0x3];
	_ =	sdelay $0x2  }
0x1fc: {  	s14 =	simm.s32 $0x7A1400;
	s12 =	sshll.u32 s10, $0x7  }
0x1fd: {  	s13 =	simm.s32 $0x400;
	s15 =	simm.s32 $0x6400;
	s12 =	sand.u32 $0x1FFFFF80, s12  }
0x1fe: {  	p0 =	slt.u32 s28, $0x5;
	s10 =	sshll.u32 s10, $0x4;
	s12 =	sadd.s32 s2, s12  }
0x1ff: {  	[tilespmem:s15], [sflag:$0x4] =	stream.strided.gather [hbm4b:s12+s13], $0x2000, s14, s13, $0x38;
	[tilespmem:$0x1E780] =	vst v63  }
0x200: {  	s10 =	sand.u32 $0x1FFFFFF0, s10;
	s12 =	sld @!p0 [smem:$0x4]  }
0x201: {  	s31 =	simm.s32 $0xE580;
	s10 =	sadd.s32 s4, s10  }
0x202: {  	[tilespmem:s31], [sflag:$0x4] =	stream.linear.gather [hbm4b:s10+s5], $0x80, $0x38;
	[tilespmem:$0x1E780] =	vst v63  }
0x203: {  	s10 =	sshll.u32 @!p0 s12, $0x7  }
0x204: {  	p2 =	seq.s32 @!p0 s28, $0x5;
	s13 =	simm.s32 @!p0 $0x400;
	s10 =	sand.u32 @!p0 $0x1FFFFF80, s10  }
0x205: {  	s14 =	simm.s32 @!p0 $0x7A1400;
	s15 =	simm.s32 @!p0 $0x8400;
	s10 =	sadd.s32 @!p0 s2, s10  }
0x206: {  	[tilespmem:s15], [sflag:$0x5] =	stream.strided.gather @!p0 [hbm4b:s10+s13], $0x2000, s14, s13, $0x38;
	[tilespmem:$0x1E780] =	vst v63  }
0x207: {  	p1 =	por p2, p0;
	s10 =	sshll.u32 @!p0 s12, $0x4  }
0x208: {  	s12 =	sld @!p1 [smem:$0x5];
	s10 =	sand.u32 @!p0 $0x1FFFFFF0, s10  }
0x209: {  	s13 =	simm.s32 @!p0 $0x0;
	s14 =	simm.s32 @!p0 $0xE600;
	s10 =	sadd.s32 @!p0 s4, s10  }
0x20a: {  	[tilespmem:s14], [sflag:$0x5] =	stream.linear.gather @!p0 [hbm4b:s10+s13], $0x80, $0x38;
	[tilespmem:$0x1E780] =	vst v63  }
0x20b: {  	p3 =	slt.u32 @!p1 s28, $0x7;
	s10 =	sshll.u32 @!p1 s12, $0x7  }
0x20c: {  	p2 =	por @!p0 p3, p2;
	s15 =	simm.s32 @!p1 $0xA400;
	s10 =	sand.u32 @!p1 $0x1FFFFF80, s10  }
0x20d: {  	s13 =	simm.s32 @!p1 $0x400;
	s14 =	simm.s32 @!p1 $0x7A1400;
	s10 =	sadd.s32 @!p1 s2, s10  }
0x20e: {  	[tilespmem:s15], [sflag:$0x6] =	stream.strided.gather @!p1 [hbm4b:s10+s13], $0x2000, s14, s13, $0x38;
	[tilespmem:$0x1E780] =	vst v63  }
0x20f: {  	p0 =	por p2, p0;
	s10 =	sshll.u32 @!p1 s12, $0x4  }
0x210: {  	s12 =	sld @!p0 [smem:$0x6];
	s10 =	sand.u32 @!p1 $0x1FFFFFF0, s10  }
0x211: {  	s13 =	simm.s32 @!p1 $0x0;
	s14 =	simm.s32 @!p1 $0xE680;
	s10 =	sadd.s32 @!p1 s4, s10  }
0x212: {  	[tilespmem:s14], [sflag:$0x6] =	stream.linear.gather @!p1 [hbm4b:s10+s13], $0x80, $0x38;
	[tilespmem:$0x1E780] =	vst v63  }
0x213: {  	s10 =	sshll.u32 @!p0 s12, $0x7  }
0x214: {  	s15 =	simm.s32 @!p0 $0xC400;
	s10 =	sand.u32 @!p0 $0x1FFFFF80, s10  }
0x215: {  	s13 =	simm.s32 @!p0 $0x400;
	s14 =	simm.s32 @!p0 $0x7A1400;
	s10 =	sadd.s32 @!p0 s2, s10  }
0x216: {  	[tilespmem:s15], [sflag:$0x7] =	stream.strided.gather @!p0 [hbm4b:s10+s13], $0x2000, s14, s13, $0x38;
	[tilespmem:$0x1E780] =	vst v63  }
0x217: {  	s10 =	sshll.u32 @!p0 s12, $0x4  }
0x218: {  	s10 =	sand.u32 @!p0 $0x1FFFFFF0, s10  }
0x219: {  	s12 =	simm.s32 @!p0 $0x0;
	s13 =	simm.s32 @!p0 $0xE700;
	s10 =	sadd.s32 @!p0 s4, s10  }
0x21a: {  	[tilespmem:s13], [sflag:$0x7] =	stream.linear.gather @!p0 [hbm4b:s10+s12], $0x80, $0x38;
	[tilespmem:$0x1E780] =	vst v63  }
.LBB2_17:
.Ltmp12:
0x21b: {  	(pc) =	sbr.rel .LBB2_18-.Ltmp12, $3  }
0x21c: {  	_ =	sdelay $0x1  }
0x21d: {  	s29 =	simm.s32 $0xFFFFFFFF  }
0x21e: {  	s12 =	simm.s32 $0x0;
	s13 =	simm.s32 $0xE7A0;
	s30 =	simm.s32 $0xFFFFFFFF  }
.LBB2_20:
0x21f: {  	s10 =	sand.u32 $0x7F, s14  }
0x220: {  	v4 =	vor.u32 s10, v0;
	_ =	sdelay $0x1  }
0x221: {  	s21 =	sshll.u32 s15, $0xF  }
0x222: {  	s14 =	sshra.s32 s21, $0x2  }
0x223: {  	s14 =	sor.u32 $0x400, s14  }
0x224: {  	v4 =	vld.idx.msk [tilespmem:v4+s14+$0x0], $0xffff  }
0x225: {  	v5 =	vor.u32 s10, v1;
	_ =	sdelay $0x3  }
0x226: {  	[tilespmem:s13+$0xFFFFFFE0] =	vst v4  }
0x227: {  	v4 =	vld.idx.msk [tilespmem:v5+s14+$0x0], $0xffff  }
0x228: {  	v5 =	vor.u32 s10, v2;
	_ =	sdelay $0x3  }
0x229: {  	[tilespmem:s13+$0xFFFFFFF0] =	vst v4  }
0x22a: {  	v4 =	vld.idx.msk [tilespmem:v5+s14+$0x0], $0xffff  }
0x22b: {  	v5 =	vor.u32 s10, v3;
	_ =	sdelay $0x3  }
0x22c: {  	[tilespmem:s13+$0x0] =	vst v4  }
0x22d: {  	v4 =	vld.idx.msk [tilespmem:v5+s14+$0x0], $0xffff  }
0x22e: {  	v5 =	vmov s10;
	_ =	sdelay $0x2  }
0x22f: {  	s31 =	sshll.u32 s15, $0x9  }
0x230: {  	s12 =	sadd.s32 $0x4, s12;
	s10 =	sshra.s32 s31, $0x2;
	[tilespmem:s13+$0x10] =	vst v4  }
0x231: {  	p0 =	sne.s32 s12, $0x800;
	v4 =	vld.idx.msk [tilespmem:v5+s10+$0xE400], $0xffff  }
.Ltmp13:
0x232: {  	_ = 	snop;
	(pc) =	sbr.rel @!p0 .LBB2_21-.Ltmp13, $2  }
0x233: {  	_ =	sdelay $0x2  }
0x234: {  	[tilespmem:s13+$0x20] =	vst v4;
	s13 =	sadd.s32 $0x80, s13  }
.LBB2_18:
0x235: {  	s10 =	sshra.s32 s12, $0x2  }
0x236: {  	s14 =	sld [smem:s10+$0x200];
	_ =	sdelay $0x2  }
0x237: {  	s21 =	smov.u32 s29;
	s29 =	sshrl.u32 s14, $0x7  }
0x238: {  	p0 =	seq.s32 s12, $0x0;
	p1 =	sne.s32 s29, s21  }
0x239: {  	s10 =	simm.s32 $0x1;
	p0 =	por p0, p1  }
0x23a: {  	s10 =	simm.s32 @!p0 $0x0  }
0x23b: {  	s30 =	sadd.s32 s10, s30  }
0x23c: {  	s10 =	smulhi.u32 $0x92492493, s30;
	s15 =	sshra.s32 s30, $0x1F  }
0x23d: {  	s15 =	smul.u32 $0x92492493, s15  }
0x23e: {  	s10 =	ssub.s32 s10, s30  }
0x23f: {  	s10 =	sadd.s32 s15, s10  }
0x240: {  	s10 =	sadd.s32 s30, s10  }
0x241: {  	s31 =	sshrl.u32 s10, $0x1F;
	s10 =	sshra.s32 s10, $0x2  }
0x242: {  	s10 =	sadd.s32 s31, s10  }
0x243: {  	s10 =	smul.u32 $0x7, s10  }
.Ltmp14:
0x244: {  	_ = 	snop;
	(pc) =	sbr.rel @!p0 .LBB2_20-.Ltmp14, $4  }
0x245: {  	_ = 	snop  }
0x246: {  	s15 =	ssub.s32 s30, s10  }
0x247: {  	p1 =	slt.s32 s15, $0x0;
	s10 =	sadd.s32 $0x7, s15  }
0x248: {  	s15 =	smov.u32 @p1 s10  }
0x249: {  	p1 =	slt.s32 s30, $0x1;
	s10 =	sadd.s32 $0x6, s30  }
0x24a: {  	p2 =	sge.s32 @!p1 s10, s28  }
0x24b: {  	p0 =	por p2, p1  }
0x24c: {  	s16 =	smulhi.u32 @!p0 $0x92492493, s10;
	s17 =	sshra.s32 @!p0 s10, $0x1F  }
0x24d: {  	s17 =	smul.u32 @!p0 $0x92492493, s17  }
0x24e: {  	s16 =	ssub.s32 @!p0 s16, s10  }
0x24f: {  	s16 =	sadd.s32 @!p0 s17, s16  }
0x250: {  	s16 =	sadd.s32 @!p0 s10, s16  }
0x251: {  	s17 =	sshrl.u32 @!p0 s16, $0x1F;
	s16 =	sshra.s32 @!p0 s16, $0x2  }
0x252: {  	s16 =	sadd.s32 @!p0 s17, s16  }
0x253: {  	s16 =	smul.u32 @!p0 $0x7, s16;
	_ =	sdelay $0x1  }
0x254: {  	s16 =	ssub.s32 @!p0 s10, s16;
	s10 =	sld @!p0 [smem:s10+$0x0]  }
0x255: {  	p3 =	slt.s32 @!p0 s16, $0x0  }
0x256: {  	s21 =	simm.s32 @!p0 $0x400;
	s31 =	simm.s32 @!p0 $0x7A1400;
	p2 =	por @!p1 !p3, p2  }
0x257: {  	s17 =	sadd.s32 @!p0 $0x7, s16;
	p1 =	por !p2, p1;
	s18 =	sshll.u32 @!p0 s10, $0x7  }
0x258: {  	s10 =	sshll.u32 @!p0 s10, $0x4;
	s16 =	smov.u32 @p1 s17;
	s18 =	sand.u32 @!p0 $0x1FFFFF80, s18  }
0x259: {  	s10 =	sand.u32 @!p0 $0x1FFFFFF0, s10;
	s17 =	sshll.u32 @!p0 s16, $0xF;
	s19 =	sadd.s32 @!p0 $0x1, s16  }
0x25a: {  	s18 =	sadd.s32 @!p0 s2, s18;
	s16 =	sshll.u32 @!p0 s16, $0x9;
	s17 =	sshra.s32 @!p0 s17, $0x2  }
0x25b: {  	s10 =	sadd.s32 @!p0 s4, s10;
	s16 =	sshra.s32 @!p0 s16, $0x2;
	s17 =	sor.u32 @!p0 $0x400, s17  }
0x25c: {  	[tilespmem:s17], [sflag:s19] =	stream.strided.gather @!p0 [hbm4b:s18+s21], $0x2000, s31, s21, $0x38;
	[tilespmem:$0x1E780] =	vst v63  }
0x25d: {  	s16 =	sadd.s32 @!p0 $0xE400, s16;
	s17 =	simm.s32 @!p0 $0x0;
	s31 =	sadd.s32 $0x1, s15  }
0x25e: {  	[tilespmem:s16], [sflag:s19] =	stream.linear.gather @!p0 [hbm4b:s10+s17], $0x80, $0x38;
	[tilespmem:$0x1E780] =	vst v63  }
0x25f: {  	_ =	swait.ge [sflag:s31], $0x2000  }
.Ltmp15:
0x260: {  	[sflag:s31] =	ssyncset.done $0x0;
	(pc) =	sbr.rel .LBB2_20-.Ltmp15, $4  }
0x261: {  	[sflag:s31] =	ssyncadd.s32 $0xFFFFE000  }
0x262: {  	_ =	swait.ge [sflag:s31], $0x80  }
0x263: {  	[sflag:s31] =	ssyncset.done $0x0  }
0x264: {  	[sflag:s31] =	ssyncadd.s32 $0xFFFFFF80  }
.LBB2_22:
0x265: {  	_ =	sfence.sel $0x180000  }
0x266: {  	[bflag:$0x0] =	sbarrier.arrive $0xFFFF  }
0x267: {  	_ =	strace $0x90000047  }
0x268: {  	s0 =	stileid.u32;
	[bflag:$0x2] =	sbarrier.arrive $0xFFFF  }
0x269: {  	p0 =	sne.s32 s0, $0x0;
	s0 =	rddreg [dreg:$0x6]  }
0x26a: {  	s0 =	sadd.s32 @!p0 $0x100000, s0  }
0x26b: {  	[sflag:s0] =	ssyncadd.tile.s32 @!p0 $0x1;
	_ =	shalt  }
.Lfunc_end2:
_tile_overlayer_lowered:
.L_overlay_start_2:
0x26c: {  	(tag) =	ssettag $0x2  }
0x26d: {  	s0 =	rddreg [dreg:$0x0];
	s2 =	stileid.u32  }
0x26e: {  	s1 =	rddreg [dreg:$0x1];
	p0 =	sne.s32 s2, $0x0  }
0x26f: {  	s3 =	rddreg [dreg:$0x2];
	[bflag:$0x3] =	sbarrier.arrive $0xFFFF;
	s2 =	simm.s32 @!p0 $0x1C08  }
0x270: {  	[timem:s3], [sflag:s2] =	dma.local @!p0 [hbm:s0], s1  }
0x271: {  	s0 =	simm.s32 @!p0 $0x8  }
0x272: {  	_ =	swait.ge @!p0 [sflag:s0], s1  }
0x273: {  	s1 =	ssub.s32 @!p0 $0x0, s1;
	[sflag:s0] =	ssyncset.done @!p0 $0x0  }
0x274: {  	[sflag:s0] =	ssyncadd.s32 @!p0 s1  }
0x275: {  	[bflag:$0x3] =	sbarrier.arrive $0xFFFF  }
0x276: {  	_ =	shalt  }

</sc_bundles>
